<compile_context>
chip_gen: v7x
topology: tpu7x:2x2x1
jax: 0.10.2.dev20260603
libtpu: 0.0.44.dev20260713+nightly
codegen_flags: <defaults>
</compile_context>

<pallas_src>
import functools

import jax
import jax.numpy as jnp
from jax import lax
from jax.experimental import pallas as pl
from jax.experimental.pallas import tpu as pltpu
from jax.experimental.pallas import tpu_sc as plsc

_X_MIN = -100.0
_X_MAX = 100.0
_N = 50000
_INV_STEP = 1.0 / ((_X_MAX - _X_MIN) / (_N - 1))

_TAB_PAD = _N + 16
_NC = 2
_NS = 16
_NW = _NC * _NS
_ROWS = 8
_COLS = 2048


def kernel(x, y_table, slope):
    del slope
    d0, d1, d2 = x.shape
    chunks_per_row = d2 // _COLS
    n_chunks_total = (d0 * d1 // _ROWS) * chunks_per_row
    n_chunks = n_chunks_total // _NW
    mesh = plsc.VectorSubcoreMesh(core_axis_name="c", subcore_axis_name="s")

    @functools.partial(
        pl.kernel,
        out_type=jax.ShapeDtypeStruct((d0, d1, d2), jnp.float32),
        mesh=mesh,
        scratch_types=[
            pltpu.VMEM((_TAB_PAD,), jnp.float32),
            pltpu.VMEM((_ROWS, _COLS), jnp.float32),
            pltpu.VMEM((_ROWS, _COLS), jnp.float32),
            pltpu.VMEM((_ROWS, _COLS), jnp.float32),
            pltpu.VMEM((_ROWS, _COLS), jnp.float32),
            pltpu.SemaphoreType.DMA,
            pltpu.SemaphoreType.DMA,
            pltpu.SemaphoreType.DMA,
            pltpu.SemaphoreType.DMA,
        ],
        compiler_params=pltpu.CompilerParams(needs_layout_passes=False),
    )
    def run(x_hbm, tab_hbm, out_hbm, tab_v, in_a, in_b, out_a, out_b,
            isem_a, isem_b, osem_a, osem_b):
        wid = lax.axis_index("s") * _NC + lax.axis_index("c")
        pltpu.sync_copy(tab_hbm, tab_v.at[pl.ds(0, _N)])
        tab_v[pl.ds(_N, 16)] = jnp.zeros((16,), jnp.float32)

        rows_per_dev = d1 // _ROWS

        def src_slice(c):
            g = wid * n_chunks + c
            tile_row = g // chunks_per_row
            col0 = (g % chunks_per_row) * _COLS
            d = tile_row // rows_per_dev
            r0 = (tile_row % rows_per_dev) * _ROWS
            return d, r0, col0

        def start_in(c, ibuf, isem):
            d, r0, col0 = src_slice(c)
            pltpu.async_copy(
                x_hbm.at[d, pl.ds(r0, _ROWS), pl.ds(col0, _COLS)], ibuf, isem)

        n_tiles = _COLS // 128

        def compute(src, dst):
            @plsc.parallel_loop(0, _ROWS * n_tiles, step=1, unroll=2)
            def _(i):
                r = i // n_tiles
                c0 = (i % n_tiles) * 128
                for k in range(8):
                    xv = src[r, pl.ds(c0 + k * 16, 16)]
                    xc = jnp.minimum(jnp.maximum(xv, _X_MIN), _X_MAX)
                    idx_f = (xc - _X_MIN) * _INV_STEP
                    idx = idx_f.astype(jnp.int32)
                    frac = idx_f - idx.astype(jnp.float32)
                    y0 = plsc.load_gather(tab_v, [idx])
                    y1 = plsc.load_gather(tab_v, [idx + 1])
                    approx = y0 + frac * (y1 - y0)
                    dst[r, pl.ds(c0 + k * 16, 16)] = jnp.where(
                        xv > _X_MAX, xv, approx)

        bufs = ((in_a, out_a, isem_a, osem_a), (in_b, out_b, isem_b, osem_b))

        for b, (ibuf, _, isem, _) in enumerate(bufs):
            start_in(b, ibuf, isem)

        def ring_step(g, carry):
            for b, (ibuf, obuf, isem, osem) in enumerate(bufs):
                c = g * 2 + b
                d, r0, col0 = src_slice(c)
                dst_hbm = out_hbm.at[d, pl.ds(r0, _ROWS), pl.ds(col0, _COLS)]
                pltpu.make_async_copy(
                    x_hbm.at[d, pl.ds(r0, _ROWS), pl.ds(col0, _COLS)],
                    ibuf, isem).wait()

                @pl.when(c >= 2)
                def _():
                    pltpu.make_async_copy(obuf, dst_hbm, osem).wait()

                compute(ibuf, obuf)
                pltpu.async_copy(obuf, dst_hbm, osem)

                @pl.when(c + 2 < n_chunks)
                def _():
                    start_in(c + 2, ibuf, isem)
            return carry

        lax.fori_loop(0, n_chunks // 2, ring_step, 0)
        for b, (_, obuf, _, osem) in enumerate(bufs):
            c = n_chunks - 2 + b
            d, r0, col0 = src_slice(c)
            pltpu.make_async_copy(
                obuf, out_hbm.at[d, pl.ds(r0, _ROWS), pl.ds(col0, _COLS)],
                osem).wait()

    return run(x, y_table)

# --- scband reference (transcript-rebuilt; emitter-appended) ---
"""Pipeline reference for scband-cached-gelu-8847632630418 (READ-ONLY COPY).

The authoritative reference and input builder live on the scoring server;
editing this copy changes nothing except your own understanding.
"""

import jax, jax.numpy as jnp
import numpy as np

X_MIN = -100.0
X_MAX = 100.0
N = 50000


def _build_tables():
    x_table = jnp.linspace(X_MIN, X_MAX, N, dtype=jnp.float32)
    y_table = 0.5 * x_table * (1.0 + jax.scipy.special.erf(x_table / jnp.sqrt(jnp.float32(2.0))))
    slope = jnp.diff(y_table, append=y_table[-1:])
    return y_table, slope


def setup_inputs(seed: int = 0) -> dict:
    key = jax.random.key(seed)
    x = jax.random.normal(key, (2, 4096, 4096), dtype=jnp.float32)
    y_table, slope = _build_tables()
    return {"x": x, "y_table": y_table, "slope": slope}


def reference(x, y_table, slope):
    step = (X_MAX - X_MIN) / (N - 1)
    inv_step = 1.0 / step
    x_clamped = jnp.clip(x, X_MIN, X_MAX)
    idx_f = (x_clamped - X_MIN) * inv_step
    idx = jnp.clip(idx_f.astype(jnp.int32), 0, N - 1)
    frac = idx_f - idx.astype(jnp.float32)
    y_val = jnp.take(y_table, idx)
    m_val = jnp.take(slope, idx)
    approx = y_val + frac * m_val
    gelu_exact = 0.5 * x * (1.0 + jax.scipy.special.erf(x / jnp.sqrt(jnp.float32(2.0))))
    return jnp.where((x < X_MIN) | (x > X_MAX), gelu_exact, approx)

if __name__ == "__main__":
    import jax
    _d = setup_inputs()
    print(jax.jit(kernel)(*tuple(_d.values())))

</pallas_src>

<mosaic_0001>
#map = affine_map<(d0, d1) -> (0, 0, 0)>
#map1 = affine_map<(d0, d1) -> (0)>
module attributes {stable_mosaic.version = 14 : i64} {
  func.func @run(%arg0: i32, %arg1: i32, %arg2: memref<2x4096x4096xf32, #tpu.memory_space<hbm>>, %arg3: memref<50000xf32, #tpu.memory_space<hbm>>, %arg4: memref<2x4096x4096xf32, #tpu.memory_space<hbm>>, %arg5: memref<50016xf32, #tpu.memory_space<vmem>>, %arg6: memref<8x2048xf32, #tpu.memory_space<vmem>>, %arg7: memref<8x2048xf32, #tpu.memory_space<vmem>>, %arg8: memref<8x2048xf32, #tpu.memory_space<vmem>>, %arg9: memref<8x2048xf32, #tpu.memory_space<vmem>>, %arg10: memref<!tpu.dma_semaphore, #tpu.memory_space<semaphore_mem>>, %arg11: memref<!tpu.dma_semaphore, #tpu.memory_space<semaphore_mem>>, %arg12: memref<!tpu.dma_semaphore, #tpu.memory_space<semaphore_mem>>, %arg13: memref<!tpu.dma_semaphore, #tpu.memory_space<semaphore_mem>>) attributes {dimension_semantics = [#tpu.dimension_semantics<core_parallel>, #tpu.dimension_semantics<subcore_parallel>], iteration_bounds = array<i64: 2, 16>, scalar_prefetch = 0 : i64, scratch_operands = 9 : i64, tpu.core_type = #tpu.core_type<sc_vector_subcore>, window_params = [{transform_indices = #map}, {transform_indices = #map1}, {transform_indices = #map}]} {
    %mul3A = arith.constant 2 : i32
    %mul3A_0 = arith.muli %arg1, %mul3A : i32
    %add3A = arith.addi %mul3A_0, %arg0 : i32
    "tpu.region"() ({
      %run_scoped3A = tpu.sem_alloc : memref<!tpu.dma_semaphore, #tpu.memory_space<semaphore_mem>>
      %dma_start3A_364 = arith.constant 0 : i32
      %dma_start3A_365 = tpu.memref_slice %arg5[%dma_start3A_364] : memref<50016xf32, #tpu.memory_space<vmem>> -> memref<50000xf32, #tpu.memory_space<vmem>>
      %dma_start3A_366 = arith.constant 0 : i32
      %dma_start3A_367 = tpu.memref_slice %arg5[%dma_start3A_366] : memref<50016xf32, #tpu.memory_space<vmem>> -> memref<50000xf32, #tpu.memory_space<vmem>>
      tpu.enqueue_dma source(%arg3 : memref<50000xf32, #tpu.memory_space<hbm>>) target(%dma_start3A_367 : memref<50000xf32, #tpu.memory_space<vmem>>) target_semaphore(%run_scoped3A : memref<!tpu.dma_semaphore, #tpu.memory_space<semaphore_mem>>)
      %dma_wait3A_368 = arith.constant 0 : i32
      %dma_wait3A_369 = tpu.memref_slice %arg5[%dma_wait3A_368] : memref<50016xf32, #tpu.memory_space<vmem>> -> memref<50000xf32, #tpu.memory_space<vmem>>
      %dma_wait3A_370 = arith.constant 0 : i32
      %dma_wait3A_371 = tpu.memref_slice %arg5[%dma_wait3A_370] : memref<50016xf32, #tpu.memory_space<vmem>> -> memref<50000xf32, #tpu.memory_space<vmem>>
      tpu.wait_dma2 semaphore(%run_scoped3A : memref<!tpu.dma_semaphore, #tpu.memory_space<semaphore_mem>>) src(%arg3 : memref<50000xf32, #tpu.memory_space<hbm>>) dst(%dma_wait3A_371 : memref<50000xf32, #tpu.memory_space<vmem>>)
      tpu.yield
    }) : () -> ()
    %broadcast_in_dim3A = arith.constant 0.000000e+00 : f32
    %broadcast_in_dim3A_1 = vector.broadcast %broadcast_in_dim3A : f32 to vector<16xf32>
    %swap3A = arith.constant 50000 : index
    %swap3A_2 = tpu.vector_load %arg5[%swap3A] {strides = array<i32>} : memref<50016xf32, #tpu.memory_space<vmem>>, vector<16xf32>,
    tpu.vector_store %arg5[%swap3A], %broadcast_in_dim3A_1 {strides = array<i32>} : memref<50016xf32, #tpu.memory_space<vmem>>, vector<16xf32>,
    %mul3A_3 = arith.constant 64 : i32
    %mul3A_4 = arith.muli %add3A, %mul3A_3 : i32
    %add3A_5 = arith.constant 0 : i32
    %add3A_6 = arith.addi %mul3A_4, %add3A_5 : i32
    %jit3A = arith.constant 2 : i32
    %div3A = arith.divsi %add3A_6, %jit3A : i32
    %sign3A = arith.constant 0 : i32
    %sign3A_7 = arith.cmpi sgt, %add3A_6, %sign3A : i32
    %sign3A_8 = arith.extui %sign3A_7 : i1 to i32
    %sign3A_9 = arith.constant 0 : i32
    %sign3A_10 = arith.cmpi slt, %add3A_6, %sign3A_9 : i32
    %sign3A_11 = arith.extui %sign3A_10 : i1 to i32
    %sign3A_12 = arith.subi %sign3A_8, %sign3A_11 : i32
    %sign3A_13 = arith.constant 0 : i32
    %sign3A_14 = arith.cmpi sgt, %jit3A, %sign3A_13 : i32
    %sign3A_15 = arith.extui %sign3A_14 : i1 to i32
    %sign3A_16 = arith.constant 0 : i32
    %sign3A_17 = arith.cmpi slt, %jit3A, %sign3A_16 : i32
    %sign3A_18 = arith.extui %sign3A_17 : i1 to i32
    %sign3A_19 = arith.subi %sign3A_15, %sign3A_18 : i32
    %ne3A = arith.cmpi ne, %sign3A_12, %sign3A_19 : i32
    %rem3A = arith.remsi %add3A_6, %jit3A : i32
    %ne3A_20 = arith.constant 0 : i32
    %ne3A_21 = arith.cmpi ne, %rem3A, %ne3A_20 : i32
    %and3A = arith.andi %ne3A, %ne3A_21 : i1
    %sub3A = arith.constant 1 : i32
    %sub3A_22 = arith.subi %div3A, %sub3A : i32
    %select_n3A = arith.select %and3A, %sub3A_22, %div3A : i32
    %jit3A_23 = arith.constant 2 : i32
    %eq3A = arith.constant 0 : i32
    %eq3A_24 = arith.cmpi eq, %jit3A_23, %eq3A : i32
    %jit3A_25 = arith.constant 1 : i32
    %select_n3A_26 = arith.select %eq3A_24, %jit3A_25, %jit3A_23 : i32
    %rem3A_27 = arith.remsi %add3A_6, %select_n3A_26 : i32
    %ne3A_28 = arith.constant 0 : i32
    %ne3A_29 = arith.cmpi ne, %rem3A_27, %ne3A_28 : i32
    %lt3A = arith.constant 0 : i32
    %lt3A_30 = arith.cmpi slt, %rem3A_27, %lt3A : i32
    %lt3A_31 = arith.constant 0 : i32
    %lt3A_32 = arith.cmpi slt, %select_n3A_26, %lt3A_31 : i32
    %ne3A_33 = arith.xori %lt3A_30, %lt3A_32 : i1
    %and3A_34 = arith.andi %ne3A_33, %ne3A_29 : i1
    %add3A_35 = arith.addi %rem3A_27, %select_n3A_26 : i32
    %select_n3A_36 = arith.select %and3A_34, %add3A_35, %rem3A_27 : i32
    %mul3A_37 = arith.constant 2048 : i32
    %mul3A_38 = arith.muli %select_n3A_36, %mul3A_37 : i32
    %jit3A_39 = arith.constant 512 : i32
    %div3A_40 = arith.divsi %select_n3A, %jit3A_39 : i32
    %sign3A_41 = arith.constant 0 : i32
    %sign3A_42 = arith.cmpi sgt, %select_n3A, %sign3A_41 : i32
    %sign3A_43 = arith.extui %sign3A_42 : i1 to i32
    %sign3A_44 = arith.constant 0 : i32
    %sign3A_45 = arith.cmpi slt, %select_n3A, %sign3A_44 : i32
    %sign3A_46 = arith.extui %sign3A_45 : i1 to i32
    %sign3A_47 = arith.subi %sign3A_43, %sign3A_46 : i32
    %sign3A_48 = arith.constant 0 : i32
    %sign3A_49 = arith.cmpi sgt, %jit3A_39, %sign3A_48 : i32
    %sign3A_50 = arith.extui %sign3A_49 : i1 to i32
    %sign3A_51 = arith.constant 0 : i32
    %sign3A_52 = arith.cmpi slt, %jit3A_39, %sign3A_51 : i32
    %sign3A_53 = arith.extui %sign3A_52 : i1 to i32
    %sign3A_54 = arith.subi %sign3A_50, %sign3A_53 : i32
    %ne3A_55 = arith.cmpi ne, %sign3A_47, %sign3A_54 : i32
    %rem3A_56 = arith.remsi %select_n3A, %jit3A_39 : i32
    %ne3A_57 = arith.constant 0 : i32
    %ne3A_58 = arith.cmpi ne, %rem3A_56, %ne3A_57 : i32
    %and3A_59 = arith.andi %ne3A_55, %ne3A_58 : i1
    %sub3A_60 = arith.constant 1 : i32
    %sub3A_61 = arith.subi %div3A_40, %sub3A_60 : i32
    %select_n3A_62 = arith.select %and3A_59, %sub3A_61, %div3A_40 : i32
    %jit3A_63 = arith.constant 512 : i32
    %eq3A_64 = arith.constant 0 : i32
    %eq3A_65 = arith.cmpi eq, %jit3A_63, %eq3A_64 : i32
    %jit3A_66 = arith.constant 1 : i32
    %select_n3A_67 = arith.select %eq3A_65, %jit3A_66, %jit3A_63 : i32
    %rem3A_68 = arith.remsi %select_n3A, %select_n3A_67 : i32
    %ne3A_69 = arith.constant 0 : i32
    %ne3A_70 = arith.cmpi ne, %rem3A_68, %ne3A_69 : i32
    %lt3A_71 = arith.constant 0 : i32
    %lt3A_72 = arith.cmpi slt, %rem3A_68, %lt3A_71 : i32
    %lt3A_73 = arith.constant 0 : i32
    %lt3A_74 = arith.cmpi slt, %select_n3A_67, %lt3A_73 : i32
    %ne3A_75 = arith.xori %lt3A_72, %lt3A_74 : i1
    %and3A_76 = arith.andi %ne3A_75, %ne3A_70 : i1
    %add3A_77 = arith.addi %rem3A_68, %select_n3A_67 : i32
    %select_n3A_78 = arith.select %and3A_76, %add3A_77, %rem3A_68 : i32
    %mul3A_79 = arith.constant 8 : i32
    %mul3A_80 = arith.muli %select_n3A_78, %mul3A_79 : i32
    %dma_start3A = tpu.memref_slice %arg2[%select_n3A_62, %mul3A_80, %mul3A_38] : memref<2x4096x4096xf32, #tpu.memory_space<hbm>> -> memref<1x8x2048xf32, #tpu.memory_space<hbm>>
    %dma_start3A_81 = tpu.memref_squeeze %dma_start3A : memref<1x8x2048xf32, #tpu.memory_space<hbm>> -> memref<8x2048xf32, #tpu.memory_space<hbm>>
    %dma_start3A_82 = tpu.memref_slice %arg2[%select_n3A_62, %mul3A_80, %mul3A_38] : memref<2x4096x4096xf32, #tpu.memory_space<hbm>> -> memref<1x8x2048xf32, #tpu.memory_space<hbm>>
    %dma_start3A_83 = tpu.memref_squeeze %dma_start3A_82 : memref<1x8x2048xf32, #tpu.memory_space<hbm>> -> memref<8x2048xf32, #tpu.memory_space<hbm>>
    tpu.enqueue_dma source(%dma_start3A_83 : memref<8x2048xf32, #tpu.memory_space<hbm>>) target(%arg6 : memref<8x2048xf32, #tpu.memory_space<vmem>>) target_semaphore(%arg10 : memref<!tpu.dma_semaphore, #tpu.memory_space<semaphore_mem>>)
    %mul3A_84 = arith.constant 64 : i32
    %mul3A_85 = arith.muli %add3A, %mul3A_84 : i32
    %add3A_86 = arith.constant 1 : i32
    %add3A_87 = arith.addi %mul3A_85, %add3A_86 : i32
    %jit3A_88 = arith.constant 2 : i32
    %div3A_89 = arith.divsi %add3A_87, %jit3A_88 : i32
    %sign3A_90 = arith.constant 0 : i32
    %sign3A_91 = arith.cmpi sgt, %add3A_87, %sign3A_90 : i32
    %sign3A_92 = arith.extui %sign3A_91 : i1 to i32
    %sign3A_93 = arith.constant 0 : i32
    %sign3A_94 = arith.cmpi slt, %add3A_87, %sign3A_93 : i32
    %sign3A_95 = arith.extui %sign3A_94 : i1 to i32
    %sign3A_96 = arith.subi %sign3A_92, %sign3A_95 : i32
    %sign3A_97 = arith.constant 0 : i32
    %sign3A_98 = arith.cmpi sgt, %jit3A_88, %sign3A_97 : i32
    %sign3A_99 = arith.extui %sign3A_98 : i1 to i32
    %sign3A_100 = arith.constant 0 : i32
    %sign3A_101 = arith.cmpi slt, %jit3A_88, %sign3A_100 : i32
    %sign3A_102 = arith.extui %sign3A_101 : i1 to i32
    %sign3A_103 = arith.subi %sign3A_99, %sign3A_102 : i32
    %ne3A_104 = arith.cmpi ne, %sign3A_96, %sign3A_103 : i32
    %rem3A_105 = arith.remsi %add3A_87, %jit3A_88 : i32
    %ne3A_106 = arith.constant 0 : i32
    %ne3A_107 = arith.cmpi ne, %rem3A_105, %ne3A_106 : i32
    %and3A_108 = arith.andi %ne3A_104, %ne3A_107 : i1
    %sub3A_109 = arith.constant 1 : i32
    %sub3A_110 = arith.subi %div3A_89, %sub3A_109 : i32
    %select_n3A_111 = arith.select %and3A_108, %sub3A_110, %div3A_89 : i32
    %jit3A_112 = arith.constant 2 : i32
    %eq3A_113 = arith.constant 0 : i32
    %eq3A_114 = arith.cmpi eq, %jit3A_112, %eq3A_113 : i32
    %jit3A_115 = arith.constant 1 : i32
    %select_n3A_116 = arith.select %eq3A_114, %jit3A_115, %jit3A_112 : i32
    %rem3A_117 = arith.remsi %add3A_87, %select_n3A_116 : i32
    %ne3A_118 = arith.constant 0 : i32
    %ne3A_119 = arith.cmpi ne, %rem3A_117, %ne3A_118 : i32
    %lt3A_120 = arith.constant 0 : i32
    %lt3A_121 = arith.cmpi slt, %rem3A_117, %lt3A_120 : i32
    %lt3A_122 = arith.constant 0 : i32
    %lt3A_123 = arith.cmpi slt, %select_n3A_116, %lt3A_122 : i32
    %ne3A_124 = arith.xori %lt3A_121, %lt3A_123 : i1
    %and3A_125 = arith.andi %ne3A_124, %ne3A_119 : i1
    %add3A_126 = arith.addi %rem3A_117, %select_n3A_116 : i32
    %select_n3A_127 = arith.select %and3A_125, %add3A_126, %rem3A_117 : i32
    %mul3A_128 = arith.constant 2048 : i32
    %mul3A_129 = arith.muli %select_n3A_127, %mul3A_128 : i32
    %jit3A_130 = arith.constant 512 : i32
    %div3A_131 = arith.divsi %select_n3A_111, %jit3A_130 : i32
    %sign3A_132 = arith.constant 0 : i32
    %sign3A_133 = arith.cmpi sgt, %select_n3A_111, %sign3A_132 : i32
    %sign3A_134 = arith.extui %sign3A_133 : i1 to i32
    %sign3A_135 = arith.constant 0 : i32
    %sign3A_136 = arith.cmpi slt, %select_n3A_111, %sign3A_135 : i32
    %sign3A_137 = arith.extui %sign3A_136 : i1 to i32
    %sign3A_138 = arith.subi %sign3A_134, %sign3A_137 : i32
    %sign3A_139 = arith.constant 0 : i32
    %sign3A_140 = arith.cmpi sgt, %jit3A_130, %sign3A_139 : i32
    %sign3A_141 = arith.extui %sign3A_140 : i1 to i32
    %sign3A_142 = arith.constant 0 : i32
    %sign3A_143 = arith.cmpi slt, %jit3A_130, %sign3A_142 : i32
    %sign3A_144 = arith.extui %sign3A_143 : i1 to i32
    %sign3A_145 = arith.subi %sign3A_141, %sign3A_144 : i32
    %ne3A_146 = arith.cmpi ne, %sign3A_138, %sign3A_145 : i32
    %rem3A_147 = arith.remsi %select_n3A_111, %jit3A_130 : i32
    %ne3A_148 = arith.constant 0 : i32
    %ne3A_149 = arith.cmpi ne, %rem3A_147, %ne3A_148 : i32
    %and3A_150 = arith.andi %ne3A_146, %ne3A_149 : i1
    %sub3A_151 = arith.constant 1 : i32
    %sub3A_152 = arith.subi %div3A_131, %sub3A_151 : i32
    %select_n3A_153 = arith.select %and3A_150, %sub3A_152, %div3A_131 : i32
    %jit3A_154 = arith.constant 512 : i32
    %eq3A_155 = arith.constant 0 : i32
    %eq3A_156 = arith.cmpi eq, %jit3A_154, %eq3A_155 : i32
    %jit3A_157 = arith.constant 1 : i32
    %select_n3A_158 = arith.select %eq3A_156, %jit3A_157, %jit3A_154 : i32
    %rem3A_159 = arith.remsi %select_n3A_111, %select_n3A_158 : i32
    %ne3A_160 = arith.constant 0 : i32
    %ne3A_161 = arith.cmpi ne, %rem3A_159, %ne3A_160 : i32
    %lt3A_162 = arith.constant 0 : i32
    %lt3A_163 = arith.cmpi slt, %rem3A_159, %lt3A_162 : i32
    %lt3A_164 = arith.constant 0 : i32
    %lt3A_165 = arith.cmpi slt, %select_n3A_158, %lt3A_164 : i32
    %ne3A_166 = arith.xori %lt3A_163, %lt3A_165 : i1
    %and3A_167 = arith.andi %ne3A_166, %ne3A_161 : i1
    %add3A_168 = arith.addi %rem3A_159, %select_n3A_158 : i32
    %select_n3A_169 = arith.select %and3A_167, %add3A_168, %rem3A_159 : i32
    %mul3A_170 = arith.constant 8 : i32
    %mul3A_171 = arith.muli %select_n3A_169, %mul3A_170 : i32
    %dma_start3A_172 = tpu.memref_slice %arg2[%select_n3A_153, %mul3A_171, %mul3A_129] : memref<2x4096x4096xf32, #tpu.memory_space<hbm>> -> memref<1x8x2048xf32, #tpu.memory_space<hbm>>
    %dma_start3A_173 = tpu.memref_squeeze %dma_start3A_172 : memref<1x8x2048xf32, #tpu.memory_space<hbm>> -> memref<8x2048xf32, #tpu.memory_space<hbm>>
    %dma_start3A_174 = tpu.memref_slice %arg2[%select_n3A_153, %mul3A_171, %mul3A_129] : memref<2x4096x4096xf32, #tpu.memory_space<hbm>> -> memref<1x8x2048xf32, #tpu.memory_space<hbm>>
    %dma_start3A_175 = tpu.memref_squeeze %dma_start3A_174 : memref<1x8x2048xf32, #tpu.memory_space<hbm>> -> memref<8x2048xf32, #tpu.memory_space<hbm>>
    tpu.enqueue_dma source(%dma_start3A_175 : memref<8x2048xf32, #tpu.memory_space<hbm>>) target(%arg7 : memref<8x2048xf32, #tpu.memory_space<vmem>>) target_semaphore(%arg11 : memref<!tpu.dma_semaphore, #tpu.memory_space<semaphore_mem>>)
    %scan3A = arith.constant 0 : i32
    %scan3A_176 = arith.constant 0 : i32
    %scan3A_177 = arith.constant 32 : i32
    %scan3A_178 = arith.addi %scan3A_176, %scan3A_177 : i32
    %scan3A_179 = arith.constant 1 : i32
    scf.for %scan3A_364 = %scan3A_176 to %scan3A_178 step %scan3A_179  : i32 {
      %mul3A_365 = arith.constant 2 : i32
      %mul3A_366 = arith.muli %scan3A_364, %mul3A_365 : i32
      %add3A_367 = arith.constant 0 : i32
      %add3A_368 = arith.addi %mul3A_366, %add3A_367 : i32
      %mul3A_369 = arith.constant 64 : i32
      %mul3A_370 = arith.muli %add3A, %mul3A_369 : i32
      %add3A_371 = arith.addi %mul3A_370, %add3A_368 : i32
      %jit3A_372 = arith.constant 2 : i32
      %div3A_373 = arith.divsi %add3A_371, %jit3A_372 : i32
      %sign3A_374 = arith.constant 0 : i32
      %sign3A_375 = arith.cmpi sgt, %add3A_371, %sign3A_374 : i32
      %sign3A_376 = arith.extui %sign3A_375 : i1 to i32
      %sign3A_377 = arith.constant 0 : i32
      %sign3A_378 = arith.cmpi slt, %add3A_371, %sign3A_377 : i32
      %sign3A_379 = arith.extui %sign3A_378 : i1 to i32
      %sign3A_380 = arith.subi %sign3A_376, %sign3A_379 : i32
      %sign3A_381 = arith.constant 0 : i32
      %sign3A_382 = arith.cmpi sgt, %jit3A_372, %sign3A_381 : i32
      %sign3A_383 = arith.extui %sign3A_382 : i1 to i32
      %sign3A_384 = arith.constant 0 : i32
      %sign3A_385 = arith.cmpi slt, %jit3A_372, %sign3A_384 : i32
      %sign3A_386 = arith.extui %sign3A_385 : i1 to i32
      %sign3A_387 = arith.subi %sign3A_383, %sign3A_386 : i32
      %ne3A_388 = arith.cmpi ne, %sign3A_380, %sign3A_387 : i32
      %rem3A_389 = arith.remsi %add3A_371, %jit3A_372 : i32
      %ne3A_390 = arith.constant 0 : i32
      %ne3A_391 = arith.cmpi ne, %rem3A_389, %ne3A_390 : i32
      %and3A_392 = arith.andi %ne3A_388, %ne3A_391 : i1
      %sub3A_393 = arith.constant 1 : i32
      %sub3A_394 = arith.subi %div3A_373, %sub3A_393 : i32
      %select_n3A_395 = arith.select %and3A_392, %sub3A_394, %div3A_373 : i32
      %jit3A_396 = arith.constant 2 : i32
      %eq3A_397 = arith.constant 0 : i32
      %eq3A_398 = arith.cmpi eq, %jit3A_396, %eq3A_397 : i32
      %jit3A_399 = arith.constant 1 : i32
      %select_n3A_400 = arith.select %eq3A_398, %jit3A_399, %jit3A_396 : i32
      %rem3A_401 = arith.remsi %add3A_371, %select_n3A_400 : i32
      %ne3A_402 = arith.constant 0 : i32
      %ne3A_403 = arith.cmpi ne, %rem3A_401, %ne3A_402 : i32
      %lt3A_404 = arith.constant 0 : i32
      %lt3A_405 = arith.cmpi slt, %rem3A_401, %lt3A_404 : i32
      %lt3A_406 = arith.constant 0 : i32
      %lt3A_407 = arith.cmpi slt, %select_n3A_400, %lt3A_406 : i32
      %ne3A_408 = arith.xori %lt3A_405, %lt3A_407 : i1
      %and3A_409 = arith.andi %ne3A_408, %ne3A_403 : i1
      %add3A_410 = arith.addi %rem3A_401, %select_n3A_400 : i32
      %select_n3A_411 = arith.select %and3A_409, %add3A_410, %rem3A_401 : i32
      %mul3A_412 = arith.constant 2048 : i32
      %mul3A_413 = arith.muli %select_n3A_411, %mul3A_412 : i32
      %jit3A_414 = arith.constant 512 : i32
      %div3A_415 = arith.divsi %select_n3A_395, %jit3A_414 : i32
      %sign3A_416 = arith.constant 0 : i32
      %sign3A_417 = arith.cmpi sgt, %select_n3A_395, %sign3A_416 : i32
      %sign3A_418 = arith.extui %sign3A_417 : i1 to i32
      %sign3A_419 = arith.constant 0 : i32
      %sign3A_420 = arith.cmpi slt, %select_n3A_395, %sign3A_419 : i32
      %sign3A_421 = arith.extui %sign3A_420 : i1 to i32
      %sign3A_422 = arith.subi %sign3A_418, %sign3A_421 : i32
      %sign3A_423 = arith.constant 0 : i32
      %sign3A_424 = arith.cmpi sgt, %jit3A_414, %sign3A_423 : i32
      %sign3A_425 = arith.extui %sign3A_424 : i1 to i32
      %sign3A_426 = arith.constant 0 : i32
      %sign3A_427 = arith.cmpi slt, %jit3A_414, %sign3A_426 : i32
      %sign3A_428 = arith.extui %sign3A_427 : i1 to i32
      %sign3A_429 = arith.subi %sign3A_425, %sign3A_428 : i32
      %ne3A_430 = arith.cmpi ne, %sign3A_422, %sign3A_429 : i32
      %rem3A_431 = arith.remsi %select_n3A_395, %jit3A_414 : i32
      %ne3A_432 = arith.constant 0 : i32
      %ne3A_433 = arith.cmpi ne, %rem3A_431, %ne3A_432 : i32
      %and3A_434 = arith.andi %ne3A_430, %ne3A_433 : i1
      %sub3A_435 = arith.constant 1 : i32
      %sub3A_436 = arith.subi %div3A_415, %sub3A_435 : i32
      %select_n3A_437 = arith.select %and3A_434, %sub3A_436, %div3A_415 : i32
      %jit3A_438 = arith.constant 512 : i32
      %eq3A_439 = arith.constant 0 : i32
      %eq3A_440 = arith.cmpi eq, %jit3A_438, %eq3A_439 : i32
      %jit3A_441 = arith.constant 1 : i32
      %select_n3A_442 = arith.select %eq3A_440, %jit3A_441, %jit3A_438 : i32
      %rem3A_443 = arith.remsi %select_n3A_395, %select_n3A_442 : i32
      %ne3A_444 = arith.constant 0 : i32
      %ne3A_445 = arith.cmpi ne, %rem3A_443, %ne3A_444 : i32
      %lt3A_446 = arith.constant 0 : i32
      %lt3A_447 = arith.cmpi slt, %rem3A_443, %lt3A_446 : i32
      %lt3A_448 = arith.constant 0 : i32
      %lt3A_449 = arith.cmpi slt, %select_n3A_442, %lt3A_448 : i32
      %ne3A_450 = arith.xori %lt3A_447, %lt3A_449 : i1
      %and3A_451 = arith.andi %ne3A_450, %ne3A_445 : i1
      %add3A_452 = arith.addi %rem3A_443, %select_n3A_442 : i32
      %select_n3A_453 = arith.select %and3A_451, %add3A_452, %rem3A_443 : i32
      %mul3A_454 = arith.constant 8 : i32
      %mul3A_455 = arith.muli %select_n3A_453, %mul3A_454 : i32
      %dma_wait3A_456 = tpu.memref_slice %arg2[%select_n3A_437, %mul3A_455, %mul3A_413] : memref<2x4096x4096xf32, #tpu.memory_space<hbm>> -> memref<1x8x2048xf32, #tpu.memory_space<hbm>>
      %dma_wait3A_457 = tpu.memref_squeeze %dma_wait3A_456 : memref<1x8x2048xf32, #tpu.memory_space<hbm>> -> memref<8x2048xf32, #tpu.memory_space<hbm>>
      %dma_wait3A_458 = tpu.memref_slice %arg2[%select_n3A_437, %mul3A_455, %mul3A_413] : memref<2x4096x4096xf32, #tpu.memory_space<hbm>> -> memref<1x8x2048xf32, #tpu.memory_space<hbm>>
      %dma_wait3A_459 = tpu.memref_squeeze %dma_wait3A_458 : memref<1x8x2048xf32, #tpu.memory_space<hbm>> -> memref<8x2048xf32, #tpu.memory_space<hbm>>
      tpu.wait_dma2 semaphore(%arg10 : memref<!tpu.dma_semaphore, #tpu.memory_space<semaphore_mem>>) src(%dma_wait3A_459 : memref<8x2048xf32, #tpu.memory_space<hbm>>) dst(%arg6 : memref<8x2048xf32, #tpu.memory_space<vmem>>)
      %ge3A = arith.constant 2 : i32
      %ge3A_460 = arith.cmpi sge, %add3A_368, %ge3A : i32
      %convert_element_type3A = arith.extui %ge3A_460 : i1 to i32
      %cond3A = arith.constant 0 : i32
      %cond3A_461 = arith.cmpi ne, %convert_element_type3A, %cond3A : i32
      scf.if %cond3A_461 {
        %dma_wait3A_589 = tpu.memref_slice %arg4[%select_n3A_437, %mul3A_455, %mul3A_413] : memref<2x4096x4096xf32, #tpu.memory_space<hbm>> -> memref<1x8x2048xf32, #tpu.memory_space<hbm>>
        %dma_wait3A_590 = tpu.memref_squeeze %dma_wait3A_589 : memref<1x8x2048xf32, #tpu.memory_space<hbm>> -> memref<8x2048xf32, #tpu.memory_space<hbm>>
        %dma_wait3A_591 = tpu.memref_slice %arg4[%select_n3A_437, %mul3A_455, %mul3A_413] : memref<2x4096x4096xf32, #tpu.memory_space<hbm>> -> memref<1x8x2048xf32, #tpu.memory_space<hbm>>
        %dma_wait3A_592 = tpu.memref_squeeze %dma_wait3A_591 : memref<1x8x2048xf32, #tpu.memory_space<hbm>> -> memref<8x2048xf32, #tpu.memory_space<hbm>>
        tpu.wait_dma2 semaphore(%arg12 : memref<!tpu.dma_semaphore, #tpu.memory_space<semaphore_mem>>) src(%arg8 : memref<8x2048xf32, #tpu.memory_space<vmem>>) dst(%dma_wait3A_592 : memref<8x2048xf32, #tpu.memory_space<hbm>>)
      } else {
      }
      %parallel_loop3A = arith.constant 0 : i32
      %parallel_loop3A_462 = arith.constant 128 : i32
      %parallel_loop3A_463 = arith.constant 1 : i32
      scf.for %parallel_loop3A_589 = %parallel_loop3A to %parallel_loop3A_462 step %parallel_loop3A_463  : i32 {
        %parallel_loop3A_590 = arith.constant 16 : i32
        %parallel_loop3A_591 = arith.divsi %parallel_loop3A_589, %parallel_loop3A_590 : i32
        %parallel_loop3A_592 = arith.constant 0 : i32
        %parallel_loop3A_593 = arith.cmpi sgt, %parallel_loop3A_589, %parallel_loop3A_592 : i32
        %parallel_loop3A_594 = arith.extui %parallel_loop3A_593 : i1 to i32
        %parallel_loop3A_595 = arith.constant 0 : i32
        %parallel_loop3A_596 = arith.cmpi slt, %parallel_loop3A_589, %parallel_loop3A_595 : i32
        %parallel_loop3A_597 = arith.extui %parallel_loop3A_596 : i1 to i32
        %parallel_loop3A_598 = arith.subi %parallel_loop3A_594, %parallel_loop3A_597 : i32
        %parallel_loop3A_599 = arith.constant 0 : i32
        %parallel_loop3A_600 = arith.cmpi sgt, %parallel_loop3A_590, %parallel_loop3A_599 : i32
        %parallel_loop3A_601 = arith.extui %parallel_loop3A_600 : i1 to i32
        %parallel_loop3A_602 = arith.constant 0 : i32
        %parallel_loop3A_603 = arith.cmpi slt, %parallel_loop3A_590, %parallel_loop3A_602 : i32
        %parallel_loop3A_604 = arith.extui %parallel_loop3A_603 : i1 to i32
        %parallel_loop3A_605 = arith.subi %parallel_loop3A_601, %parallel_loop3A_604 : i32
        %parallel_loop3A_606 = arith.cmpi ne, %parallel_loop3A_598, %parallel_loop3A_605 : i32
        %parallel_loop3A_607 = arith.remsi %parallel_loop3A_589, %parallel_loop3A_590 : i32
        %parallel_loop3A_608 = arith.constant 0 : i32
        %parallel_loop3A_609 = arith.cmpi ne, %parallel_loop3A_607, %parallel_loop3A_608 : i32
        %parallel_loop3A_610 = arith.andi %parallel_loop3A_606, %parallel_loop3A_609 : i1
        %parallel_loop3A_611 = arith.constant 1 : i32
        %parallel_loop3A_612 = arith.subi %parallel_loop3A_591, %parallel_loop3A_611 : i32
        %parallel_loop3A_613 = arith.select %parallel_loop3A_610, %parallel_loop3A_612, %parallel_loop3A_591 : i32
        %parallel_loop3A_614 = arith.constant 16 : i32
        %parallel_loop3A_615 = arith.constant 0 : i32
        %parallel_loop3A_616 = arith.cmpi eq, %parallel_loop3A_614, %parallel_loop3A_615 : i32
        %parallel_loop3A_617 = arith.constant 1 : i32
        %parallel_loop3A_618 = arith.select %parallel_loop3A_616, %parallel_loop3A_617, %parallel_loop3A_614 : i32
        %parallel_loop3A_619 = arith.remsi %parallel_loop3A_589, %parallel_loop3A_618 : i32
        %parallel_loop3A_620 = arith.constant 0 : i32
        %parallel_loop3A_621 = arith.cmpi ne, %parallel_loop3A_619, %parallel_loop3A_620 : i32
        %parallel_loop3A_622 = arith.constant 0 : i32
        %parallel_loop3A_623 = arith.cmpi slt, %parallel_loop3A_619, %parallel_loop3A_622 : i32
        %parallel_loop3A_624 = arith.constant 0 : i32
        %parallel_loop3A_625 = arith.cmpi slt, %parallel_loop3A_618, %parallel_loop3A_624 : i32
        %parallel_loop3A_626 = arith.xori %parallel_loop3A_623, %parallel_loop3A_625 : i1
        %parallel_loop3A_627 = arith.andi %parallel_loop3A_626, %parallel_loop3A_621 : i1
        %parallel_loop3A_628 = arith.addi %parallel_loop3A_619, %parallel_loop3A_618 : i32
        %parallel_loop3A_629 = arith.select %parallel_loop3A_627, %parallel_loop3A_628, %parallel_loop3A_619 : i32
        %parallel_loop3A_630 = arith.constant 128 : i32
        %parallel_loop3A_631 = arith.muli %parallel_loop3A_629, %parallel_loop3A_630 : i32
        %parallel_loop3A_632 = arith.constant 0 : i32
        %parallel_loop3A_633 = arith.addi %parallel_loop3A_631, %parallel_loop3A_632 : i32
        %parallel_loop3A_634 = arith.index_cast %parallel_loop3A_613 : i32 to index
        %parallel_loop3A_635 = arith.index_cast %parallel_loop3A_633 : i32 to index
        %parallel_loop3A_636 = tpu.vector_load %arg6[%parallel_loop3A_634, %parallel_loop3A_635] {strides = array<i32>} : memref<8x2048xf32, #tpu.memory_space<vmem>>, vector<16xf32>,
        %parallel_loop3A_637 = arith.constant -1.000000e+02 : f32
        %parallel_loop3A_638 = vector.broadcast %parallel_loop3A_637 : f32 to vector<16xf32>
        %parallel_loop3A_639 = arith.maximumf %parallel_loop3A_636, %parallel_loop3A_638 : vector<16xf32>
        %parallel_loop3A_640 = arith.constant 1.000000e+02 : f32
        %parallel_loop3A_641 = vector.broadcast %parallel_loop3A_640 : f32 to vector<16xf32>
        %parallel_loop3A_642 = arith.minimumf %parallel_loop3A_639, %parallel_loop3A_641 : vector<16xf32>
        %parallel_loop3A_643 = arith.constant -1.000000e+02 : f32
        %parallel_loop3A_644 = vector.broadcast %parallel_loop3A_643 : f32 to vector<16xf32>
        %parallel_loop3A_645 = arith.subf %parallel_loop3A_642, %parallel_loop3A_644 : vector<16xf32>
        %parallel_loop3A_646 = arith.constant 2.499950e+02 : f32
        %parallel_loop3A_647 = vector.broadcast %parallel_loop3A_646 : f32 to vector<16xf32>
        %parallel_loop3A_648 = arith.mulf %parallel_loop3A_645, %parallel_loop3A_647 : vector<16xf32>
        %parallel_loop3A_649 = arith.fptosi %parallel_loop3A_648 : vector<16xf32> to vector<16xi32>
        %parallel_loop3A_650 = arith.sitofp %parallel_loop3A_649 : vector<16xi32> to vector<16xf32>
        %parallel_loop3A_651 = arith.subf %parallel_loop3A_648, %parallel_loop3A_650 : vector<16xf32>
        %parallel_loop3A_652 = tpu.vector_load_idx %arg5[%parallel_loop3A_649] : memref<50016xf32, #tpu.memory_space<vmem>>[vector<16xi32>], vector<16xf32>,
        %parallel_loop3A_653 = arith.constant 1 : i32
        %parallel_loop3A_654 = vector.broadcast %parallel_loop3A_653 : i32 to vector<16xi32>
        %parallel_loop3A_655 = arith.addi %parallel_loop3A_649, %parallel_loop3A_654 : vector<16xi32>
        %parallel_loop3A_656 = tpu.vector_load_idx %arg5[%parallel_loop3A_655] : memref<50016xf32, #tpu.memory_space<vmem>>[vector<16xi32>], vector<16xf32>,
        %parallel_loop3A_657 = arith.subf %parallel_loop3A_656, %parallel_loop3A_652 : vector<16xf32>
        %parallel_loop3A_658 = arith.mulf %parallel_loop3A_651, %parallel_loop3A_657 : vector<16xf32>
        %parallel_loop3A_659 = arith.addf %parallel_loop3A_652, %parallel_loop3A_658 : vector<16xf32>
        %parallel_loop3A_660 = arith.constant 1.000000e+02 : f32
        %parallel_loop3A_661 = vector.broadcast %parallel_loop3A_660 : f32 to vector<16xf32>
        %parallel_loop3A_662 = arith.cmpf ogt, %parallel_loop3A_636, %parallel_loop3A_661 : vector<16xf32>
        %parallel_loop3A_663 = arith.select %parallel_loop3A_662, %parallel_loop3A_636, %parallel_loop3A_659 : vector<16xi1>, vector<16xf32>
        %parallel_loop3A_664 = arith.constant 0 : i32
        %parallel_loop3A_665 = arith.addi %parallel_loop3A_631, %parallel_loop3A_664 : i32
        %parallel_loop3A_666 = arith.index_cast %parallel_loop3A_613 : i32 to index
        %parallel_loop3A_667 = arith.index_cast %parallel_loop3A_665 : i32 to index
        %parallel_loop3A_668 = tpu.vector_load %arg8[%parallel_loop3A_666, %parallel_loop3A_667] {strides = array<i32>} : memref<8x2048xf32, #tpu.memory_space<vmem>>, vector<16xf32>,
        tpu.vector_store %arg8[%parallel_loop3A_666, %parallel_loop3A_667], %parallel_loop3A_663 {strides = array<i32>} : memref<8x2048xf32, #tpu.memory_space<vmem>>, vector<16xf32>,
        %parallel_loop3A_669 = arith.constant 16 : i32
        %parallel_loop3A_670 = arith.addi %parallel_loop3A_631, %parallel_loop3A_669 : i32
        %parallel_loop3A_671 = arith.index_cast %parallel_loop3A_613 : i32 to index
        %parallel_loop3A_672 = arith.index_cast %parallel_loop3A_670 : i32 to index
        %parallel_loop3A_673 = tpu.vector_load %arg6[%parallel_loop3A_671, %parallel_loop3A_672] {strides = array<i32>} : memref<8x2048xf32, #tpu.memory_space<vmem>>, vector<16xf32>,
        %parallel_loop3A_674 = arith.constant -1.000000e+02 : f32
        %parallel_loop3A_675 = vector.broadcast %parallel_loop3A_674 : f32 to vector<16xf32>
        %parallel_loop3A_676 = arith.maximumf %parallel_loop3A_673, %parallel_loop3A_675 : vector<16xf32>
        %parallel_loop3A_677 = arith.constant 1.000000e+02 : f32
        %parallel_loop3A_678 = vector.broadcast %parallel_loop3A_677 : f32 to vector<16xf32>
        %parallel_loop3A_679 = arith.minimumf %parallel_loop3A_676, %parallel_loop3A_678 : vector<16xf32>
        %parallel_loop3A_680 = arith.constant -1.000000e+02 : f32
        %parallel_loop3A_681 = vector.broadcast %parallel_loop3A_680 : f32 to vector<16xf32>
        %parallel_loop3A_682 = arith.subf %parallel_loop3A_679, %parallel_loop3A_681 : vector<16xf32>
        %parallel_loop3A_683 = arith.constant 2.499950e+02 : f32
        %parallel_loop3A_684 = vector.broadcast %parallel_loop3A_683 : f32 to vector<16xf32>
        %parallel_loop3A_685 = arith.mulf %parallel_loop3A_682, %parallel_loop3A_684 : vector<16xf32>
        %parallel_loop3A_686 = arith.fptosi %parallel_loop3A_685 : vector<16xf32> to vector<16xi32>
        %parallel_loop3A_687 = arith.sitofp %parallel_loop3A_686 : vector<16xi32> to vector<16xf32>
        %parallel_loop3A_688 = arith.subf %parallel_loop3A_685, %parallel_loop3A_687 : vector<16xf32>
        %parallel_loop3A_689 = tpu.vector_load_idx %arg5[%parallel_loop3A_686] : memref<50016xf32, #tpu.memory_space<vmem>>[vector<16xi32>], vector<16xf32>,
        %parallel_loop3A_690 = arith.constant 1 : i32
        %parallel_loop3A_691 = vector.broadcast %parallel_loop3A_690 : i32 to vector<16xi32>
        %parallel_loop3A_692 = arith.addi %parallel_loop3A_686, %parallel_loop3A_691 : vector<16xi32>
        %parallel_loop3A_693 = tpu.vector_load_idx %arg5[%parallel_loop3A_692] : memref<50016xf32, #tpu.memory_space<vmem>>[vector<16xi32>], vector<16xf32>,
        %parallel_loop3A_694 = arith.subf %parallel_loop3A_693, %parallel_loop3A_689 : vector<16xf32>
        %parallel_loop3A_695 = arith.mulf %parallel_loop3A_688, %parallel_loop3A_694 : vector<16xf32>
        %parallel_loop3A_696 = arith.addf %parallel_loop3A_689, %parallel_loop3A_695 : vector<16xf32>
        %parallel_loop3A_697 = arith.constant 1.000000e+02 : f32
        %parallel_loop3A_698 = vector.broadcast %parallel_loop3A_697 : f32 to vector<16xf32>
        %parallel_loop3A_699 = arith.cmpf ogt, %parallel_loop3A_673, %parallel_loop3A_698 : vector<16xf32>
        %parallel_loop3A_700 = arith.select %parallel_loop3A_699, %parallel_loop3A_673, %parallel_loop3A_696 : vector<16xi1>, vector<16xf32>
        %parallel_loop3A_701 = arith.constant 16 : i32
        %parallel_loop3A_702 = arith.addi %parallel_loop3A_631, %parallel_loop3A_701 : i32
        %parallel_loop3A_703 = arith.index_cast %parallel_loop3A_613 : i32 to index
        %parallel_loop3A_704 = arith.index_cast %parallel_loop3A_702 : i32 to index
        %parallel_loop3A_705 = tpu.vector_load %arg8[%parallel_loop3A_703, %parallel_loop3A_704] {strides = array<i32>} : memref<8x2048xf32, #tpu.memory_space<vmem>>, vector<16xf32>,
        tpu.vector_store %arg8[%parallel_loop3A_703, %parallel_loop3A_704], %parallel_loop3A_700 {strides = array<i32>} : memref<8x2048xf32, #tpu.memory_space<vmem>>, vector<16xf32>,
        %parallel_loop3A_706 = arith.constant 32 : i32
        %parallel_loop3A_707 = arith.addi %parallel_loop3A_631, %parallel_loop3A_706 : i32
        %parallel_loop3A_708 = arith.index_cast %parallel_loop3A_613 : i32 to index
        %parallel_loop3A_709 = arith.index_cast %parallel_loop3A_707 : i32 to index
        %parallel_loop3A_710 = tpu.vector_load %arg6[%parallel_loop3A_708, %parallel_loop3A_709] {strides = array<i32>} : memref<8x2048xf32, #tpu.memory_space<vmem>>, vector<16xf32>,
        %parallel_loop3A_711 = arith.constant -1.000000e+02 : f32
        %parallel_loop3A_712 = vector.broadcast %parallel_loop3A_711 : f32 to vector<16xf32>
        %parallel_loop3A_713 = arith.maximumf %parallel_loop3A_710, %parallel_loop3A_712 : vector<16xf32>
        %parallel_loop3A_714 = arith.constant 1.000000e+02 : f32
        %parallel_loop3A_715 = vector.broadcast %parallel_loop3A_714 : f32 to vector<16xf32>
        %parallel_loop3A_716 = arith.minimumf %parallel_loop3A_713, %parallel_loop3A_715 : vector<16xf32>
        %parallel_loop3A_717 = arith.constant -1.000000e+02 : f32
        %parallel_loop3A_718 = vector.broadcast %parallel_loop3A_717 : f32 to vector<16xf32>
        %parallel_loop3A_719 = arith.subf %parallel_loop3A_716, %parallel_loop3A_718 : vector<16xf32>
        %parallel_loop3A_720 = arith.constant 2.499950e+02 : f32
        %parallel_loop3A_721 = vector.broadcast %parallel_loop3A_720 : f32 to vector<16xf32>
        %parallel_loop3A_722 = arith.mulf %parallel_loop3A_719, %parallel_loop3A_721 : vector<16xf32>
        %parallel_loop3A_723 = arith.fptosi %parallel_loop3A_722 : vector<16xf32> to vector<16xi32>
        %parallel_loop3A_724 = arith.sitofp %parallel_loop3A_723 : vector<16xi32> to vector<16xf32>
        %parallel_loop3A_725 = arith.subf %parallel_loop3A_722, %parallel_loop3A_724 : vector<16xf32>
        %parallel_loop3A_726 = tpu.vector_load_idx %arg5[%parallel_loop3A_723] : memref<50016xf32, #tpu.memory_space<vmem>>[vector<16xi32>], vector<16xf32>,
        %parallel_loop3A_727 = arith.constant 1 : i32
        %parallel_loop3A_728 = vector.broadcast %parallel_loop3A_727 : i32 to vector<16xi32>
        %parallel_loop3A_729 = arith.addi %parallel_loop3A_723, %parallel_loop3A_728 : vector<16xi32>
        %parallel_loop3A_730 = tpu.vector_load_idx %arg5[%parallel_loop3A_729] : memref<50016xf32, #tpu.memory_space<vmem>>[vector<16xi32>], vector<16xf32>,
        %parallel_loop3A_731 = arith.subf %parallel_loop3A_730, %parallel_loop3A_726 : vector<16xf32>
        %parallel_loop3A_732 = arith.mulf %parallel_loop3A_725, %parallel_loop3A_731 : vector<16xf32>
        %parallel_loop3A_733 = arith.addf %parallel_loop3A_726, %parallel_loop3A_732 : vector<16xf32>
        %parallel_loop3A_734 = arith.constant 1.000000e+02 : f32
        %parallel_loop3A_735 = vector.broadcast %parallel_loop3A_734 : f32 to vector<16xf32>
        %parallel_loop3A_736 = arith.cmpf ogt, %parallel_loop3A_710, %parallel_loop3A_735 : vector<16xf32>
        %parallel_loop3A_737 = arith.select %parallel_loop3A_736, %parallel_loop3A_710, %parallel_loop3A_733 : vector<16xi1>, vector<16xf32>
        %parallel_loop3A_738 = arith.constant 32 : i32
        %parallel_loop3A_739 = arith.addi %parallel_loop3A_631, %parallel_loop3A_738 : i32
        %parallel_loop3A_740 = arith.index_cast %parallel_loop3A_613 : i32 to index
        %parallel_loop3A_741 = arith.index_cast %parallel_loop3A_739 : i32 to index
        %parallel_loop3A_742 = tpu.vector_load %arg8[%parallel_loop3A_740, %parallel_loop3A_741] {strides = array<i32>} : memref<8x2048xf32, #tpu.memory_space<vmem>>, vector<16xf32>,
        tpu.vector_store %arg8[%parallel_loop3A_740, %parallel_loop3A_741], %parallel_loop3A_737 {strides = array<i32>} : memref<8x2048xf32, #tpu.memory_space<vmem>>, vector<16xf32>,
        %parallel_loop3A_743 = arith.constant 48 : i32
        %parallel_loop3A_744 = arith.addi %parallel_loop3A_631, %parallel_loop3A_743 : i32
        %parallel_loop3A_745 = arith.index_cast %parallel_loop3A_613 : i32 to index
        %parallel_loop3A_746 = arith.index_cast %parallel_loop3A_744 : i32 to index
        %parallel_loop3A_747 = tpu.vector_load %arg6[%parallel_loop3A_745, %parallel_loop3A_746] {strides = array<i32>} : memref<8x2048xf32, #tpu.memory_space<vmem>>, vector<16xf32>,
        %parallel_loop3A_748 = arith.constant -1.000000e+02 : f32
        %parallel_loop3A_749 = vector.broadcast %parallel_loop3A_748 : f32 to vector<16xf32>
        %parallel_loop3A_750 = arith.maximumf %parallel_loop3A_747, %parallel_loop3A_749 : vector<16xf32>
        %parallel_loop3A_751 = arith.constant 1.000000e+02 : f32
        %parallel_loop3A_752 = vector.broadcast %parallel_loop3A_751 : f32 to vector<16xf32>
        %parallel_loop3A_753 = arith.minimumf %parallel_loop3A_750, %parallel_loop3A_752 : vector<16xf32>
        %parallel_loop3A_754 = arith.constant -1.000000e+02 : f32
        %parallel_loop3A_755 = vector.broadcast %parallel_loop3A_754 : f32 to vector<16xf32>
        %parallel_loop3A_756 = arith.subf %parallel_loop3A_753, %parallel_loop3A_755 : vector<16xf32>
        %parallel_loop3A_757 = arith.constant 2.499950e+02 : f32
        %parallel_loop3A_758 = vector.broadcast %parallel_loop3A_757 : f32 to vector<16xf32>
        %parallel_loop3A_759 = arith.mulf %parallel_loop3A_756, %parallel_loop3A_758 : vector<16xf32>
        %parallel_loop3A_760 = arith.fptosi %parallel_loop3A_759 : vector<16xf32> to vector<16xi32>
        %parallel_loop3A_761 = arith.sitofp %parallel_loop3A_760 : vector<16xi32> to vector<16xf32>
        %parallel_loop3A_762 = arith.subf %parallel_loop3A_759, %parallel_loop3A_761 : vector<16xf32>
        %parallel_loop3A_763 = tpu.vector_load_idx %arg5[%parallel_loop3A_760] : memref<50016xf32, #tpu.memory_space<vmem>>[vector<16xi32>], vector<16xf32>,
        %parallel_loop3A_764 = arith.constant 1 : i32
        %parallel_loop3A_765 = vector.broadcast %parallel_loop3A_764 : i32 to vector<16xi32>
        %parallel_loop3A_766 = arith.addi %parallel_loop3A_760, %parallel_loop3A_765 : vector<16xi32>
        %parallel_loop3A_767 = tpu.vector_load_idx %arg5[%parallel_loop3A_766] : memref<50016xf32, #tpu.memory_space<vmem>>[vector<16xi32>], vector<16xf32>,
        %parallel_loop3A_768 = arith.subf %parallel_loop3A_767, %parallel_loop3A_763 : vector<16xf32>
        %parallel_loop3A_769 = arith.mulf %parallel_loop3A_762, %parallel_loop3A_768 : vector<16xf32>
        %parallel_loop3A_770 = arith.addf %parallel_loop3A_763, %parallel_loop3A_769 : vector<16xf32>
        %parallel_loop3A_771 = arith.constant 1.000000e+02 : f32
        %parallel_loop3A_772 = vector.broadcast %parallel_loop3A_771 : f32 to vector<16xf32>
        %parallel_loop3A_773 = arith.cmpf ogt, %parallel_loop3A_747, %parallel_loop3A_772 : vector<16xf32>
        %parallel_loop3A_774 = arith.select %parallel_loop3A_773, %parallel_loop3A_747, %parallel_loop3A_770 : vector<16xi1>, vector<16xf32>
        %parallel_loop3A_775 = arith.constant 48 : i32
        %parallel_loop3A_776 = arith.addi %parallel_loop3A_631, %parallel_loop3A_775 : i32
        %parallel_loop3A_777 = arith.index_cast %parallel_loop3A_613 : i32 to index
        %parallel_loop3A_778 = arith.index_cast %parallel_loop3A_776 : i32 to index
        %parallel_loop3A_779 = tpu.vector_load %arg8[%parallel_loop3A_777, %parallel_loop3A_778] {strides = array<i32>} : memref<8x2048xf32, #tpu.memory_space<vmem>>, vector<16xf32>,
        tpu.vector_store %arg8[%parallel_loop3A_777, %parallel_loop3A_778], %parallel_loop3A_774 {strides = array<i32>} : memref<8x2048xf32, #tpu.memory_space<vmem>>, vector<16xf32>,
        %parallel_loop3A_780 = arith.constant 64 : i32
        %parallel_loop3A_781 = arith.addi %parallel_loop3A_631, %parallel_loop3A_780 : i32
        %parallel_loop3A_782 = arith.index_cast %parallel_loop3A_613 : i32 to index
        %parallel_loop3A_783 = arith.index_cast %parallel_loop3A_781 : i32 to index
        %parallel_loop3A_784 = tpu.vector_load %arg6[%parallel_loop3A_782, %parallel_loop3A_783] {strides = array<i32>} : memref<8x2048xf32, #tpu.memory_space<vmem>>, vector<16xf32>,
        %parallel_loop3A_785 = arith.constant -1.000000e+02 : f32
        %parallel_loop3A_786 = vector.broadcast %parallel_loop3A_785 : f32 to vector<16xf32>
        %parallel_loop3A_787 = arith.maximumf %parallel_loop3A_784, %parallel_loop3A_786 : vector<16xf32>
        %parallel_loop3A_788 = arith.constant 1.000000e+02 : f32
        %parallel_loop3A_789 = vector.broadcast %parallel_loop3A_788 : f32 to vector<16xf32>
        %parallel_loop3A_790 = arith.minimumf %parallel_loop3A_787, %parallel_loop3A_789 : vector<16xf32>
        %parallel_loop3A_791 = arith.constant -1.000000e+02 : f32
        %parallel_loop3A_792 = vector.broadcast %parallel_loop3A_791 : f32 to vector<16xf32>
        %parallel_loop3A_793 = arith.subf %parallel_loop3A_790, %parallel_loop3A_792 : vector<16xf32>
        %parallel_loop3A_794 = arith.constant 2.499950e+02 : f32
        %parallel_loop3A_795 = vector.broadcast %parallel_loop3A_794 : f32 to vector<16xf32>
        %parallel_loop3A_796 = arith.mulf %parallel_loop3A_793, %parallel_loop3A_795 : vector<16xf32>
        %parallel_loop3A_797 = arith.fptosi %parallel_loop3A_796 : vector<16xf32> to vector<16xi32>
        %parallel_loop3A_798 = arith.sitofp %parallel_loop3A_797 : vector<16xi32> to vector<16xf32>
        %parallel_loop3A_799 = arith.subf %parallel_loop3A_796, %parallel_loop3A_798 : vector<16xf32>
        %parallel_loop3A_800 = tpu.vector_load_idx %arg5[%parallel_loop3A_797] : memref<50016xf32, #tpu.memory_space<vmem>>[vector<16xi32>], vector<16xf32>,
        %parallel_loop3A_801 = arith.constant 1 : i32
        %parallel_loop3A_802 = vector.broadcast %parallel_loop3A_801 : i32 to vector<16xi32>
        %parallel_loop3A_803 = arith.addi %parallel_loop3A_797, %parallel_loop3A_802 : vector<16xi32>
        %parallel_loop3A_804 = tpu.vector_load_idx %arg5[%parallel_loop3A_803] : memref<50016xf32, #tpu.memory_space<vmem>>[vector<16xi32>], vector<16xf32>,
        %parallel_loop3A_805 = arith.subf %parallel_loop3A_804, %parallel_loop3A_800 : vector<16xf32>
        %parallel_loop3A_806 = arith.mulf %parallel_loop3A_799, %parallel_loop3A_805 : vector<16xf32>
        %parallel_loop3A_807 = arith.addf %parallel_loop3A_800, %parallel_loop3A_806 : vector<16xf32>
        %parallel_loop3A_808 = arith.constant 1.000000e+02 : f32
        %parallel_loop3A_809 = vector.broadcast %parallel_loop3A_808 : f32 to vector<16xf32>
        %parallel_loop3A_810 = arith.cmpf ogt, %parallel_loop3A_784, %parallel_loop3A_809 : vector<16xf32>
        %parallel_loop3A_811 = arith.select %parallel_loop3A_810, %parallel_loop3A_784, %parallel_loop3A_807 : vector<16xi1>, vector<16xf32>
        %parallel_loop3A_812 = arith.constant 64 : i32
        %parallel_loop3A_813 = arith.addi %parallel_loop3A_631, %parallel_loop3A_812 : i32
        %parallel_loop3A_814 = arith.index_cast %parallel_loop3A_613 : i32 to index
        %parallel_loop3A_815 = arith.index_cast %parallel_loop3A_813 : i32 to index
        %parallel_loop3A_816 = tpu.vector_load %arg8[%parallel_loop3A_814, %parallel_loop3A_815] {strides = array<i32>} : memref<8x2048xf32, #tpu.memory_space<vmem>>, vector<16xf32>,
        tpu.vector_store %arg8[%parallel_loop3A_814, %parallel_loop3A_815], %parallel_loop3A_811 {strides = array<i32>} : memref<8x2048xf32, #tpu.memory_space<vmem>>, vector<16xf32>,
        %parallel_loop3A_817 = arith.constant 80 : i32
        %parallel_loop3A_818 = arith.addi %parallel_loop3A_631, %parallel_loop3A_817 : i32
        %parallel_loop3A_819 = arith.index_cast %parallel_loop3A_613 : i32 to index
        %parallel_loop3A_820 = arith.index_cast %parallel_loop3A_818 : i32 to index
        %parallel_loop3A_821 = tpu.vector_load %arg6[%parallel_loop3A_819, %parallel_loop3A_820] {strides = array<i32>} : memref<8x2048xf32, #tpu.memory_space<vmem>>, vector<16xf32>,
        %parallel_loop3A_822 = arith.constant -1.000000e+02 : f32
        %parallel_loop3A_823 = vector.broadcast %parallel_loop3A_822 : f32 to vector<16xf32>
        %parallel_loop3A_824 = arith.maximumf %parallel_loop3A_821, %parallel_loop3A_823 : vector<16xf32>
        %parallel_loop3A_825 = arith.constant 1.000000e+02 : f32
        %parallel_loop3A_826 = vector.broadcast %parallel_loop3A_825 : f32 to vector<16xf32>
        %parallel_loop3A_827 = arith.minimumf %parallel_loop3A_824, %parallel_loop3A_826 : vector<16xf32>
        %parallel_loop3A_828 = arith.constant -1.000000e+02 : f32
        %parallel_loop3A_829 = vector.broadcast %parallel_loop3A_828 : f32 to vector<16xf32>
        %parallel_loop3A_830 = arith.subf %parallel_loop3A_827, %parallel_loop3A_829 : vector<16xf32>
        %parallel_loop3A_831 = arith.constant 2.499950e+02 : f32
        %parallel_loop3A_832 = vector.broadcast %parallel_loop3A_831 : f32 to vector<16xf32>
        %parallel_loop3A_833 = arith.mulf %parallel_loop3A_830, %parallel_loop3A_832 : vector<16xf32>
        %parallel_loop3A_834 = arith.fptosi %parallel_loop3A_833 : vector<16xf32> to vector<16xi32>
        %parallel_loop3A_835 = arith.sitofp %parallel_loop3A_834 : vector<16xi32> to vector<16xf32>
        %parallel_loop3A_836 = arith.subf %parallel_loop3A_833, %parallel_loop3A_835 : vector<16xf32>
        %parallel_loop3A_837 = tpu.vector_load_idx %arg5[%parallel_loop3A_834] : memref<50016xf32, #tpu.memory_space<vmem>>[vector<16xi32>], vector<16xf32>,
        %parallel_loop3A_838 = arith.constant 1 : i32
        %parallel_loop3A_839 = vector.broadcast %parallel_loop3A_838 : i32 to vector<16xi32>
        %parallel_loop3A_840 = arith.addi %parallel_loop3A_834, %parallel_loop3A_839 : vector<16xi32>
        %parallel_loop3A_841 = tpu.vector_load_idx %arg5[%parallel_loop3A_840] : memref<50016xf32, #tpu.memory_space<vmem>>[vector<16xi32>], vector<16xf32>,
        %parallel_loop3A_842 = arith.subf %parallel_loop3A_841, %parallel_loop3A_837 : vector<16xf32>
        %parallel_loop3A_843 = arith.mulf %parallel_loop3A_836, %parallel_loop3A_842 : vector<16xf32>
        %parallel_loop3A_844 = arith.addf %parallel_loop3A_837, %parallel_loop3A_843 : vector<16xf32>
        %parallel_loop3A_845 = arith.constant 1.000000e+02 : f32
        %parallel_loop3A_846 = vector.broadcast %parallel_loop3A_845 : f32 to vector<16xf32>
        %parallel_loop3A_847 = arith.cmpf ogt, %parallel_loop3A_821, %parallel_loop3A_846 : vector<16xf32>
        %parallel_loop3A_848 = arith.select %parallel_loop3A_847, %parallel_loop3A_821, %parallel_loop3A_844 : vector<16xi1>, vector<16xf32>
        %parallel_loop3A_849 = arith.constant 80 : i32
        %parallel_loop3A_850 = arith.addi %parallel_loop3A_631, %parallel_loop3A_849 : i32
        %parallel_loop3A_851 = arith.index_cast %parallel_loop3A_613 : i32 to index
        %parallel_loop3A_852 = arith.index_cast %parallel_loop3A_850 : i32 to index
        %parallel_loop3A_853 = tpu.vector_load %arg8[%parallel_loop3A_851, %parallel_loop3A_852] {strides = array<i32>} : memref<8x2048xf32, #tpu.memory_space<vmem>>, vector<16xf32>,
        tpu.vector_store %arg8[%parallel_loop3A_851, %parallel_loop3A_852], %parallel_loop3A_848 {strides = array<i32>} : memref<8x2048xf32, #tpu.memory_space<vmem>>, vector<16xf32>,
        %parallel_loop3A_854 = arith.constant 96 : i32
        %parallel_loop3A_855 = arith.addi %parallel_loop3A_631, %parallel_loop3A_854 : i32
        %parallel_loop3A_856 = arith.index_cast %parallel_loop3A_613 : i32 to index
        %parallel_loop3A_857 = arith.index_cast %parallel_loop3A_855 : i32 to index
        %parallel_loop3A_858 = tpu.vector_load %arg6[%parallel_loop3A_856, %parallel_loop3A_857] {strides = array<i32>} : memref<8x2048xf32, #tpu.memory_space<vmem>>, vector<16xf32>,
        %parallel_loop3A_859 = arith.constant -1.000000e+02 : f32
        %parallel_loop3A_860 = vector.broadcast %parallel_loop3A_859 : f32 to vector<16xf32>
        %parallel_loop3A_861 = arith.maximumf %parallel_loop3A_858, %parallel_loop3A_860 : vector<16xf32>
        %parallel_loop3A_862 = arith.constant 1.000000e+02 : f32
        %parallel_loop3A_863 = vector.broadcast %parallel_loop3A_862 : f32 to vector<16xf32>
        %parallel_loop3A_864 = arith.minimumf %parallel_loop3A_861, %parallel_loop3A_863 : vector<16xf32>
        %parallel_loop3A_865 = arith.constant -1.000000e+02 : f32
        %parallel_loop3A_866 = vector.broadcast %parallel_loop3A_865 : f32 to vector<16xf32>
        %parallel_loop3A_867 = arith.subf %parallel_loop3A_864, %parallel_loop3A_866 : vector<16xf32>
        %parallel_loop3A_868 = arith.constant 2.499950e+02 : f32
        %parallel_loop3A_869 = vector.broadcast %parallel_loop3A_868 : f32 to vector<16xf32>
        %parallel_loop3A_870 = arith.mulf %parallel_loop3A_867, %parallel_loop3A_869 : vector<16xf32>
        %parallel_loop3A_871 = arith.fptosi %parallel_loop3A_870 : vector<16xf32> to vector<16xi32>
        %parallel_loop3A_872 = arith.sitofp %parallel_loop3A_871 : vector<16xi32> to vector<16xf32>
        %parallel_loop3A_873 = arith.subf %parallel_loop3A_870, %parallel_loop3A_872 : vector<16xf32>
        %parallel_loop3A_874 = tpu.vector_load_idx %arg5[%parallel_loop3A_871] : memref<50016xf32, #tpu.memory_space<vmem>>[vector<16xi32>], vector<16xf32>,
        %parallel_loop3A_875 = arith.constant 1 : i32
        %parallel_loop3A_876 = vector.broadcast %parallel_loop3A_875 : i32 to vector<16xi32>
        %parallel_loop3A_877 = arith.addi %parallel_loop3A_871, %parallel_loop3A_876 : vector<16xi32>
        %parallel_loop3A_878 = tpu.vector_load_idx %arg5[%parallel_loop3A_877] : memref<50016xf32, #tpu.memory_space<vmem>>[vector<16xi32>], vector<16xf32>,
        %parallel_loop3A_879 = arith.subf %parallel_loop3A_878, %parallel_loop3A_874 : vector<16xf32>
        %parallel_loop3A_880 = arith.mulf %parallel_loop3A_873, %parallel_loop3A_879 : vector<16xf32>
        %parallel_loop3A_881 = arith.addf %parallel_loop3A_874, %parallel_loop3A_880 : vector<16xf32>
        %parallel_loop3A_882 = arith.constant 1.000000e+02 : f32
        %parallel_loop3A_883 = vector.broadcast %parallel_loop3A_882 : f32 to vector<16xf32>
        %parallel_loop3A_884 = arith.cmpf ogt, %parallel_loop3A_858, %parallel_loop3A_883 : vector<16xf32>
        %parallel_loop3A_885 = arith.select %parallel_loop3A_884, %parallel_loop3A_858, %parallel_loop3A_881 : vector<16xi1>, vector<16xf32>
        %parallel_loop3A_886 = arith.constant 96 : i32
        %parallel_loop3A_887 = arith.addi %parallel_loop3A_631, %parallel_loop3A_886 : i32
        %parallel_loop3A_888 = arith.index_cast %parallel_loop3A_613 : i32 to index
        %parallel_loop3A_889 = arith.index_cast %parallel_loop3A_887 : i32 to index
        %parallel_loop3A_890 = tpu.vector_load %arg8[%parallel_loop3A_888, %parallel_loop3A_889] {strides = array<i32>} : memref<8x2048xf32, #tpu.memory_space<vmem>>, vector<16xf32>,
        tpu.vector_store %arg8[%parallel_loop3A_888, %parallel_loop3A_889], %parallel_loop3A_885 {strides = array<i32>} : memref<8x2048xf32, #tpu.memory_space<vmem>>, vector<16xf32>,
        %parallel_loop3A_891 = arith.constant 112 : i32
        %parallel_loop3A_892 = arith.addi %parallel_loop3A_631, %parallel_loop3A_891 : i32
        %parallel_loop3A_893 = arith.index_cast %parallel_loop3A_613 : i32 to index
        %parallel_loop3A_894 = arith.index_cast %parallel_loop3A_892 : i32 to index
        %parallel_loop3A_895 = tpu.vector_load %arg6[%parallel_loop3A_893, %parallel_loop3A_894] {strides = array<i32>} : memref<8x2048xf32, #tpu.memory_space<vmem>>, vector<16xf32>,
        %parallel_loop3A_896 = arith.constant -1.000000e+02 : f32
        %parallel_loop3A_897 = vector.broadcast %parallel_loop3A_896 : f32 to vector<16xf32>
        %parallel_loop3A_898 = arith.maximumf %parallel_loop3A_895, %parallel_loop3A_897 : vector<16xf32>
        %parallel_loop3A_899 = arith.constant 1.000000e+02 : f32
        %parallel_loop3A_900 = vector.broadcast %parallel_loop3A_899 : f32 to vector<16xf32>
        %parallel_loop3A_901 = arith.minimumf %parallel_loop3A_898, %parallel_loop3A_900 : vector<16xf32>
        %parallel_loop3A_902 = arith.constant -1.000000e+02 : f32
        %parallel_loop3A_903 = vector.broadcast %parallel_loop3A_902 : f32 to vector<16xf32>
        %parallel_loop3A_904 = arith.subf %parallel_loop3A_901, %parallel_loop3A_903 : vector<16xf32>
        %parallel_loop3A_905 = arith.constant 2.499950e+02 : f32
        %parallel_loop3A_906 = vector.broadcast %parallel_loop3A_905 : f32 to vector<16xf32>
        %parallel_loop3A_907 = arith.mulf %parallel_loop3A_904, %parallel_loop3A_906 : vector<16xf32>
        %parallel_loop3A_908 = arith.fptosi %parallel_loop3A_907 : vector<16xf32> to vector<16xi32>
        %parallel_loop3A_909 = arith.sitofp %parallel_loop3A_908 : vector<16xi32> to vector<16xf32>
        %parallel_loop3A_910 = arith.subf %parallel_loop3A_907, %parallel_loop3A_909 : vector<16xf32>
        %parallel_loop3A_911 = tpu.vector_load_idx %arg5[%parallel_loop3A_908] : memref<50016xf32, #tpu.memory_space<vmem>>[vector<16xi32>], vector<16xf32>,
        %parallel_loop3A_912 = arith.constant 1 : i32
        %parallel_loop3A_913 = vector.broadcast %parallel_loop3A_912 : i32 to vector<16xi32>
        %parallel_loop3A_914 = arith.addi %parallel_loop3A_908, %parallel_loop3A_913 : vector<16xi32>
        %parallel_loop3A_915 = tpu.vector_load_idx %arg5[%parallel_loop3A_914] : memref<50016xf32, #tpu.memory_space<vmem>>[vector<16xi32>], vector<16xf32>,
        %parallel_loop3A_916 = arith.subf %parallel_loop3A_915, %parallel_loop3A_911 : vector<16xf32>
        %parallel_loop3A_917 = arith.mulf %parallel_loop3A_910, %parallel_loop3A_916 : vector<16xf32>
        %parallel_loop3A_918 = arith.addf %parallel_loop3A_911, %parallel_loop3A_917 : vector<16xf32>
        %parallel_loop3A_919 = arith.constant 1.000000e+02 : f32
        %parallel_loop3A_920 = vector.broadcast %parallel_loop3A_919 : f32 to vector<16xf32>
        %parallel_loop3A_921 = arith.cmpf ogt, %parallel_loop3A_895, %parallel_loop3A_920 : vector<16xf32>
        %parallel_loop3A_922 = arith.select %parallel_loop3A_921, %parallel_loop3A_895, %parallel_loop3A_918 : vector<16xi1>, vector<16xf32>
        %parallel_loop3A_923 = arith.constant 112 : i32
        %parallel_loop3A_924 = arith.addi %parallel_loop3A_631, %parallel_loop3A_923 : i32
        %parallel_loop3A_925 = arith.index_cast %parallel_loop3A_613 : i32 to index
        %parallel_loop3A_926 = arith.index_cast %parallel_loop3A_924 : i32 to index
        %parallel_loop3A_927 = tpu.vector_load %arg8[%parallel_loop3A_925, %parallel_loop3A_926] {strides = array<i32>} : memref<8x2048xf32, #tpu.memory_space<vmem>>, vector<16xf32>,
        tpu.vector_store %arg8[%parallel_loop3A_925, %parallel_loop3A_926], %parallel_loop3A_922 {strides = array<i32>} : memref<8x2048xf32, #tpu.memory_space<vmem>>, vector<16xf32>,
      } {sc.loop_unroll_factor = 2 : i64, sc.parallel_access}
      %dma_start3A_464 = tpu.memref_slice %arg4[%select_n3A_437, %mul3A_455, %mul3A_413] : memref<2x4096x4096xf32, #tpu.memory_space<hbm>> -> memref<1x8x2048xf32, #tpu.memory_space<hbm>>
      %dma_start3A_465 = tpu.memref_squeeze %dma_start3A_464 : memref<1x8x2048xf32, #tpu.memory_space<hbm>> -> memref<8x2048xf32, #tpu.memory_space<hbm>>
      %dma_start3A_466 = tpu.memref_slice %arg4[%select_n3A_437, %mul3A_455, %mul3A_413] : memref<2x4096x4096xf32, #tpu.memory_space<hbm>> -> memref<1x8x2048xf32, #tpu.memory_space<hbm>>
      %dma_start3A_467 = tpu.memref_squeeze %dma_start3A_466 : memref<1x8x2048xf32, #tpu.memory_space<hbm>> -> memref<8x2048xf32, #tpu.memory_space<hbm>>
      tpu.enqueue_dma source(%arg8 : memref<8x2048xf32, #tpu.memory_space<vmem>>) target(%dma_start3A_467 : memref<8x2048xf32, #tpu.memory_space<hbm>>) target_semaphore(%arg12 : memref<!tpu.dma_semaphore, #tpu.memory_space<semaphore_mem>>)
      %add3A_468 = arith.constant 2 : i32
      %add3A_469 = arith.addi %add3A_368, %add3A_468 : i32
      %lt3A_470 = arith.constant 64 : i32
      %lt3A_471 = arith.cmpi slt, %add3A_469, %lt3A_470 : i32
      %convert_element_type3A_472 = arith.extui %lt3A_471 : i1 to i32
      %cond3A_473 = arith.constant 0 : i32
      %cond3A_474 = arith.cmpi ne, %convert_element_type3A_472, %cond3A_473 : i32
      scf.if %cond3A_474 {
        %add3A_589 = arith.constant 2 : i32
        %add3A_590 = arith.addi %add3A_368, %add3A_589 : i32
        %mul3A_591 = arith.constant 64 : i32
        %mul3A_592 = arith.muli %add3A, %mul3A_591 : i32
        %add3A_593 = arith.addi %mul3A_592, %add3A_590 : i32
        %jit3A_594 = arith.constant 2 : i32
        %div3A_595 = arith.divsi %add3A_593, %jit3A_594 : i32
        %sign3A_596 = arith.constant 0 : i32
        %sign3A_597 = arith.cmpi sgt, %add3A_593, %sign3A_596 : i32
        %sign3A_598 = arith.extui %sign3A_597 : i1 to i32
        %sign3A_599 = arith.constant 0 : i32
        %sign3A_600 = arith.cmpi slt, %add3A_593, %sign3A_599 : i32
        %sign3A_601 = arith.extui %sign3A_600 : i1 to i32
        %sign3A_602 = arith.subi %sign3A_598, %sign3A_601 : i32
        %sign3A_603 = arith.constant 0 : i32
        %sign3A_604 = arith.cmpi sgt, %jit3A_594, %sign3A_603 : i32
        %sign3A_605 = arith.extui %sign3A_604 : i1 to i32
        %sign3A_606 = arith.constant 0 : i32
        %sign3A_607 = arith.cmpi slt, %jit3A_594, %sign3A_606 : i32
        %sign3A_608 = arith.extui %sign3A_607 : i1 to i32
        %sign3A_609 = arith.subi %sign3A_605, %sign3A_608 : i32
        %ne3A_610 = arith.cmpi ne, %sign3A_602, %sign3A_609 : i32
        %rem3A_611 = arith.remsi %add3A_593, %jit3A_594 : i32
        %ne3A_612 = arith.constant 0 : i32
        %ne3A_613 = arith.cmpi ne, %rem3A_611, %ne3A_612 : i32
        %and3A_614 = arith.andi %ne3A_610, %ne3A_613 : i1
        %sub3A_615 = arith.constant 1 : i32
        %sub3A_616 = arith.subi %div3A_595, %sub3A_615 : i32
        %select_n3A_617 = arith.select %and3A_614, %sub3A_616, %div3A_595 : i32
        %jit3A_618 = arith.constant 2 : i32
        %eq3A_619 = arith.constant 0 : i32
        %eq3A_620 = arith.cmpi eq, %jit3A_618, %eq3A_619 : i32
        %jit3A_621 = arith.constant 1 : i32
        %select_n3A_622 = arith.select %eq3A_620, %jit3A_621, %jit3A_618 : i32
        %rem3A_623 = arith.remsi %add3A_593, %select_n3A_622 : i32
        %ne3A_624 = arith.constant 0 : i32
        %ne3A_625 = arith.cmpi ne, %rem3A_623, %ne3A_624 : i32
        %lt3A_626 = arith.constant 0 : i32
        %lt3A_627 = arith.cmpi slt, %rem3A_623, %lt3A_626 : i32
        %lt3A_628 = arith.constant 0 : i32
        %lt3A_629 = arith.cmpi slt, %select_n3A_622, %lt3A_628 : i32
        %ne3A_630 = arith.xori %lt3A_627, %lt3A_629 : i1
        %and3A_631 = arith.andi %ne3A_630, %ne3A_625 : i1
        %add3A_632 = arith.addi %rem3A_623, %select_n3A_622 : i32
        %select_n3A_633 = arith.select %and3A_631, %add3A_632, %rem3A_623 : i32
        %mul3A_634 = arith.constant 2048 : i32
        %mul3A_635 = arith.muli %select_n3A_633, %mul3A_634 : i32
        %jit3A_636 = arith.constant 512 : i32
        %div3A_637 = arith.divsi %select_n3A_617, %jit3A_636 : i32
        %sign3A_638 = arith.constant 0 : i32
        %sign3A_639 = arith.cmpi sgt, %select_n3A_617, %sign3A_638 : i32
        %sign3A_640 = arith.extui %sign3A_639 : i1 to i32
        %sign3A_641 = arith.constant 0 : i32
        %sign3A_642 = arith.cmpi slt, %select_n3A_617, %sign3A_641 : i32
        %sign3A_643 = arith.extui %sign3A_642 : i1 to i32
        %sign3A_644 = arith.subi %sign3A_640, %sign3A_643 : i32
        %sign3A_645 = arith.constant 0 : i32
        %sign3A_646 = arith.cmpi sgt, %jit3A_636, %sign3A_645 : i32
        %sign3A_647 = arith.extui %sign3A_646 : i1 to i32
        %sign3A_648 = arith.constant 0 : i32
        %sign3A_649 = arith.cmpi slt, %jit3A_636, %sign3A_648 : i32
        %sign3A_650 = arith.extui %sign3A_649 : i1 to i32
        %sign3A_651 = arith.subi %sign3A_647, %sign3A_650 : i32
        %ne3A_652 = arith.cmpi ne, %sign3A_644, %sign3A_651 : i32
        %rem3A_653 = arith.remsi %select_n3A_617, %jit3A_636 : i32
        %ne3A_654 = arith.constant 0 : i32
        %ne3A_655 = arith.cmpi ne, %rem3A_653, %ne3A_654 : i32
        %and3A_656 = arith.andi %ne3A_652, %ne3A_655 : i1
        %sub3A_657 = arith.constant 1 : i32
        %sub3A_658 = arith.subi %div3A_637, %sub3A_657 : i32
        %select_n3A_659 = arith.select %and3A_656, %sub3A_658, %div3A_637 : i32
        %jit3A_660 = arith.constant 512 : i32
        %eq3A_661 = arith.constant 0 : i32
        %eq3A_662 = arith.cmpi eq, %jit3A_660, %eq3A_661 : i32
        %jit3A_663 = arith.constant 1 : i32
        %select_n3A_664 = arith.select %eq3A_662, %jit3A_663, %jit3A_660 : i32
        %rem3A_665 = arith.remsi %select_n3A_617, %select_n3A_664 : i32
        %ne3A_666 = arith.constant 0 : i32
        %ne3A_667 = arith.cmpi ne, %rem3A_665, %ne3A_666 : i32
        %lt3A_668 = arith.constant 0 : i32
        %lt3A_669 = arith.cmpi slt, %rem3A_665, %lt3A_668 : i32
        %lt3A_670 = arith.constant 0 : i32
        %lt3A_671 = arith.cmpi slt, %select_n3A_664, %lt3A_670 : i32
        %ne3A_672 = arith.xori %lt3A_669, %lt3A_671 : i1
        %and3A_673 = arith.andi %ne3A_672, %ne3A_667 : i1
        %add3A_674 = arith.addi %rem3A_665, %select_n3A_664 : i32
        %select_n3A_675 = arith.select %and3A_673, %add3A_674, %rem3A_665 : i32
        %mul3A_676 = arith.constant 8 : i32
        %mul3A_677 = arith.muli %select_n3A_675, %mul3A_676 : i32
        %dma_start3A_678 = tpu.memref_slice %arg2[%select_n3A_659, %mul3A_677, %mul3A_635] : memref<2x4096x4096xf32, #tpu.memory_space<hbm>> -> memref<1x8x2048xf32, #tpu.memory_space<hbm>>
        %dma_start3A_679 = tpu.memref_squeeze %dma_start3A_678 : memref<1x8x2048xf32, #tpu.memory_space<hbm>> -> memref<8x2048xf32, #tpu.memory_space<hbm>>
        %dma_start3A_680 = tpu.memref_slice %arg2[%select_n3A_659, %mul3A_677, %mul3A_635] : memref<2x4096x4096xf32, #tpu.memory_space<hbm>> -> memref<1x8x2048xf32, #tpu.memory_space<hbm>>
        %dma_start3A_681 = tpu.memref_squeeze %dma_start3A_680 : memref<1x8x2048xf32, #tpu.memory_space<hbm>> -> memref<8x2048xf32, #tpu.memory_space<hbm>>
        tpu.enqueue_dma source(%dma_start3A_681 : memref<8x2048xf32, #tpu.memory_space<hbm>>) target(%arg6 : memref<8x2048xf32, #tpu.memory_space<vmem>>) target_semaphore(%arg10 : memref<!tpu.dma_semaphore, #tpu.memory_space<semaphore_mem>>)
      } else {
      }
      %mul3A_475 = arith.constant 2 : i32
      %mul3A_476 = arith.muli %scan3A_364, %mul3A_475 : i32
      %add3A_477 = arith.constant 1 : i32
      %add3A_478 = arith.addi %mul3A_476, %add3A_477 : i32
      %mul3A_479 = arith.constant 64 : i32
      %mul3A_480 = arith.muli %add3A, %mul3A_479 : i32
      %add3A_481 = arith.addi %mul3A_480, %add3A_478 : i32
      %jit3A_482 = arith.constant 2 : i32
      %div3A_483 = arith.divsi %add3A_481, %jit3A_482 : i32
      %sign3A_484 = arith.constant 0 : i32
      %sign3A_485 = arith.cmpi sgt, %add3A_481, %sign3A_484 : i32
      %sign3A_486 = arith.extui %sign3A_485 : i1 to i32
      %sign3A_487 = arith.constant 0 : i32
      %sign3A_488 = arith.cmpi slt, %add3A_481, %sign3A_487 : i32
      %sign3A_489 = arith.extui %sign3A_488 : i1 to i32
      %sign3A_490 = arith.subi %sign3A_486, %sign3A_489 : i32
      %sign3A_491 = arith.constant 0 : i32
      %sign3A_492 = arith.cmpi sgt, %jit3A_482, %sign3A_491 : i32
      %sign3A_493 = arith.extui %sign3A_492 : i1 to i32
      %sign3A_494 = arith.constant 0 : i32
      %sign3A_495 = arith.cmpi slt, %jit3A_482, %sign3A_494 : i32
      %sign3A_496 = arith.extui %sign3A_495 : i1 to i32
      %sign3A_497 = arith.subi %sign3A_493, %sign3A_496 : i32
      %ne3A_498 = arith.cmpi ne, %sign3A_490, %sign3A_497 : i32
      %rem3A_499 = arith.remsi %add3A_481, %jit3A_482 : i32
      %ne3A_500 = arith.constant 0 : i32
      %ne3A_501 = arith.cmpi ne, %rem3A_499, %ne3A_500 : i32
      %and3A_502 = arith.andi %ne3A_498, %ne3A_501 : i1
      %sub3A_503 = arith.constant 1 : i32
      %sub3A_504 = arith.subi %div3A_483, %sub3A_503 : i32
      %select_n3A_505 = arith.select %and3A_502, %sub3A_504, %div3A_483 : i32
      %jit3A_506 = arith.constant 2 : i32
      %eq3A_507 = arith.constant 0 : i32
      %eq3A_508 = arith.cmpi eq, %jit3A_506, %eq3A_507 : i32
      %jit3A_509 = arith.constant 1 : i32
      %select_n3A_510 = arith.select %eq3A_508, %jit3A_509, %jit3A_506 : i32
      %rem3A_511 = arith.remsi %add3A_481, %select_n3A_510 : i32
      %ne3A_512 = arith.constant 0 : i32
      %ne3A_513 = arith.cmpi ne, %rem3A_511, %ne3A_512 : i32
      %lt3A_514 = arith.constant 0 : i32
      %lt3A_515 = arith.cmpi slt, %rem3A_511, %lt3A_514 : i32
      %lt3A_516 = arith.constant 0 : i32
      %lt3A_517 = arith.cmpi slt, %select_n3A_510, %lt3A_516 : i32
      %ne3A_518 = arith.xori %lt3A_515, %lt3A_517 : i1
      %and3A_519 = arith.andi %ne3A_518, %ne3A_513 : i1
      %add3A_520 = arith.addi %rem3A_511, %select_n3A_510 : i32
      %select_n3A_521 = arith.select %and3A_519, %add3A_520, %rem3A_511 : i32
      %mul3A_522 = arith.constant 2048 : i32
      %mul3A_523 = arith.muli %select_n3A_521, %mul3A_522 : i32
      %jit3A_524 = arith.constant 512 : i32
      %div3A_525 = arith.divsi %select_n3A_505, %jit3A_524 : i32
      %sign3A_526 = arith.constant 0 : i32
      %sign3A_527 = arith.cmpi sgt, %select_n3A_505, %sign3A_526 : i32
      %sign3A_528 = arith.extui %sign3A_527 : i1 to i32
      %sign3A_529 = arith.constant 0 : i32
      %sign3A_530 = arith.cmpi slt, %select_n3A_505, %sign3A_529 : i32
      %sign3A_531 = arith.extui %sign3A_530 : i1 to i32
      %sign3A_532 = arith.subi %sign3A_528, %sign3A_531 : i32
      %sign3A_533 = arith.constant 0 : i32
      %sign3A_534 = arith.cmpi sgt, %jit3A_524, %sign3A_533 : i32
      %sign3A_535 = arith.extui %sign3A_534 : i1 to i32
      %sign3A_536 = arith.constant 0 : i32
      %sign3A_537 = arith.cmpi slt, %jit3A_524, %sign3A_536 : i32
      %sign3A_538 = arith.extui %sign3A_537 : i1 to i32
      %sign3A_539 = arith.subi %sign3A_535, %sign3A_538 : i32
      %ne3A_540 = arith.cmpi ne, %sign3A_532, %sign3A_539 : i32
      %rem3A_541 = arith.remsi %select_n3A_505, %jit3A_524 : i32
      %ne3A_542 = arith.constant 0 : i32
      %ne3A_543 = arith.cmpi ne, %rem3A_541, %ne3A_542 : i32
      %and3A_544 = arith.andi %ne3A_540, %ne3A_543 : i1
      %sub3A_545 = arith.constant 1 : i32
      %sub3A_546 = arith.subi %div3A_525, %sub3A_545 : i32
      %select_n3A_547 = arith.select %and3A_544, %sub3A_546, %div3A_525 : i32
      %jit3A_548 = arith.constant 512 : i32
      %eq3A_549 = arith.constant 0 : i32
      %eq3A_550 = arith.cmpi eq, %jit3A_548, %eq3A_549 : i32
      %jit3A_551 = arith.constant 1 : i32
      %select_n3A_552 = arith.select %eq3A_550, %jit3A_551, %jit3A_548 : i32
      %rem3A_553 = arith.remsi %select_n3A_505, %select_n3A_552 : i32
      %ne3A_554 = arith.constant 0 : i32
      %ne3A_555 = arith.cmpi ne, %rem3A_553, %ne3A_554 : i32
      %lt3A_556 = arith.constant 0 : i32
      %lt3A_557 = arith.cmpi slt, %rem3A_553, %lt3A_556 : i32
      %lt3A_558 = arith.constant 0 : i32
      %lt3A_559 = arith.cmpi slt, %select_n3A_552, %lt3A_558 : i32
      %ne3A_560 = arith.xori %lt3A_557, %lt3A_559 : i1
      %and3A_561 = arith.andi %ne3A_560, %ne3A_555 : i1
      %add3A_562 = arith.addi %rem3A_553, %select_n3A_552 : i32
      %select_n3A_563 = arith.select %and3A_561, %add3A_562, %rem3A_553 : i32
      %mul3A_564 = arith.constant 8 : i32
      %mul3A_565 = arith.muli %select_n3A_563, %mul3A_564 : i32
      %dma_wait3A_566 = tpu.memref_slice %arg2[%select_n3A_547, %mul3A_565, %mul3A_523] : memref<2x4096x4096xf32, #tpu.memory_space<hbm>> -> memref<1x8x2048xf32, #tpu.memory_space<hbm>>
      %dma_wait3A_567 = tpu.memref_squeeze %dma_wait3A_566 : memref<1x8x2048xf32, #tpu.memory_space<hbm>> -> memref<8x2048xf32, #tpu.memory_space<hbm>>
      %dma_wait3A_568 = tpu.memref_slice %arg2[%select_n3A_547, %mul3A_565, %mul3A_523] : memref<2x4096x4096xf32, #tpu.memory_space<hbm>> -> memref<1x8x2048xf32, #tpu.memory_space<hbm>>
      %dma_wait3A_569 = tpu.memref_squeeze %dma_wait3A_568 : memref<1x8x2048xf32, #tpu.memory_space<hbm>> -> memref<8x2048xf32, #tpu.memory_space<hbm>>
      tpu.wait_dma2 semaphore(%arg11 : memref<!tpu.dma_semaphore, #tpu.memory_space<semaphore_mem>>) src(%dma_wait3A_569 : memref<8x2048xf32, #tpu.memory_space<hbm>>) dst(%arg7 : memref<8x2048xf32, #tpu.memory_space<vmem>>)
      %ge3A_570 = arith.constant 2 : i32
      %ge3A_571 = arith.cmpi sge, %add3A_478, %ge3A_570 : i32
      %convert_element_type3A_572 = arith.extui %ge3A_571 : i1 to i32
      %cond3A_573 = arith.constant 0 : i32
      %cond3A_574 = arith.cmpi ne, %convert_element_type3A_572, %cond3A_573 : i32
      scf.if %cond3A_574 {
        %dma_wait3A_589 = tpu.memref_slice %arg4[%select_n3A_547, %mul3A_565, %mul3A_523] : memref<2x4096x4096xf32, #tpu.memory_space<hbm>> -> memref<1x8x2048xf32, #tpu.memory_space<hbm>>
        %dma_wait3A_590 = tpu.memref_squeeze %dma_wait3A_589 : memref<1x8x2048xf32, #tpu.memory_space<hbm>> -> memref<8x2048xf32, #tpu.memory_space<hbm>>
        %dma_wait3A_591 = tpu.memref_slice %arg4[%select_n3A_547, %mul3A_565, %mul3A_523] : memref<2x4096x4096xf32, #tpu.memory_space<hbm>> -> memref<1x8x2048xf32, #tpu.memory_space<hbm>>
        %dma_wait3A_592 = tpu.memref_squeeze %dma_wait3A_591 : memref<1x8x2048xf32, #tpu.memory_space<hbm>> -> memref<8x2048xf32, #tpu.memory_space<hbm>>
        tpu.wait_dma2 semaphore(%arg13 : memref<!tpu.dma_semaphore, #tpu.memory_space<semaphore_mem>>) src(%arg9 : memref<8x2048xf32, #tpu.memory_space<vmem>>) dst(%dma_wait3A_592 : memref<8x2048xf32, #tpu.memory_space<hbm>>)
      } else {
      }
      %parallel_loop3A_575 = arith.constant 0 : i32
      %parallel_loop3A_576 = arith.constant 128 : i32
      %parallel_loop3A_577 = arith.constant 1 : i32
      scf.for %parallel_loop3A_589 = %parallel_loop3A_575 to %parallel_loop3A_576 step %parallel_loop3A_577  : i32 {
        %parallel_loop3A_590 = arith.constant 16 : i32
        %parallel_loop3A_591 = arith.divsi %parallel_loop3A_589, %parallel_loop3A_590 : i32
        %parallel_loop3A_592 = arith.constant 0 : i32
        %parallel_loop3A_593 = arith.cmpi sgt, %parallel_loop3A_589, %parallel_loop3A_592 : i32
        %parallel_loop3A_594 = arith.extui %parallel_loop3A_593 : i1 to i32
        %parallel_loop3A_595 = arith.constant 0 : i32
        %parallel_loop3A_596 = arith.cmpi slt, %parallel_loop3A_589, %parallel_loop3A_595 : i32
        %parallel_loop3A_597 = arith.extui %parallel_loop3A_596 : i1 to i32
        %parallel_loop3A_598 = arith.subi %parallel_loop3A_594, %parallel_loop3A_597 : i32
        %parallel_loop3A_599 = arith.constant 0 : i32
        %parallel_loop3A_600 = arith.cmpi sgt, %parallel_loop3A_590, %parallel_loop3A_599 : i32
        %parallel_loop3A_601 = arith.extui %parallel_loop3A_600 : i1 to i32
        %parallel_loop3A_602 = arith.constant 0 : i32
        %parallel_loop3A_603 = arith.cmpi slt, %parallel_loop3A_590, %parallel_loop3A_602 : i32
        %parallel_loop3A_604 = arith.extui %parallel_loop3A_603 : i1 to i32
        %parallel_loop3A_605 = arith.subi %parallel_loop3A_601, %parallel_loop3A_604 : i32
        %parallel_loop3A_606 = arith.cmpi ne, %parallel_loop3A_598, %parallel_loop3A_605 : i32
        %parallel_loop3A_607 = arith.remsi %parallel_loop3A_589, %parallel_loop3A_590 : i32
        %parallel_loop3A_608 = arith.constant 0 : i32
        %parallel_loop3A_609 = arith.cmpi ne, %parallel_loop3A_607, %parallel_loop3A_608 : i32
        %parallel_loop3A_610 = arith.andi %parallel_loop3A_606, %parallel_loop3A_609 : i1
        %parallel_loop3A_611 = arith.constant 1 : i32
        %parallel_loop3A_612 = arith.subi %parallel_loop3A_591, %parallel_loop3A_611 : i32
        %parallel_loop3A_613 = arith.select %parallel_loop3A_610, %parallel_loop3A_612, %parallel_loop3A_591 : i32
        %parallel_loop3A_614 = arith.constant 16 : i32
        %parallel_loop3A_615 = arith.constant 0 : i32
        %parallel_loop3A_616 = arith.cmpi eq, %parallel_loop3A_614, %parallel_loop3A_615 : i32
        %parallel_loop3A_617 = arith.constant 1 : i32
        %parallel_loop3A_618 = arith.select %parallel_loop3A_616, %parallel_loop3A_617, %parallel_loop3A_614 : i32
        %parallel_loop3A_619 = arith.remsi %parallel_loop3A_589, %parallel_loop3A_618 : i32
        %parallel_loop3A_620 = arith.constant 0 : i32
        %parallel_loop3A_621 = arith.cmpi ne, %parallel_loop3A_619, %parallel_loop3A_620 : i32
        %parallel_loop3A_622 = arith.constant 0 : i32
        %parallel_loop3A_623 = arith.cmpi slt, %parallel_loop3A_619, %parallel_loop3A_622 : i32
        %parallel_loop3A_624 = arith.constant 0 : i32
        %parallel_loop3A_625 = arith.cmpi slt, %parallel_loop3A_618, %parallel_loop3A_624 : i32
        %parallel_loop3A_626 = arith.xori %parallel_loop3A_623, %parallel_loop3A_625 : i1
        %parallel_loop3A_627 = arith.andi %parallel_loop3A_626, %parallel_loop3A_621 : i1
        %parallel_loop3A_628 = arith.addi %parallel_loop3A_619, %parallel_loop3A_618 : i32
        %parallel_loop3A_629 = arith.select %parallel_loop3A_627, %parallel_loop3A_628, %parallel_loop3A_619 : i32
        %parallel_loop3A_630 = arith.constant 128 : i32
        %parallel_loop3A_631 = arith.muli %parallel_loop3A_629, %parallel_loop3A_630 : i32
        %parallel_loop3A_632 = arith.constant 0 : i32
        %parallel_loop3A_633 = arith.addi %parallel_loop3A_631, %parallel_loop3A_632 : i32
        %parallel_loop3A_634 = arith.index_cast %parallel_loop3A_613 : i32 to index
        %parallel_loop3A_635 = arith.index_cast %parallel_loop3A_633 : i32 to index
        %parallel_loop3A_636 = tpu.vector_load %arg7[%parallel_loop3A_634, %parallel_loop3A_635] {strides = array<i32>} : memref<8x2048xf32, #tpu.memory_space<vmem>>, vector<16xf32>,
        %parallel_loop3A_637 = arith.constant -1.000000e+02 : f32
        %parallel_loop3A_638 = vector.broadcast %parallel_loop3A_637 : f32 to vector<16xf32>
        %parallel_loop3A_639 = arith.maximumf %parallel_loop3A_636, %parallel_loop3A_638 : vector<16xf32>
        %parallel_loop3A_640 = arith.constant 1.000000e+02 : f32
        %parallel_loop3A_641 = vector.broadcast %parallel_loop3A_640 : f32 to vector<16xf32>
        %parallel_loop3A_642 = arith.minimumf %parallel_loop3A_639, %parallel_loop3A_641 : vector<16xf32>
        %parallel_loop3A_643 = arith.constant -1.000000e+02 : f32
        %parallel_loop3A_644 = vector.broadcast %parallel_loop3A_643 : f32 to vector<16xf32>
        %parallel_loop3A_645 = arith.subf %parallel_loop3A_642, %parallel_loop3A_644 : vector<16xf32>
        %parallel_loop3A_646 = arith.constant 2.499950e+02 : f32
        %parallel_loop3A_647 = vector.broadcast %parallel_loop3A_646 : f32 to vector<16xf32>
        %parallel_loop3A_648 = arith.mulf %parallel_loop3A_645, %parallel_loop3A_647 : vector<16xf32>
        %parallel_loop3A_649 = arith.fptosi %parallel_loop3A_648 : vector<16xf32> to vector<16xi32>
        %parallel_loop3A_650 = arith.sitofp %parallel_loop3A_649 : vector<16xi32> to vector<16xf32>
        %parallel_loop3A_651 = arith.subf %parallel_loop3A_648, %parallel_loop3A_650 : vector<16xf32>
        %parallel_loop3A_652 = tpu.vector_load_idx %arg5[%parallel_loop3A_649] : memref<50016xf32, #tpu.memory_space<vmem>>[vector<16xi32>], vector<16xf32>,
        %parallel_loop3A_653 = arith.constant 1 : i32
        %parallel_loop3A_654 = vector.broadcast %parallel_loop3A_653 : i32 to vector<16xi32>
        %parallel_loop3A_655 = arith.addi %parallel_loop3A_649, %parallel_loop3A_654 : vector<16xi32>
        %parallel_loop3A_656 = tpu.vector_load_idx %arg5[%parallel_loop3A_655] : memref<50016xf32, #tpu.memory_space<vmem>>[vector<16xi32>], vector<16xf32>,
        %parallel_loop3A_657 = arith.subf %parallel_loop3A_656, %parallel_loop3A_652 : vector<16xf32>
        %parallel_loop3A_658 = arith.mulf %parallel_loop3A_651, %parallel_loop3A_657 : vector<16xf32>
        %parallel_loop3A_659 = arith.addf %parallel_loop3A_652, %parallel_loop3A_658 : vector<16xf32>
        %parallel_loop3A_660 = arith.constant 1.000000e+02 : f32
        %parallel_loop3A_661 = vector.broadcast %parallel_loop3A_660 : f32 to vector<16xf32>
        %parallel_loop3A_662 = arith.cmpf ogt, %parallel_loop3A_636, %parallel_loop3A_661 : vector<16xf32>
        %parallel_loop3A_663 = arith.select %parallel_loop3A_662, %parallel_loop3A_636, %parallel_loop3A_659 : vector<16xi1>, vector<16xf32>
        %parallel_loop3A_664 = arith.constant 0 : i32
        %parallel_loop3A_665 = arith.addi %parallel_loop3A_631, %parallel_loop3A_664 : i32
        %parallel_loop3A_666 = arith.index_cast %parallel_loop3A_613 : i32 to index
        %parallel_loop3A_667 = arith.index_cast %parallel_loop3A_665 : i32 to index
        %parallel_loop3A_668 = tpu.vector_load %arg9[%parallel_loop3A_666, %parallel_loop3A_667] {strides = array<i32>} : memref<8x2048xf32, #tpu.memory_space<vmem>>, vector<16xf32>,
        tpu.vector_store %arg9[%parallel_loop3A_666, %parallel_loop3A_667], %parallel_loop3A_663 {strides = array<i32>} : memref<8x2048xf32, #tpu.memory_space<vmem>>, vector<16xf32>,
        %parallel_loop3A_669 = arith.constant 16 : i32
        %parallel_loop3A_670 = arith.addi %parallel_loop3A_631, %parallel_loop3A_669 : i32
        %parallel_loop3A_671 = arith.index_cast %parallel_loop3A_613 : i32 to index
        %parallel_loop3A_672 = arith.index_cast %parallel_loop3A_670 : i32 to index
        %parallel_loop3A_673 = tpu.vector_load %arg7[%parallel_loop3A_671, %parallel_loop3A_672] {strides = array<i32>} : memref<8x2048xf32, #tpu.memory_space<vmem>>, vector<16xf32>,
        %parallel_loop3A_674 = arith.constant -1.000000e+02 : f32
        %parallel_loop3A_675 = vector.broadcast %parallel_loop3A_674 : f32 to vector<16xf32>
        %parallel_loop3A_676 = arith.maximumf %parallel_loop3A_673, %parallel_loop3A_675 : vector<16xf32>
        %parallel_loop3A_677 = arith.constant 1.000000e+02 : f32
        %parallel_loop3A_678 = vector.broadcast %parallel_loop3A_677 : f32 to vector<16xf32>
        %parallel_loop3A_679 = arith.minimumf %parallel_loop3A_676, %parallel_loop3A_678 : vector<16xf32>
        %parallel_loop3A_680 = arith.constant -1.000000e+02 : f32
        %parallel_loop3A_681 = vector.broadcast %parallel_loop3A_680 : f32 to vector<16xf32>
        %parallel_loop3A_682 = arith.subf %parallel_loop3A_679, %parallel_loop3A_681 : vector<16xf32>
        %parallel_loop3A_683 = arith.constant 2.499950e+02 : f32
        %parallel_loop3A_684 = vector.broadcast %parallel_loop3A_683 : f32 to vector<16xf32>
        %parallel_loop3A_685 = arith.mulf %parallel_loop3A_682, %parallel_loop3A_684 : vector<16xf32>
        %parallel_loop3A_686 = arith.fptosi %parallel_loop3A_685 : vector<16xf32> to vector<16xi32>
        %parallel_loop3A_687 = arith.sitofp %parallel_loop3A_686 : vector<16xi32> to vector<16xf32>
        %parallel_loop3A_688 = arith.subf %parallel_loop3A_685, %parallel_loop3A_687 : vector<16xf32>
        %parallel_loop3A_689 = tpu.vector_load_idx %arg5[%parallel_loop3A_686] : memref<50016xf32, #tpu.memory_space<vmem>>[vector<16xi32>], vector<16xf32>,
        %parallel_loop3A_690 = arith.constant 1 : i32
        %parallel_loop3A_691 = vector.broadcast %parallel_loop3A_690 : i32 to vector<16xi32>
        %parallel_loop3A_692 = arith.addi %parallel_loop3A_686, %parallel_loop3A_691 : vector<16xi32>
        %parallel_loop3A_693 = tpu.vector_load_idx %arg5[%parallel_loop3A_692] : memref<50016xf32, #tpu.memory_space<vmem>>[vector<16xi32>], vector<16xf32>,
        %parallel_loop3A_694 = arith.subf %parallel_loop3A_693, %parallel_loop3A_689 : vector<16xf32>
        %parallel_loop3A_695 = arith.mulf %parallel_loop3A_688, %parallel_loop3A_694 : vector<16xf32>
        %parallel_loop3A_696 = arith.addf %parallel_loop3A_689, %parallel_loop3A_695 : vector<16xf32>
        %parallel_loop3A_697 = arith.constant 1.000000e+02 : f32
        %parallel_loop3A_698 = vector.broadcast %parallel_loop3A_697 : f32 to vector<16xf32>
        %parallel_loop3A_699 = arith.cmpf ogt, %parallel_loop3A_673, %parallel_loop3A_698 : vector<16xf32>
        %parallel_loop3A_700 = arith.select %parallel_loop3A_699, %parallel_loop3A_673, %parallel_loop3A_696 : vector<16xi1>, vector<16xf32>
        %parallel_loop3A_701 = arith.constant 16 : i32
        %parallel_loop3A_702 = arith.addi %parallel_loop3A_631, %parallel_loop3A_701 : i32
        %parallel_loop3A_703 = arith.index_cast %parallel_loop3A_613 : i32 to index
        %parallel_loop3A_704 = arith.index_cast %parallel_loop3A_702 : i32 to index
        %parallel_loop3A_705 = tpu.vector_load %arg9[%parallel_loop3A_703, %parallel_loop3A_704] {strides = array<i32>} : memref<8x2048xf32, #tpu.memory_space<vmem>>, vector<16xf32>,
        tpu.vector_store %arg9[%parallel_loop3A_703, %parallel_loop3A_704], %parallel_loop3A_700 {strides = array<i32>} : memref<8x2048xf32, #tpu.memory_space<vmem>>, vector<16xf32>,
        %parallel_loop3A_706 = arith.constant 32 : i32
        %parallel_loop3A_707 = arith.addi %parallel_loop3A_631, %parallel_loop3A_706 : i32
        %parallel_loop3A_708 = arith.index_cast %parallel_loop3A_613 : i32 to index
        %parallel_loop3A_709 = arith.index_cast %parallel_loop3A_707 : i32 to index
        %parallel_loop3A_710 = tpu.vector_load %arg7[%parallel_loop3A_708, %parallel_loop3A_709] {strides = array<i32>} : memref<8x2048xf32, #tpu.memory_space<vmem>>, vector<16xf32>,
        %parallel_loop3A_711 = arith.constant -1.000000e+02 : f32
        %parallel_loop3A_712 = vector.broadcast %parallel_loop3A_711 : f32 to vector<16xf32>
        %parallel_loop3A_713 = arith.maximumf %parallel_loop3A_710, %parallel_loop3A_712 : vector<16xf32>
        %parallel_loop3A_714 = arith.constant 1.000000e+02 : f32
        %parallel_loop3A_715 = vector.broadcast %parallel_loop3A_714 : f32 to vector<16xf32>
        %parallel_loop3A_716 = arith.minimumf %parallel_loop3A_713, %parallel_loop3A_715 : vector<16xf32>
        %parallel_loop3A_717 = arith.constant -1.000000e+02 : f32
        %parallel_loop3A_718 = vector.broadcast %parallel_loop3A_717 : f32 to vector<16xf32>
        %parallel_loop3A_719 = arith.subf %parallel_loop3A_716, %parallel_loop3A_718 : vector<16xf32>
        %parallel_loop3A_720 = arith.constant 2.499950e+02 : f32
        %parallel_loop3A_721 = vector.broadcast %parallel_loop3A_720 : f32 to vector<16xf32>
        %parallel_loop3A_722 = arith.mulf %parallel_loop3A_719, %parallel_loop3A_721 : vector<16xf32>
        %parallel_loop3A_723 = arith.fptosi %parallel_loop3A_722 : vector<16xf32> to vector<16xi32>
        %parallel_loop3A_724 = arith.sitofp %parallel_loop3A_723 : vector<16xi32> to vector<16xf32>
        %parallel_loop3A_725 = arith.subf %parallel_loop3A_722, %parallel_loop3A_724 : vector<16xf32>
        %parallel_loop3A_726 = tpu.vector_load_idx %arg5[%parallel_loop3A_723] : memref<50016xf32, #tpu.memory_space<vmem>>[vector<16xi32>], vector<16xf32>,
        %parallel_loop3A_727 = arith.constant 1 : i32
        %parallel_loop3A_728 = vector.broadcast %parallel_loop3A_727 : i32 to vector<16xi32>
        %parallel_loop3A_729 = arith.addi %parallel_loop3A_723, %parallel_loop3A_728 : vector<16xi32>
        %parallel_loop3A_730 = tpu.vector_load_idx %arg5[%parallel_loop3A_729] : memref<50016xf32, #tpu.memory_space<vmem>>[vector<16xi32>], vector<16xf32>,
        %parallel_loop3A_731 = arith.subf %parallel_loop3A_730, %parallel_loop3A_726 : vector<16xf32>
        %parallel_loop3A_732 = arith.mulf %parallel_loop3A_725, %parallel_loop3A_731 : vector<16xf32>
        %parallel_loop3A_733 = arith.addf %parallel_loop3A_726, %parallel_loop3A_732 : vector<16xf32>
        %parallel_loop3A_734 = arith.constant 1.000000e+02 : f32
        %parallel_loop3A_735 = vector.broadcast %parallel_loop3A_734 : f32 to vector<16xf32>
        %parallel_loop3A_736 = arith.cmpf ogt, %parallel_loop3A_710, %parallel_loop3A_735 : vector<16xf32>
        %parallel_loop3A_737 = arith.select %parallel_loop3A_736, %parallel_loop3A_710, %parallel_loop3A_733 : vector<16xi1>, vector<16xf32>
        %parallel_loop3A_738 = arith.constant 32 : i32
        %parallel_loop3A_739 = arith.addi %parallel_loop3A_631, %parallel_loop3A_738 : i32
        %parallel_loop3A_740 = arith.index_cast %parallel_loop3A_613 : i32 to index
        %parallel_loop3A_741 = arith.index_cast %parallel_loop3A_739 : i32 to index
        %parallel_loop3A_742 = tpu.vector_load %arg9[%parallel_loop3A_740, %parallel_loop3A_741] {strides = array<i32>} : memref<8x2048xf32, #tpu.memory_space<vmem>>, vector<16xf32>,
        tpu.vector_store %arg9[%parallel_loop3A_740, %parallel_loop3A_741], %parallel_loop3A_737 {strides = array<i32>} : memref<8x2048xf32, #tpu.memory_space<vmem>>, vector<16xf32>,
        %parallel_loop3A_743 = arith.constant 48 : i32
        %parallel_loop3A_744 = arith.addi %parallel_loop3A_631, %parallel_loop3A_743 : i32
        %parallel_loop3A_745 = arith.index_cast %parallel_loop3A_613 : i32 to index
        %parallel_loop3A_746 = arith.index_cast %parallel_loop3A_744 : i32 to index
        %parallel_loop3A_747 = tpu.vector_load %arg7[%parallel_loop3A_745, %parallel_loop3A_746] {strides = array<i32>} : memref<8x2048xf32, #tpu.memory_space<vmem>>, vector<16xf32>,
        %parallel_loop3A_748 = arith.constant -1.000000e+02 : f32
        %parallel_loop3A_749 = vector.broadcast %parallel_loop3A_748 : f32 to vector<16xf32>
        %parallel_loop3A_750 = arith.maximumf %parallel_loop3A_747, %parallel_loop3A_749 : vector<16xf32>
        %parallel_loop3A_751 = arith.constant 1.000000e+02 : f32
        %parallel_loop3A_752 = vector.broadcast %parallel_loop3A_751 : f32 to vector<16xf32>
        %parallel_loop3A_753 = arith.minimumf %parallel_loop3A_750, %parallel_loop3A_752 : vector<16xf32>
        %parallel_loop3A_754 = arith.constant -1.000000e+02 : f32
        %parallel_loop3A_755 = vector.broadcast %parallel_loop3A_754 : f32 to vector<16xf32>
        %parallel_loop3A_756 = arith.subf %parallel_loop3A_753, %parallel_loop3A_755 : vector<16xf32>
        %parallel_loop3A_757 = arith.constant 2.499950e+02 : f32
        %parallel_loop3A_758 = vector.broadcast %parallel_loop3A_757 : f32 to vector<16xf32>
        %parallel_loop3A_759 = arith.mulf %parallel_loop3A_756, %parallel_loop3A_758 : vector<16xf32>
        %parallel_loop3A_760 = arith.fptosi %parallel_loop3A_759 : vector<16xf32> to vector<16xi32>
        %parallel_loop3A_761 = arith.sitofp %parallel_loop3A_760 : vector<16xi32> to vector<16xf32>
        %parallel_loop3A_762 = arith.subf %parallel_loop3A_759, %parallel_loop3A_761 : vector<16xf32>
        %parallel_loop3A_763 = tpu.vector_load_idx %arg5[%parallel_loop3A_760] : memref<50016xf32, #tpu.memory_space<vmem>>[vector<16xi32>], vector<16xf32>,
        %parallel_loop3A_764 = arith.constant 1 : i32
        %parallel_loop3A_765 = vector.broadcast %parallel_loop3A_764 : i32 to vector<16xi32>
        %parallel_loop3A_766 = arith.addi %parallel_loop3A_760, %parallel_loop3A_765 : vector<16xi32>
        %parallel_loop3A_767 = tpu.vector_load_idx %arg5[%parallel_loop3A_766] : memref<50016xf32, #tpu.memory_space<vmem>>[vector<16xi32>], vector<16xf32>,
        %parallel_loop3A_768 = arith.subf %parallel_loop3A_767, %parallel_loop3A_763 : vector<16xf32>
        %parallel_loop3A_769 = arith.mulf %parallel_loop3A_762, %parallel_loop3A_768 : vector<16xf32>
        %parallel_loop3A_770 = arith.addf %parallel_loop3A_763, %parallel_loop3A_769 : vector<16xf32>
        %parallel_loop3A_771 = arith.constant 1.000000e+02 : f32
        %parallel_loop3A_772 = vector.broadcast %parallel_loop3A_771 : f32 to vector<16xf32>
        %parallel_loop3A_773 = arith.cmpf ogt, %parallel_loop3A_747, %parallel_loop3A_772 : vector<16xf32>
        %parallel_loop3A_774 = arith.select %parallel_loop3A_773, %parallel_loop3A_747, %parallel_loop3A_770 : vector<16xi1>, vector<16xf32>
        %parallel_loop3A_775 = arith.constant 48 : i32
        %parallel_loop3A_776 = arith.addi %parallel_loop3A_631, %parallel_loop3A_775 : i32
        %parallel_loop3A_777 = arith.index_cast %parallel_loop3A_613 : i32 to index
        %parallel_loop3A_778 = arith.index_cast %parallel_loop3A_776 : i32 to index
        %parallel_loop3A_779 = tpu.vector_load %arg9[%parallel_loop3A_777, %parallel_loop3A_778] {strides = array<i32>} : memref<8x2048xf32, #tpu.memory_space<vmem>>, vector<16xf32>,
        tpu.vector_store %arg9[%parallel_loop3A_777, %parallel_loop3A_778], %parallel_loop3A_774 {strides = array<i32>} : memref<8x2048xf32, #tpu.memory_space<vmem>>, vector<16xf32>,
        %parallel_loop3A_780 = arith.constant 64 : i32
        %parallel_loop3A_781 = arith.addi %parallel_loop3A_631, %parallel_loop3A_780 : i32
        %parallel_loop3A_782 = arith.index_cast %parallel_loop3A_613 : i32 to index
        %parallel_loop3A_783 = arith.index_cast %parallel_loop3A_781 : i32 to index
        %parallel_loop3A_784 = tpu.vector_load %arg7[%parallel_loop3A_782, %parallel_loop3A_783] {strides = array<i32>} : memref<8x2048xf32, #tpu.memory_space<vmem>>, vector<16xf32>,
        %parallel_loop3A_785 = arith.constant -1.000000e+02 : f32
        %parallel_loop3A_786 = vector.broadcast %parallel_loop3A_785 : f32 to vector<16xf32>
        %parallel_loop3A_787 = arith.maximumf %parallel_loop3A_784, %parallel_loop3A_786 : vector<16xf32>
        %parallel_loop3A_788 = arith.constant 1.000000e+02 : f32
        %parallel_loop3A_789 = vector.broadcast %parallel_loop3A_788 : f32 to vector<16xf32>
        %parallel_loop3A_790 = arith.minimumf %parallel_loop3A_787, %parallel_loop3A_789 : vector<16xf32>
        %parallel_loop3A_791 = arith.constant -1.000000e+02 : f32
        %parallel_loop3A_792 = vector.broadcast %parallel_loop3A_791 : f32 to vector<16xf32>
        %parallel_loop3A_793 = arith.subf %parallel_loop3A_790, %parallel_loop3A_792 : vector<16xf32>
        %parallel_loop3A_794 = arith.constant 2.499950e+02 : f32
        %parallel_loop3A_795 = vector.broadcast %parallel_loop3A_794 : f32 to vector<16xf32>
        %parallel_loop3A_796 = arith.mulf %parallel_loop3A_793, %parallel_loop3A_795 : vector<16xf32>
        %parallel_loop3A_797 = arith.fptosi %parallel_loop3A_796 : vector<16xf32> to vector<16xi32>
        %parallel_loop3A_798 = arith.sitofp %parallel_loop3A_797 : vector<16xi32> to vector<16xf32>
        %parallel_loop3A_799 = arith.subf %parallel_loop3A_796, %parallel_loop3A_798 : vector<16xf32>
        %parallel_loop3A_800 = tpu.vector_load_idx %arg5[%parallel_loop3A_797] : memref<50016xf32, #tpu.memory_space<vmem>>[vector<16xi32>], vector<16xf32>,
        %parallel_loop3A_801 = arith.constant 1 : i32
        %parallel_loop3A_802 = vector.broadcast %parallel_loop3A_801 : i32 to vector<16xi32>
        %parallel_loop3A_803 = arith.addi %parallel_loop3A_797, %parallel_loop3A_802 : vector<16xi32>
        %parallel_loop3A_804 = tpu.vector_load_idx %arg5[%parallel_loop3A_803] : memref<50016xf32, #tpu.memory_space<vmem>>[vector<16xi32>], vector<16xf32>,
        %parallel_loop3A_805 = arith.subf %parallel_loop3A_804, %parallel_loop3A_800 : vector<16xf32>
        %parallel_loop3A_806 = arith.mulf %parallel_loop3A_799, %parallel_loop3A_805 : vector<16xf32>
        %parallel_loop3A_807 = arith.addf %parallel_loop3A_800, %parallel_loop3A_806 : vector<16xf32>
        %parallel_loop3A_808 = arith.constant 1.000000e+02 : f32
        %parallel_loop3A_809 = vector.broadcast %parallel_loop3A_808 : f32 to vector<16xf32>
        %parallel_loop3A_810 = arith.cmpf ogt, %parallel_loop3A_784, %parallel_loop3A_809 : vector<16xf32>
        %parallel_loop3A_811 = arith.select %parallel_loop3A_810, %parallel_loop3A_784, %parallel_loop3A_807 : vector<16xi1>, vector<16xf32>
        %parallel_loop3A_812 = arith.constant 64 : i32
        %parallel_loop3A_813 = arith.addi %parallel_loop3A_631, %parallel_loop3A_812 : i32
        %parallel_loop3A_814 = arith.index_cast %parallel_loop3A_613 : i32 to index
        %parallel_loop3A_815 = arith.index_cast %parallel_loop3A_813 : i32 to index
        %parallel_loop3A_816 = tpu.vector_load %arg9[%parallel_loop3A_814, %parallel_loop3A_815] {strides = array<i32>} : memref<8x2048xf32, #tpu.memory_space<vmem>>, vector<16xf32>,
        tpu.vector_store %arg9[%parallel_loop3A_814, %parallel_loop3A_815], %parallel_loop3A_811 {strides = array<i32>} : memref<8x2048xf32, #tpu.memory_space<vmem>>, vector<16xf32>,
        %parallel_loop3A_817 = arith.constant 80 : i32
        %parallel_loop3A_818 = arith.addi %parallel_loop3A_631, %parallel_loop3A_817 : i32
        %parallel_loop3A_819 = arith.index_cast %parallel_loop3A_613 : i32 to index
        %parallel_loop3A_820 = arith.index_cast %parallel_loop3A_818 : i32 to index
        %parallel_loop3A_821 = tpu.vector_load %arg7[%parallel_loop3A_819, %parallel_loop3A_820] {strides = array<i32>} : memref<8x2048xf32, #tpu.memory_space<vmem>>, vector<16xf32>,
        %parallel_loop3A_822 = arith.constant -1.000000e+02 : f32
        %parallel_loop3A_823 = vector.broadcast %parallel_loop3A_822 : f32 to vector<16xf32>
        %parallel_loop3A_824 = arith.maximumf %parallel_loop3A_821, %parallel_loop3A_823 : vector<16xf32>
        %parallel_loop3A_825 = arith.constant 1.000000e+02 : f32
        %parallel_loop3A_826 = vector.broadcast %parallel_loop3A_825 : f32 to vector<16xf32>
        %parallel_loop3A_827 = arith.minimumf %parallel_loop3A_824, %parallel_loop3A_826 : vector<16xf32>
        %parallel_loop3A_828 = arith.constant -1.000000e+02 : f32
        %parallel_loop3A_829 = vector.broadcast %parallel_loop3A_828 : f32 to vector<16xf32>
        %parallel_loop3A_830 = arith.subf %parallel_loop3A_827, %parallel_loop3A_829 : vector<16xf32>
        %parallel_loop3A_831 = arith.constant 2.499950e+02 : f32
        %parallel_loop3A_832 = vector.broadcast %parallel_loop3A_831 : f32 to vector<16xf32>
        %parallel_loop3A_833 = arith.mulf %parallel_loop3A_830, %parallel_loop3A_832 : vector<16xf32>
        %parallel_loop3A_834 = arith.fptosi %parallel_loop3A_833 : vector<16xf32> to vector<16xi32>
        %parallel_loop3A_835 = arith.sitofp %parallel_loop3A_834 : vector<16xi32> to vector<16xf32>
        %parallel_loop3A_836 = arith.subf %parallel_loop3A_833, %parallel_loop3A_835 : vector<16xf32>
        %parallel_loop3A_837 = tpu.vector_load_idx %arg5[%parallel_loop3A_834] : memref<50016xf32, #tpu.memory_space<vmem>>[vector<16xi32>], vector<16xf32>,
        %parallel_loop3A_838 = arith.constant 1 : i32
        %parallel_loop3A_839 = vector.broadcast %parallel_loop3A_838 : i32 to vector<16xi32>
        %parallel_loop3A_840 = arith.addi %parallel_loop3A_834, %parallel_loop3A_839 : vector<16xi32>
        %parallel_loop3A_841 = tpu.vector_load_idx %arg5[%parallel_loop3A_840] : memref<50016xf32, #tpu.memory_space<vmem>>[vector<16xi32>], vector<16xf32>,
        %parallel_loop3A_842 = arith.subf %parallel_loop3A_841, %parallel_loop3A_837 : vector<16xf32>
        %parallel_loop3A_843 = arith.mulf %parallel_loop3A_836, %parallel_loop3A_842 : vector<16xf32>
        %parallel_loop3A_844 = arith.addf %parallel_loop3A_837, %parallel_loop3A_843 : vector<16xf32>
        %parallel_loop3A_845 = arith.constant 1.000000e+02 : f32
        %parallel_loop3A_846 = vector.broadcast %parallel_loop3A_845 : f32 to vector<16xf32>
        %parallel_loop3A_847 = arith.cmpf ogt, %parallel_loop3A_821, %parallel_loop3A_846 : vector<16xf32>
        %parallel_loop3A_848 = arith.select %parallel_loop3A_847, %parallel_loop3A_821, %parallel_loop3A_844 : vector<16xi1>, vector<16xf32>
        %parallel_loop3A_849 = arith.constant 80 : i32
        %parallel_loop3A_850 = arith.addi %parallel_loop3A_631, %parallel_loop3A_849 : i32
        %parallel_loop3A_851 = arith.index_cast %parallel_loop3A_613 : i32 to index
        %parallel_loop3A_852 = arith.index_cast %parallel_loop3A_850 : i32 to index
        %parallel_loop3A_853 = tpu.vector_load %arg9[%parallel_loop3A_851, %parallel_loop3A_852] {strides = array<i32>} : memref<8x2048xf32, #tpu.memory_space<vmem>>, vector<16xf32>,
        tpu.vector_store %arg9[%parallel_loop3A_851, %parallel_loop3A_852], %parallel_loop3A_848 {strides = array<i32>} : memref<8x2048xf32, #tpu.memory_space<vmem>>, vector<16xf32>,
        %parallel_loop3A_854 = arith.constant 96 : i32
        %parallel_loop3A_855 = arith.addi %parallel_loop3A_631, %parallel_loop3A_854 : i32
        %parallel_loop3A_856 = arith.index_cast %parallel_loop3A_613 : i32 to index
        %parallel_loop3A_857 = arith.index_cast %parallel_loop3A_855 : i32 to index
        %parallel_loop3A_858 = tpu.vector_load %arg7[%parallel_loop3A_856, %parallel_loop3A_857] {strides = array<i32>} : memref<8x2048xf32, #tpu.memory_space<vmem>>, vector<16xf32>,
        %parallel_loop3A_859 = arith.constant -1.000000e+02 : f32
        %parallel_loop3A_860 = vector.broadcast %parallel_loop3A_859 : f32 to vector<16xf32>
        %parallel_loop3A_861 = arith.maximumf %parallel_loop3A_858, %parallel_loop3A_860 : vector<16xf32>
        %parallel_loop3A_862 = arith.constant 1.000000e+02 : f32
        %parallel_loop3A_863 = vector.broadcast %parallel_loop3A_862 : f32 to vector<16xf32>
        %parallel_loop3A_864 = arith.minimumf %parallel_loop3A_861, %parallel_loop3A_863 : vector<16xf32>
        %parallel_loop3A_865 = arith.constant -1.000000e+02 : f32
        %parallel_loop3A_866 = vector.broadcast %parallel_loop3A_865 : f32 to vector<16xf32>
        %parallel_loop3A_867 = arith.subf %parallel_loop3A_864, %parallel_loop3A_866 : vector<16xf32>
        %parallel_loop3A_868 = arith.constant 2.499950e+02 : f32
        %parallel_loop3A_869 = vector.broadcast %parallel_loop3A_868 : f32 to vector<16xf32>
        %parallel_loop3A_870 = arith.mulf %parallel_loop3A_867, %parallel_loop3A_869 : vector<16xf32>
        %parallel_loop3A_871 = arith.fptosi %parallel_loop3A_870 : vector<16xf32> to vector<16xi32>
        %parallel_loop3A_872 = arith.sitofp %parallel_loop3A_871 : vector<16xi32> to vector<16xf32>
        %parallel_loop3A_873 = arith.subf %parallel_loop3A_870, %parallel_loop3A_872 : vector<16xf32>
        %parallel_loop3A_874 = tpu.vector_load_idx %arg5[%parallel_loop3A_871] : memref<50016xf32, #tpu.memory_space<vmem>>[vector<16xi32>], vector<16xf32>,
        %parallel_loop3A_875 = arith.constant 1 : i32
        %parallel_loop3A_876 = vector.broadcast %parallel_loop3A_875 : i32 to vector<16xi32>
        %parallel_loop3A_877 = arith.addi %parallel_loop3A_871, %parallel_loop3A_876 : vector<16xi32>
        %parallel_loop3A_878 = tpu.vector_load_idx %arg5[%parallel_loop3A_877] : memref<50016xf32, #tpu.memory_space<vmem>>[vector<16xi32>], vector<16xf32>,
        %parallel_loop3A_879 = arith.subf %parallel_loop3A_878, %parallel_loop3A_874 : vector<16xf32>
        %parallel_loop3A_880 = arith.mulf %parallel_loop3A_873, %parallel_loop3A_879 : vector<16xf32>
        %parallel_loop3A_881 = arith.addf %parallel_loop3A_874, %parallel_loop3A_880 : vector<16xf32>
        %parallel_loop3A_882 = arith.constant 1.000000e+02 : f32
        %parallel_loop3A_883 = vector.broadcast %parallel_loop3A_882 : f32 to vector<16xf32>
        %parallel_loop3A_884 = arith.cmpf ogt, %parallel_loop3A_858, %parallel_loop3A_883 : vector<16xf32>
        %parallel_loop3A_885 = arith.select %parallel_loop3A_884, %parallel_loop3A_858, %parallel_loop3A_881 : vector<16xi1>, vector<16xf32>
        %parallel_loop3A_886 = arith.constant 96 : i32
        %parallel_loop3A_887 = arith.addi %parallel_loop3A_631, %parallel_loop3A_886 : i32
        %parallel_loop3A_888 = arith.index_cast %parallel_loop3A_613 : i32 to index
        %parallel_loop3A_889 = arith.index_cast %parallel_loop3A_887 : i32 to index
        %parallel_loop3A_890 = tpu.vector_load %arg9[%parallel_loop3A_888, %parallel_loop3A_889] {strides = array<i32>} : memref<8x2048xf32, #tpu.memory_space<vmem>>, vector<16xf32>,
        tpu.vector_store %arg9[%parallel_loop3A_888, %parallel_loop3A_889], %parallel_loop3A_885 {strides = array<i32>} : memref<8x2048xf32, #tpu.memory_space<vmem>>, vector<16xf32>,
        %parallel_loop3A_891 = arith.constant 112 : i32
        %parallel_loop3A_892 = arith.addi %parallel_loop3A_631, %parallel_loop3A_891 : i32
        %parallel_loop3A_893 = arith.index_cast %parallel_loop3A_613 : i32 to index
        %parallel_loop3A_894 = arith.index_cast %parallel_loop3A_892 : i32 to index
        %parallel_loop3A_895 = tpu.vector_load %arg7[%parallel_loop3A_893, %parallel_loop3A_894] {strides = array<i32>} : memref<8x2048xf32, #tpu.memory_space<vmem>>, vector<16xf32>,
        %parallel_loop3A_896 = arith.constant -1.000000e+02 : f32
        %parallel_loop3A_897 = vector.broadcast %parallel_loop3A_896 : f32 to vector<16xf32>
        %parallel_loop3A_898 = arith.maximumf %parallel_loop3A_895, %parallel_loop3A_897 : vector<16xf32>
        %parallel_loop3A_899 = arith.constant 1.000000e+02 : f32
        %parallel_loop3A_900 = vector.broadcast %parallel_loop3A_899 : f32 to vector<16xf32>
        %parallel_loop3A_901 = arith.minimumf %parallel_loop3A_898, %parallel_loop3A_900 : vector<16xf32>
        %parallel_loop3A_902 = arith.constant -1.000000e+02 : f32
        %parallel_loop3A_903 = vector.broadcast %parallel_loop3A_902 : f32 to vector<16xf32>
        %parallel_loop3A_904 = arith.subf %parallel_loop3A_901, %parallel_loop3A_903 : vector<16xf32>
        %parallel_loop3A_905 = arith.constant 2.499950e+02 : f32
        %parallel_loop3A_906 = vector.broadcast %parallel_loop3A_905 : f32 to vector<16xf32>
        %parallel_loop3A_907 = arith.mulf %parallel_loop3A_904, %parallel_loop3A_906 : vector<16xf32>
        %parallel_loop3A_908 = arith.fptosi %parallel_loop3A_907 : vector<16xf32> to vector<16xi32>
        %parallel_loop3A_909 = arith.sitofp %parallel_loop3A_908 : vector<16xi32> to vector<16xf32>
        %parallel_loop3A_910 = arith.subf %parallel_loop3A_907, %parallel_loop3A_909 : vector<16xf32>
        %parallel_loop3A_911 = tpu.vector_load_idx %arg5[%parallel_loop3A_908] : memref<50016xf32, #tpu.memory_space<vmem>>[vector<16xi32>], vector<16xf32>,
        %parallel_loop3A_912 = arith.constant 1 : i32
        %parallel_loop3A_913 = vector.broadcast %parallel_loop3A_912 : i32 to vector<16xi32>
        %parallel_loop3A_914 = arith.addi %parallel_loop3A_908, %parallel_loop3A_913 : vector<16xi32>
        %parallel_loop3A_915 = tpu.vector_load_idx %arg5[%parallel_loop3A_914] : memref<50016xf32, #tpu.memory_space<vmem>>[vector<16xi32>], vector<16xf32>,
        %parallel_loop3A_916 = arith.subf %parallel_loop3A_915, %parallel_loop3A_911 : vector<16xf32>
        %parallel_loop3A_917 = arith.mulf %parallel_loop3A_910, %parallel_loop3A_916 : vector<16xf32>
        %parallel_loop3A_918 = arith.addf %parallel_loop3A_911, %parallel_loop3A_917 : vector<16xf32>
        %parallel_loop3A_919 = arith.constant 1.000000e+02 : f32
        %parallel_loop3A_920 = vector.broadcast %parallel_loop3A_919 : f32 to vector<16xf32>
        %parallel_loop3A_921 = arith.cmpf ogt, %parallel_loop3A_895, %parallel_loop3A_920 : vector<16xf32>
        %parallel_loop3A_922 = arith.select %parallel_loop3A_921, %parallel_loop3A_895, %parallel_loop3A_918 : vector<16xi1>, vector<16xf32>
        %parallel_loop3A_923 = arith.constant 112 : i32
        %parallel_loop3A_924 = arith.addi %parallel_loop3A_631, %parallel_loop3A_923 : i32
        %parallel_loop3A_925 = arith.index_cast %parallel_loop3A_613 : i32 to index
        %parallel_loop3A_926 = arith.index_cast %parallel_loop3A_924 : i32 to index
        %parallel_loop3A_927 = tpu.vector_load %arg9[%parallel_loop3A_925, %parallel_loop3A_926] {strides = array<i32>} : memref<8x2048xf32, #tpu.memory_space<vmem>>, vector<16xf32>,
        tpu.vector_store %arg9[%parallel_loop3A_925, %parallel_loop3A_926], %parallel_loop3A_922 {strides = array<i32>} : memref<8x2048xf32, #tpu.memory_space<vmem>>, vector<16xf32>,
      } {sc.loop_unroll_factor = 2 : i64, sc.parallel_access}
      %dma_start3A_578 = tpu.memref_slice %arg4[%select_n3A_547, %mul3A_565, %mul3A_523] : memref<2x4096x4096xf32, #tpu.memory_space<hbm>> -> memref<1x8x2048xf32, #tpu.memory_space<hbm>>
      %dma_start3A_579 = tpu.memref_squeeze %dma_start3A_578 : memref<1x8x2048xf32, #tpu.memory_space<hbm>> -> memref<8x2048xf32, #tpu.memory_space<hbm>>
      %dma_start3A_580 = tpu.memref_slice %arg4[%select_n3A_547, %mul3A_565, %mul3A_523] : memref<2x4096x4096xf32, #tpu.memory_space<hbm>> -> memref<1x8x2048xf32, #tpu.memory_space<hbm>>
      %dma_start3A_581 = tpu.memref_squeeze %dma_start3A_580 : memref<1x8x2048xf32, #tpu.memory_space<hbm>> -> memref<8x2048xf32, #tpu.memory_space<hbm>>
      tpu.enqueue_dma source(%arg9 : memref<8x2048xf32, #tpu.memory_space<vmem>>) target(%dma_start3A_581 : memref<8x2048xf32, #tpu.memory_space<hbm>>) target_semaphore(%arg13 : memref<!tpu.dma_semaphore, #tpu.memory_space<semaphore_mem>>)
      %add3A_582 = arith.constant 2 : i32
      %add3A_583 = arith.addi %add3A_478, %add3A_582 : i32
      %lt3A_584 = arith.constant 64 : i32
      %lt3A_585 = arith.cmpi slt, %add3A_583, %lt3A_584 : i32
      %convert_element_type3A_586 = arith.extui %lt3A_585 : i1 to i32
      %cond3A_587 = arith.constant 0 : i32
      %cond3A_588 = arith.cmpi ne, %convert_element_type3A_586, %cond3A_587 : i32
      scf.if %cond3A_588 {
        %add3A_589 = arith.constant 2 : i32
        %add3A_590 = arith.addi %add3A_478, %add3A_589 : i32
        %mul3A_591 = arith.constant 64 : i32
        %mul3A_592 = arith.muli %add3A, %mul3A_591 : i32
        %add3A_593 = arith.addi %mul3A_592, %add3A_590 : i32
        %jit3A_594 = arith.constant 2 : i32
        %div3A_595 = arith.divsi %add3A_593, %jit3A_594 : i32
        %sign3A_596 = arith.constant 0 : i32
        %sign3A_597 = arith.cmpi sgt, %add3A_593, %sign3A_596 : i32
        %sign3A_598 = arith.extui %sign3A_597 : i1 to i32
        %sign3A_599 = arith.constant 0 : i32
        %sign3A_600 = arith.cmpi slt, %add3A_593, %sign3A_599 : i32
        %sign3A_601 = arith.extui %sign3A_600 : i1 to i32
        %sign3A_602 = arith.subi %sign3A_598, %sign3A_601 : i32
        %sign3A_603 = arith.constant 0 : i32
        %sign3A_604 = arith.cmpi sgt, %jit3A_594, %sign3A_603 : i32
        %sign3A_605 = arith.extui %sign3A_604 : i1 to i32
        %sign3A_606 = arith.constant 0 : i32
        %sign3A_607 = arith.cmpi slt, %jit3A_594, %sign3A_606 : i32
        %sign3A_608 = arith.extui %sign3A_607 : i1 to i32
        %sign3A_609 = arith.subi %sign3A_605, %sign3A_608 : i32
        %ne3A_610 = arith.cmpi ne, %sign3A_602, %sign3A_609 : i32
        %rem3A_611 = arith.remsi %add3A_593, %jit3A_594 : i32
        %ne3A_612 = arith.constant 0 : i32
        %ne3A_613 = arith.cmpi ne, %rem3A_611, %ne3A_612 : i32
        %and3A_614 = arith.andi %ne3A_610, %ne3A_613 : i1
        %sub3A_615 = arith.constant 1 : i32
        %sub3A_616 = arith.subi %div3A_595, %sub3A_615 : i32
        %select_n3A_617 = arith.select %and3A_614, %sub3A_616, %div3A_595 : i32
        %jit3A_618 = arith.constant 2 : i32
        %eq3A_619 = arith.constant 0 : i32
        %eq3A_620 = arith.cmpi eq, %jit3A_618, %eq3A_619 : i32
        %jit3A_621 = arith.constant 1 : i32
        %select_n3A_622 = arith.select %eq3A_620, %jit3A_621, %jit3A_618 : i32
        %rem3A_623 = arith.remsi %add3A_593, %select_n3A_622 : i32
        %ne3A_624 = arith.constant 0 : i32
        %ne3A_625 = arith.cmpi ne, %rem3A_623, %ne3A_624 : i32
        %lt3A_626 = arith.constant 0 : i32
        %lt3A_627 = arith.cmpi slt, %rem3A_623, %lt3A_626 : i32
        %lt3A_628 = arith.constant 0 : i32
        %lt3A_629 = arith.cmpi slt, %select_n3A_622, %lt3A_628 : i32
        %ne3A_630 = arith.xori %lt3A_627, %lt3A_629 : i1
        %and3A_631 = arith.andi %ne3A_630, %ne3A_625 : i1
        %add3A_632 = arith.addi %rem3A_623, %select_n3A_622 : i32
        %select_n3A_633 = arith.select %and3A_631, %add3A_632, %rem3A_623 : i32
        %mul3A_634 = arith.constant 2048 : i32
        %mul3A_635 = arith.muli %select_n3A_633, %mul3A_634 : i32
        %jit3A_636 = arith.constant 512 : i32
        %div3A_637 = arith.divsi %select_n3A_617, %jit3A_636 : i32
        %sign3A_638 = arith.constant 0 : i32
        %sign3A_639 = arith.cmpi sgt, %select_n3A_617, %sign3A_638 : i32
        %sign3A_640 = arith.extui %sign3A_639 : i1 to i32
        %sign3A_641 = arith.constant 0 : i32
        %sign3A_642 = arith.cmpi slt, %select_n3A_617, %sign3A_641 : i32
        %sign3A_643 = arith.extui %sign3A_642 : i1 to i32
        %sign3A_644 = arith.subi %sign3A_640, %sign3A_643 : i32
        %sign3A_645 = arith.constant 0 : i32
        %sign3A_646 = arith.cmpi sgt, %jit3A_636, %sign3A_645 : i32
        %sign3A_647 = arith.extui %sign3A_646 : i1 to i32
        %sign3A_648 = arith.constant 0 : i32
        %sign3A_649 = arith.cmpi slt, %jit3A_636, %sign3A_648 : i32
        %sign3A_650 = arith.extui %sign3A_649 : i1 to i32
        %sign3A_651 = arith.subi %sign3A_647, %sign3A_650 : i32
        %ne3A_652 = arith.cmpi ne, %sign3A_644, %sign3A_651 : i32
        %rem3A_653 = arith.remsi %select_n3A_617, %jit3A_636 : i32
        %ne3A_654 = arith.constant 0 : i32
        %ne3A_655 = arith.cmpi ne, %rem3A_653, %ne3A_654 : i32
        %and3A_656 = arith.andi %ne3A_652, %ne3A_655 : i1
        %sub3A_657 = arith.constant 1 : i32
        %sub3A_658 = arith.subi %div3A_637, %sub3A_657 : i32
        %select_n3A_659 = arith.select %and3A_656, %sub3A_658, %div3A_637 : i32
        %jit3A_660 = arith.constant 512 : i32
        %eq3A_661 = arith.constant 0 : i32
        %eq3A_662 = arith.cmpi eq, %jit3A_660, %eq3A_661 : i32
        %jit3A_663 = arith.constant 1 : i32
        %select_n3A_664 = arith.select %eq3A_662, %jit3A_663, %jit3A_660 : i32
        %rem3A_665 = arith.remsi %select_n3A_617, %select_n3A_664 : i32
        %ne3A_666 = arith.constant 0 : i32
        %ne3A_667 = arith.cmpi ne, %rem3A_665, %ne3A_666 : i32
        %lt3A_668 = arith.constant 0 : i32
        %lt3A_669 = arith.cmpi slt, %rem3A_665, %lt3A_668 : i32
        %lt3A_670 = arith.constant 0 : i32
        %lt3A_671 = arith.cmpi slt, %select_n3A_664, %lt3A_670 : i32
        %ne3A_672 = arith.xori %lt3A_669, %lt3A_671 : i1
        %and3A_673 = arith.andi %ne3A_672, %ne3A_667 : i1
        %add3A_674 = arith.addi %rem3A_665, %select_n3A_664 : i32
        %select_n3A_675 = arith.select %and3A_673, %add3A_674, %rem3A_665 : i32
        %mul3A_676 = arith.constant 8 : i32
        %mul3A_677 = arith.muli %select_n3A_675, %mul3A_676 : i32
        %dma_start3A_678 = tpu.memref_slice %arg2[%select_n3A_659, %mul3A_677, %mul3A_635] : memref<2x4096x4096xf32, #tpu.memory_space<hbm>> -> memref<1x8x2048xf32, #tpu.memory_space<hbm>>
        %dma_start3A_679 = tpu.memref_squeeze %dma_start3A_678 : memref<1x8x2048xf32, #tpu.memory_space<hbm>> -> memref<8x2048xf32, #tpu.memory_space<hbm>>
        %dma_start3A_680 = tpu.memref_slice %arg2[%select_n3A_659, %mul3A_677, %mul3A_635] : memref<2x4096x4096xf32, #tpu.memory_space<hbm>> -> memref<1x8x2048xf32, #tpu.memory_space<hbm>>
        %dma_start3A_681 = tpu.memref_squeeze %dma_start3A_680 : memref<1x8x2048xf32, #tpu.memory_space<hbm>> -> memref<8x2048xf32, #tpu.memory_space<hbm>>
        tpu.enqueue_dma source(%dma_start3A_681 : memref<8x2048xf32, #tpu.memory_space<hbm>>) target(%arg7 : memref<8x2048xf32, #tpu.memory_space<vmem>>) target_semaphore(%arg11 : memref<!tpu.dma_semaphore, #tpu.memory_space<semaphore_mem>>)
      } else {
      }
    }
    %scan3A_180 = arith.constant 32 : i32
    %mul3A_181 = arith.constant 64 : i32
    %mul3A_182 = arith.muli %add3A, %mul3A_181 : i32
    %add3A_183 = arith.constant 62 : i32
    %add3A_184 = arith.addi %mul3A_182, %add3A_183 : i32
    %jit3A_185 = arith.constant 2 : i32
    %div3A_186 = arith.divsi %add3A_184, %jit3A_185 : i32
    %sign3A_187 = arith.constant 0 : i32
    %sign3A_188 = arith.cmpi sgt, %add3A_184, %sign3A_187 : i32
    %sign3A_189 = arith.extui %sign3A_188 : i1 to i32
    %sign3A_190 = arith.constant 0 : i32
    %sign3A_191 = arith.cmpi slt, %add3A_184, %sign3A_190 : i32
    %sign3A_192 = arith.extui %sign3A_191 : i1 to i32
    %sign3A_193 = arith.subi %sign3A_189, %sign3A_192 : i32
    %sign3A_194 = arith.constant 0 : i32
    %sign3A_195 = arith.cmpi sgt, %jit3A_185, %sign3A_194 : i32
    %sign3A_196 = arith.extui %sign3A_195 : i1 to i32
    %sign3A_197 = arith.constant 0 : i32
    %sign3A_198 = arith.cmpi slt, %jit3A_185, %sign3A_197 : i32
    %sign3A_199 = arith.extui %sign3A_198 : i1 to i32
    %sign3A_200 = arith.subi %sign3A_196, %sign3A_199 : i32
    %ne3A_201 = arith.cmpi ne, %sign3A_193, %sign3A_200 : i32
    %rem3A_202 = arith.remsi %add3A_184, %jit3A_185 : i32
    %ne3A_203 = arith.constant 0 : i32
    %ne3A_204 = arith.cmpi ne, %rem3A_202, %ne3A_203 : i32
    %and3A_205 = arith.andi %ne3A_201, %ne3A_204 : i1
    %sub3A_206 = arith.constant 1 : i32
    %sub3A_207 = arith.subi %div3A_186, %sub3A_206 : i32
    %select_n3A_208 = arith.select %and3A_205, %sub3A_207, %div3A_186 : i32
    %jit3A_209 = arith.constant 2 : i32
    %eq3A_210 = arith.constant 0 : i32
    %eq3A_211 = arith.cmpi eq, %jit3A_209, %eq3A_210 : i32
    %jit3A_212 = arith.constant 1 : i32
    %select_n3A_213 = arith.select %eq3A_211, %jit3A_212, %jit3A_209 : i32
    %rem3A_214 = arith.remsi %add3A_184, %select_n3A_213 : i32
    %ne3A_215 = arith.constant 0 : i32
    %ne3A_216 = arith.cmpi ne, %rem3A_214, %ne3A_215 : i32
    %lt3A_217 = arith.constant 0 : i32
    %lt3A_218 = arith.cmpi slt, %rem3A_214, %lt3A_217 : i32
    %lt3A_219 = arith.constant 0 : i32
    %lt3A_220 = arith.cmpi slt, %select_n3A_213, %lt3A_219 : i32
    %ne3A_221 = arith.xori %lt3A_218, %lt3A_220 : i1
    %and3A_222 = arith.andi %ne3A_221, %ne3A_216 : i1
    %add3A_223 = arith.addi %rem3A_214, %select_n3A_213 : i32
    %select_n3A_224 = arith.select %and3A_222, %add3A_223, %rem3A_214 : i32
    %mul3A_225 = arith.constant 2048 : i32
    %mul3A_226 = arith.muli %select_n3A_224, %mul3A_225 : i32
    %jit3A_227 = arith.constant 512 : i32
    %div3A_228 = arith.divsi %select_n3A_208, %jit3A_227 : i32
    %sign3A_229 = arith.constant 0 : i32
    %sign3A_230 = arith.cmpi sgt, %select_n3A_208, %sign3A_229 : i32
    %sign3A_231 = arith.extui %sign3A_230 : i1 to i32
    %sign3A_232 = arith.constant 0 : i32
    %sign3A_233 = arith.cmpi slt, %select_n3A_208, %sign3A_232 : i32
    %sign3A_234 = arith.extui %sign3A_233 : i1 to i32
    %sign3A_235 = arith.subi %sign3A_231, %sign3A_234 : i32
    %sign3A_236 = arith.constant 0 : i32
    %sign3A_237 = arith.cmpi sgt, %jit3A_227, %sign3A_236 : i32
    %sign3A_238 = arith.extui %sign3A_237 : i1 to i32
    %sign3A_239 = arith.constant 0 : i32
    %sign3A_240 = arith.cmpi slt, %jit3A_227, %sign3A_239 : i32
    %sign3A_241 = arith.extui %sign3A_240 : i1 to i32
    %sign3A_242 = arith.subi %sign3A_238, %sign3A_241 : i32
    %ne3A_243 = arith.cmpi ne, %sign3A_235, %sign3A_242 : i32
    %rem3A_244 = arith.remsi %select_n3A_208, %jit3A_227 : i32
    %ne3A_245 = arith.constant 0 : i32
    %ne3A_246 = arith.cmpi ne, %rem3A_244, %ne3A_245 : i32
    %and3A_247 = arith.andi %ne3A_243, %ne3A_246 : i1
    %sub3A_248 = arith.constant 1 : i32
    %sub3A_249 = arith.subi %div3A_228, %sub3A_248 : i32
    %select_n3A_250 = arith.select %and3A_247, %sub3A_249, %div3A_228 : i32
    %jit3A_251 = arith.constant 512 : i32
    %eq3A_252 = arith.constant 0 : i32
    %eq3A_253 = arith.cmpi eq, %jit3A_251, %eq3A_252 : i32
    %jit3A_254 = arith.constant 1 : i32
    %select_n3A_255 = arith.select %eq3A_253, %jit3A_254, %jit3A_251 : i32
    %rem3A_256 = arith.remsi %select_n3A_208, %select_n3A_255 : i32
    %ne3A_257 = arith.constant 0 : i32
    %ne3A_258 = arith.cmpi ne, %rem3A_256, %ne3A_257 : i32
    %lt3A_259 = arith.constant 0 : i32
    %lt3A_260 = arith.cmpi slt, %rem3A_256, %lt3A_259 : i32
    %lt3A_261 = arith.constant 0 : i32
    %lt3A_262 = arith.cmpi slt, %select_n3A_255, %lt3A_261 : i32
    %ne3A_263 = arith.xori %lt3A_260, %lt3A_262 : i1
    %and3A_264 = arith.andi %ne3A_263, %ne3A_258 : i1
    %add3A_265 = arith.addi %rem3A_256, %select_n3A_255 : i32
    %select_n3A_266 = arith.select %and3A_264, %add3A_265, %rem3A_256 : i32
    %mul3A_267 = arith.constant 8 : i32
    %mul3A_268 = arith.muli %select_n3A_266, %mul3A_267 : i32
    %dma_wait3A = tpu.memref_slice %arg4[%select_n3A_250, %mul3A_268, %mul3A_226] : memref<2x4096x4096xf32, #tpu.memory_space<hbm>> -> memref<1x8x2048xf32, #tpu.memory_space<hbm>>
    %dma_wait3A_269 = tpu.memref_squeeze %dma_wait3A : memref<1x8x2048xf32, #tpu.memory_space<hbm>> -> memref<8x2048xf32, #tpu.memory_space<hbm>>
    %dma_wait3A_270 = tpu.memref_slice %arg4[%select_n3A_250, %mul3A_268, %mul3A_226] : memref<2x4096x4096xf32, #tpu.memory_space<hbm>> -> memref<1x8x2048xf32, #tpu.memory_space<hbm>>
    %dma_wait3A_271 = tpu.memref_squeeze %dma_wait3A_270 : memref<1x8x2048xf32, #tpu.memory_space<hbm>> -> memref<8x2048xf32, #tpu.memory_space<hbm>>
    tpu.wait_dma2 semaphore(%arg12 : memref<!tpu.dma_semaphore, #tpu.memory_space<semaphore_mem>>) src(%arg8 : memref<8x2048xf32, #tpu.memory_space<vmem>>) dst(%dma_wait3A_271 : memref<8x2048xf32, #tpu.memory_space<hbm>>)
    %mul3A_272 = arith.constant 64 : i32
    %mul3A_273 = arith.muli %add3A, %mul3A_272 : i32
    %add3A_274 = arith.constant 63 : i32
    %add3A_275 = arith.addi %mul3A_273, %add3A_274 : i32
    %jit3A_276 = arith.constant 2 : i32
    %div3A_277 = arith.divsi %add3A_275, %jit3A_276 : i32
    %sign3A_278 = arith.constant 0 : i32
    %sign3A_279 = arith.cmpi sgt, %add3A_275, %sign3A_278 : i32
    %sign3A_280 = arith.extui %sign3A_279 : i1 to i32
    %sign3A_281 = arith.constant 0 : i32
    %sign3A_282 = arith.cmpi slt, %add3A_275, %sign3A_281 : i32
    %sign3A_283 = arith.extui %sign3A_282 : i1 to i32
    %sign3A_284 = arith.subi %sign3A_280, %sign3A_283 : i32
    %sign3A_285 = arith.constant 0 : i32
    %sign3A_286 = arith.cmpi sgt, %jit3A_276, %sign3A_285 : i32
    %sign3A_287 = arith.extui %sign3A_286 : i1 to i32
    %sign3A_288 = arith.constant 0 : i32
    %sign3A_289 = arith.cmpi slt, %jit3A_276, %sign3A_288 : i32
    %sign3A_290 = arith.extui %sign3A_289 : i1 to i32
    %sign3A_291 = arith.subi %sign3A_287, %sign3A_290 : i32
    %ne3A_292 = arith.cmpi ne, %sign3A_284, %sign3A_291 : i32
    %rem3A_293 = arith.remsi %add3A_275, %jit3A_276 : i32
    %ne3A_294 = arith.constant 0 : i32
    %ne3A_295 = arith.cmpi ne, %rem3A_293, %ne3A_294 : i32
    %and3A_296 = arith.andi %ne3A_292, %ne3A_295 : i1
    %sub3A_297 = arith.constant 1 : i32
    %sub3A_298 = arith.subi %div3A_277, %sub3A_297 : i32
    %select_n3A_299 = arith.select %and3A_296, %sub3A_298, %div3A_277 : i32
    %jit3A_300 = arith.constant 2 : i32
    %eq3A_301 = arith.constant 0 : i32
    %eq3A_302 = arith.cmpi eq, %jit3A_300, %eq3A_301 : i32
    %jit3A_303 = arith.constant 1 : i32
    %select_n3A_304 = arith.select %eq3A_302, %jit3A_303, %jit3A_300 : i32
    %rem3A_305 = arith.remsi %add3A_275, %select_n3A_304 : i32
    %ne3A_306 = arith.constant 0 : i32
    %ne3A_307 = arith.cmpi ne, %rem3A_305, %ne3A_306 : i32
    %lt3A_308 = arith.constant 0 : i32
    %lt3A_309 = arith.cmpi slt, %rem3A_305, %lt3A_308 : i32
    %lt3A_310 = arith.constant 0 : i32
    %lt3A_311 = arith.cmpi slt, %select_n3A_304, %lt3A_310 : i32
    %ne3A_312 = arith.xori %lt3A_309, %lt3A_311 : i1
    %and3A_313 = arith.andi %ne3A_312, %ne3A_307 : i1
    %add3A_314 = arith.addi %rem3A_305, %select_n3A_304 : i32
    %select_n3A_315 = arith.select %and3A_313, %add3A_314, %rem3A_305 : i32
    %mul3A_316 = arith.constant 2048 : i32
    %mul3A_317 = arith.muli %select_n3A_315, %mul3A_316 : i32
    %jit3A_318 = arith.constant 512 : i32
    %div3A_319 = arith.divsi %select_n3A_299, %jit3A_318 : i32
    %sign3A_320 = arith.constant 0 : i32
    %sign3A_321 = arith.cmpi sgt, %select_n3A_299, %sign3A_320 : i32
    %sign3A_322 = arith.extui %sign3A_321 : i1 to i32
    %sign3A_323 = arith.constant 0 : i32
    %sign3A_324 = arith.cmpi slt, %select_n3A_299, %sign3A_323 : i32
    %sign3A_325 = arith.extui %sign3A_324 : i1 to i32
    %sign3A_326 = arith.subi %sign3A_322, %sign3A_325 : i32
    %sign3A_327 = arith.constant 0 : i32
    %sign3A_328 = arith.cmpi sgt, %jit3A_318, %sign3A_327 : i32
    %sign3A_329 = arith.extui %sign3A_328 : i1 to i32
    %sign3A_330 = arith.constant 0 : i32
    %sign3A_331 = arith.cmpi slt, %jit3A_318, %sign3A_330 : i32
    %sign3A_332 = arith.extui %sign3A_331 : i1 to i32
    %sign3A_333 = arith.subi %sign3A_329, %sign3A_332 : i32
    %ne3A_334 = arith.cmpi ne, %sign3A_326, %sign3A_333 : i32
    %rem3A_335 = arith.remsi %select_n3A_299, %jit3A_318 : i32
    %ne3A_336 = arith.constant 0 : i32
    %ne3A_337 = arith.cmpi ne, %rem3A_335, %ne3A_336 : i32
    %and3A_338 = arith.andi %ne3A_334, %ne3A_337 : i1
    %sub3A_339 = arith.constant 1 : i32
    %sub3A_340 = arith.subi %div3A_319, %sub3A_339 : i32
    %select_n3A_341 = arith.select %and3A_338, %sub3A_340, %div3A_319 : i32
    %jit3A_342 = arith.constant 512 : i32
    %eq3A_343 = arith.constant 0 : i32
    %eq3A_344 = arith.cmpi eq, %jit3A_342, %eq3A_343 : i32
    %jit3A_345 = arith.constant 1 : i32
    %select_n3A_346 = arith.select %eq3A_344, %jit3A_345, %jit3A_342 : i32
    %rem3A_347 = arith.remsi %select_n3A_299, %select_n3A_346 : i32
    %ne3A_348 = arith.constant 0 : i32
    %ne3A_349 = arith.cmpi ne, %rem3A_347, %ne3A_348 : i32
    %lt3A_350 = arith.constant 0 : i32
    %lt3A_351 = arith.cmpi slt, %rem3A_347, %lt3A_350 : i32
    %lt3A_352 = arith.constant 0 : i32
    %lt3A_353 = arith.cmpi slt, %select_n3A_346, %lt3A_352 : i32
    %ne3A_354 = arith.xori %lt3A_351, %lt3A_353 : i1
    %and3A_355 = arith.andi %ne3A_354, %ne3A_349 : i1
    %add3A_356 = arith.addi %rem3A_347, %select_n3A_346 : i32
    %select_n3A_357 = arith.select %and3A_355, %add3A_356, %rem3A_347 : i32
    %mul3A_358 = arith.constant 8 : i32
    %mul3A_359 = arith.muli %select_n3A_357, %mul3A_358 : i32
    %dma_wait3A_360 = tpu.memref_slice %arg4[%select_n3A_341, %mul3A_359, %mul3A_317] : memref<2x4096x4096xf32, #tpu.memory_space<hbm>> -> memref<1x8x2048xf32, #tpu.memory_space<hbm>>
    %dma_wait3A_361 = tpu.memref_squeeze %dma_wait3A_360 : memref<1x8x2048xf32, #tpu.memory_space<hbm>> -> memref<8x2048xf32, #tpu.memory_space<hbm>>
    %dma_wait3A_362 = tpu.memref_slice %arg4[%select_n3A_341, %mul3A_359, %mul3A_317] : memref<2x4096x4096xf32, #tpu.memory_space<hbm>> -> memref<1x8x2048xf32, #tpu.memory_space<hbm>>
    %dma_wait3A_363 = tpu.memref_squeeze %dma_wait3A_362 : memref<1x8x2048xf32, #tpu.memory_space<hbm>> -> memref<8x2048xf32, #tpu.memory_space<hbm>>
    tpu.wait_dma2 semaphore(%arg13 : memref<!tpu.dma_semaphore, #tpu.memory_space<semaphore_mem>>) src(%arg9 : memref<8x2048xf32, #tpu.memory_space<vmem>>) dst(%dma_wait3A_363 : memref<8x2048xf32, #tpu.memory_space<hbm>>)
    return
  }
}

</mosaic_0001>

<sc_bundles>
// kernel: kernel.3.cloned.1.call-start
scs
__scs_entry_jumppad:
0x0: {  	(pc) =	sbr.rel $0x88, $3  }
0x1: {  	(tag) =	ssettag $0x0;
	lr =	simm.s32 $0x1  }
0x2: {  	[smem:$0x3F9F] =	sst lr;
	_ =	strace $0xD0000000  }
0x3: {  	_ = 	snop  }
0x4: {  	_ = 	snop  }
0x5: {  	_ = 	snop  }
0x6: {  	_ = 	snop  }
0x7: {  	_ = 	snop  }
__scs_overlays_trampoline_lowered:
0x8: {  	[smem:$0x3FAE] =	sst s0  }
0x9: {  	[smem:$0x3FAF] =	sst s1  }
0xa: {  	[smem:$0x3FB0] =	sst s2  }
0xb: {  	[smem:$0x3FB1] =	sst s3  }
0xc: {  	[smem:$0x3FB2] =	sst s4  }
0xd: {  	[smem:$0x3FB3] =	sst s5  }
0xe: {  	[smem:$0x3FB4] =	sst s6  }
0xf: {  	[smem:$0x3FB5] =	sst s7  }
0x10: {  	[smem:$0x3FB6] =	sst s8  }
0x11: {  	[smem:$0x3FB7] =	sst s9;
	s0 =	simm.s32 @!p0 $0x0  }
0x12: {  	s1 =	sld [smem:$0x3F9D];
	s0 =	simm.s32 @p0 $0x1  }
0x13: {  	[smem:$0x3FB8] =	sst s0;
	s0 =	simm.s32 @!p1 $0x0  }
0x14: {  	s2 =	sld [smem:$0x3F9C];
	s0 =	simm.s32 @p1 $0x1  }
0x15: {  	[smem:$0x3FB9] =	sst s0;
	s0 =	simm.s32 @!p2 $0x0  }
0x16: {  	s3 =	sld [smem:$0x3FDB];
	s0 =	simm.s32 @p2 $0x1  }
0x17: {  	s4 =	simm.s32 $0x1BF5;
	[smem:$0x3FBB] =	sst s0  }
0x18: {  	s0 =	sld [smem:$0x3F9E];
	_ =	swait.ge [sflag:s4], $0x0  }
0x19: {  	s7 =	sld [smem:$0x3F9F]  }
0x1a: {  	s8 =	sadd.s32 $0xFFFFE003, lr  }
0x1b: {  	s9 =	sadd.s32 $0xFFFFFEF7, lr;
	s5 =	simm.s32 $0xFFFFFFFF;
	p2 =	slt.u32 s8, $0xFFFFF086  }
0x1c: {  	p1 =	slt.u32 s9, $0xF7A;
	s5 =	simm.s32 @!p2 $0x0  }
0x1d: {  	s5 =	simm.s32 @p1 $0x1;
	p0 =	seq.s32 s7, s2  }
0x1e: {  	s7 =	smul.u32 @!p0 $0xF7A, s2;
	p2 =	seq.s32 @!p0 s5, $0x0  }
0x1f: {  	s9 =	smul.u32 $0xF7A, s1;
	s8 =	simm.s32 @!p0 $0x1BF5;
	p2 =	por !p2, p0  }
0x20: {  	[sflag:s8] =	ssyncset.s32 @!p0 $0xFFFFF086;
	s6 =	sadd.s32 @!p0 s3, s7;
	s7 =	simm.s32 @!p0 $0x108  }
0x21: {  	s3 =	sadd.s32 s3, s9;
	s6 =	sadd.s32 @!p0 $0x88, s6;
	s7 =	simm.s32 @p2 $0x1082  }
0x22: {  	[simem:s7], [sflag:s8] =	dma.local @!p0 [hbm:s6], $0xF7A  }
0x23: {  	s9 =	sor.u32 $0xD0000000, s2;
	s6 =	simm.s32 $0x108;
	_ =	swait.ge @!p0 [sflag:s8], $0x0  }
0x24: {  	s3 =	sadd.s32 $0x88, s3;
	s6 =	simm.s32 @!p1 $0x1082;
	[sflag:s4] =	ssyncset.s32 $0xFFFFF086  }
0x25: {  	[simem:s6], [sflag:s4] =	dma.local [hbm:s3], $0xF7A  }
0x26: {  	[smem:$0x3F9F] =	sst s1;
	(tag) =	ssettag s2;
	_ =	strace s9  }
0x27: {  	s1 =	sld [smem:$0x3FAF]  }
0x28: {  	s2 =	sld [smem:$0x3FB0]  }
0x29: {  	s4 =	sld [smem:$0x3FB2]  }
0x2a: {  	p0 =	seq.s32 s5, $0x0;
	s5 =	sld [smem:$0x3FB3]  }
0x2b: {  	s6 =	sld [smem:$0x3FB4]  }
0x2c: {  	s7 =	sld [smem:$0x3FB5]  }
0x2d: {  	s3 =	simm.s32 $0x108;
	s8 =	sld [smem:$0x3FB6]  }
0x2e: {  	s3 =	simm.s32 @!p0 $0x1082;
	s9 =	sld [smem:$0x3FB7]  }
0x2f: {  	lr =	sadd.s32 s0, s3;
	s0 =	sld [smem:$0x3FAE]  }
0x30: {  	s3 =	sld [smem:$0x3FB1]  }
0x31: {  	[smem:$0x3FBA] =	sst s10  }
0x32: {  	s10 =	sld [smem:$0x3FB8];
	_ =	sdelay $0x3  }
0x33: {  	p0 =	seq.s32 s10, $0x1;
	s10 =	sld [smem:$0x3FBA];
	_ =	sdelay $0x3  }
0x34: {  	[smem:$0x3FBA] =	sst s10  }
0x35: {  	s10 =	sld [smem:$0x3FB9];
	_ =	sdelay $0x3  }
0x36: {  	p1 =	seq.s32 s10, $0x1;
	s10 =	sld [smem:$0x3FBA];
	_ =	sdelay $0x3  }
0x37: {  	[smem:$0x3FBA] =	sst s10  }
0x38: {  	s10 =	sld [smem:$0x3FBB]  }
0x39: {  	_ = 	snop;
	(pc) =	sbr.ind lr, $3  }
0x3a: {  	_ = 	snop  }
0x3b: {  	_ = 	snop  }
0x3c: {  	p2 =	seq.s32 s10, $0x1;
	s10 =	sld [smem:$0x3FBA]  }
0x3d: {  	_ =	shalt  }
0x3e: {  	_ =	shalt  }
0x3f: {  	_ =	shalt  }
0x40: {  	_ =	shalt  }
0x41: {  	_ =	shalt  }
0x42: {  	_ =	shalt  }
0x43: {  	_ =	shalt  }
0x44: {  	_ =	shalt  }
0x45: {  	_ =	shalt  }
0x46: {  	_ =	shalt  }
0x47: {  	_ =	shalt  }
0x48: {  	_ =	shalt  }
0x49: {  	_ =	shalt  }
0x4a: {  	_ =	shalt  }
0x4b: {  	_ =	shalt  }
0x4c: {  	_ =	shalt  }
0x4d: {  	_ =	shalt  }
0x4e: {  	_ =	shalt  }
0x4f: {  	_ =	shalt  }
0x50: {  	_ =	shalt  }
0x51: {  	_ =	shalt  }
0x52: {  	_ =	shalt  }
0x53: {  	_ =	shalt  }
0x54: {  	_ =	shalt  }
0x55: {  	_ =	shalt  }
0x56: {  	_ =	shalt  }
0x57: {  	_ =	shalt  }
0x58: {  	_ =	shalt  }
0x59: {  	_ =	shalt  }
0x5a: {  	_ =	shalt  }
0x5b: {  	_ =	shalt  }
0x5c: {  	_ =	shalt  }
0x5d: {  	_ =	shalt  }
0x5e: {  	_ =	shalt  }
0x5f: {  	_ =	shalt  }
0x60: {  	_ =	shalt  }
0x61: {  	_ =	shalt  }
0x62: {  	_ =	shalt  }
0x63: {  	_ =	shalt  }
0x64: {  	_ =	shalt  }
0x65: {  	_ =	shalt  }
0x66: {  	_ =	shalt  }
0x67: {  	_ =	shalt  }
0x68: {  	_ =	shalt  }
0x69: {  	_ =	shalt  }
0x6a: {  	_ =	shalt  }
0x6b: {  	_ =	shalt  }
0x6c: {  	_ =	shalt  }
0x6d: {  	_ =	shalt  }
0x6e: {  	_ =	shalt  }
0x6f: {  	_ =	shalt  }
0x70: {  	_ =	shalt  }
0x71: {  	_ =	shalt  }
0x72: {  	_ =	shalt  }
0x73: {  	_ =	shalt  }
0x74: {  	_ =	shalt  }
0x75: {  	_ =	shalt  }
0x76: {  	_ =	shalt  }
0x77: {  	_ =	shalt  }
0x78: {  	_ =	shalt  }
0x79: {  	_ =	shalt  }
0x7a: {  	_ =	shalt  }
0x7b: {  	_ =	shalt  }
0x7c: {  	_ =	shalt  }
0x7d: {  	_ =	shalt  }
0x7e: {  	_ =	shalt  }
0x7f: {  	_ =	shalt  }
0x80: {  	_ =	shalt  }
0x81: {  	_ =	shalt  }
0x82: {  	_ =	shalt  }
0x83: {  	_ =	shalt  }
0x84: {  	_ =	shalt  }
0x85: {  	_ =	shalt  }
0x86: {  	_ =	shalt  }
0x87: {  	_ =	shalt  }
.Lfunc_end0:
.L_simem_size_0:
called_computation_lowered:
.L_overlay_start_0:
0x88: {  	s2 =	sld [smem:$0x3FD9]  }
0x89: {  	s3 =	sld [smem:$0x3FFE];
	_ =	sdelay $0x1  }
0x8a: {  	s1 =	srdreg.scid  }
0x8b: {  	s0 =	sand.u32 $0x1, s1  }
0x8c: {  	s18 =	sshll.u32 s0, $0xA;
	s2 =	sadd.s32 s3, s2  }
0x8d: {  	s2 =	sadd.s32 s2, s18  }
0x8e: {  	[smem:$0x3FC6] =	sst s2  }
0x8f: {  	_ = 	snop  }
0x90: {  	s2 =	sld [smem:$0x3FC9]  }
0x91: {  	s19 =	sld [smem:$0x3FC8]  }
0x92: {  	s4 =	sld [smem:$0x3FD0];
	(tm) =	ssettm $0x1  }
0x93: {  	s5 =	sld [smem:$0x3FFB];
	_ =	sdelay $0x3  }
0x94: {  	_ =	strace s5  }
0x95: {  	s5 =	sld [smem:$0x3FFC];
	_ =	sdelay $0x3  }
0x96: {  	_ =	strace s5  }
0x97: {  	s5 =	sld [smem:$0x3FFD];
	_ =	sdelay $0x3  }
0x98: {  	_ =	strace s5  }
0x99: {  	_ =	strace $0x8FFFFFFF  }
0x9a: {  	s20 =	sld [smem:$0x3FDB];
	_ =	sdelay $0x1  }
0x9b: {  	s6 =	simm.s32 $_scs_section_size  }
0x9c: {  	s7 =	simm.s32 $_size__tile_overlayer_lowered;
	s8 =	simm.s32 $_tile_overlayer_lowered  }
0x9d: {  	s23 =	simm.s32 $0x1BFF;
	s22 =	sshll.u32 s8, $0x1;
	s5 =	sadd.s32 s6, s20  }
0x9e: {  	s9 =	simm.s32 $0x0;
	s21 =	sshll.u32 s7, $0x1;
	s7 =	sadd.s32 s22, s5  }
0x9f: {  	[timem:s9], [sflag:s23] =	dma.local [hbm:s7], s21  }
0xa0: {  	_ =	swait.ge [sflag:s23], s21  }
0xa1: {  	s6 =	ssub.s32 $0x0, s21;
	[sflag:s23] =	ssyncset.done $0x0  }
0xa2: {  	[sflag:s23] =	ssyncadd.s32 s6;
	_ =	sdelay $0x1  }
0xa3: {  	s24 =	simm.s32 $0x1B8B  }
0xa4: {  	_ =	swait.ge [sflag:s24], $0x1  }
0xa5: {  	[sflag:s24] =	ssyncset.done $0x0  }
0xa6: {  	s25 =	simm.s32 $0x1B8E;
	[sflag:s24] =	ssyncadd.s32 $0xFFFFFFFF  }
0xa7: {  	s26 =	simm.s32 $execute0_lowered;
	[smem:$0x3FD2] =	sst s25  }
0xa8: {  	s6 =	sshll.u32 s26, $0x1;
	_ =	strace $0x80000046;
	[dreg:$0x1] =	wrdreg $0xFFFFFFFF  }
0xa9: {  	s28 =	simm.s32 $_size_execute0_lowered;
	s5 =	sadd.s32 s5, s6;
	[dreg:$0x0] =	wrdreg $0x0  }
0xaa: {  	s6 =	sshll.u32 s28, $0x1;
	[dreg:$0x2] =	wrdreg s5  }
0xab: {  	[dreg:$0x3] =	wrdreg s6  }
0xac: {  	[dreg:$0x4] =	wrdreg $0xC0  }
0xad: {  	_ =	task [dreg:s9], $0x5FFFF  }
0xae: {  	[dreg:$0x1] =	wrdreg $0xFFFFFFFF  }
0xaf: {  	[dreg:$0x0] =	wrdreg $0x60  }
0xb0: {  	[dreg:$0x2] =	wrdreg s2  }
0xb1: {  	[dreg:$0x3] =	wrdreg s19  }
0xb2: {  	[dreg:$0x4] =	wrdreg s4  }
0xb3: {  	[dreg:$0x5] =	wrdreg $0x9  }
0xb4: {  	_ =	task.clear_ibuf [dreg:s9], $0x6FFFF;
	_ =	strace $0x90000046  }
0xb5: {  	s29 =	simm.s32 $0x9;
	_ =	strace $0x80000048  }
0xb6: {  	_ =	swait.ge [sflag:s29], $0x1  }
0xb7: {  	[sflag:s29] =	ssyncadd.s32 $0xFFFFFFFF  }
0xb8: {  	_ =	strace $0x90000048  }
0xb9: {  	_ =	sfence  }
0xba: {  	s30 =	sld [smem:$0x0];
	_ =	sdelay $0x2  }
0xbb: {  	s31 =	sshll.u32 s1, $0xD;
	s1 =	sshrl.u32 s1, $0x2  }
0xbc: {  	s3 =	sand.u32 $0x4000, s31;
	s1 =	sadd.s32 s1, s30  }
0xbd: {  	s0 =	sor.u32 s3, s0;
	s1 =	sshll.u32 s1, $0x11  }
0xbe: {  	s0 =	sor.u32 s1, s0  }
0xbf: {  	s0 =	sadd.s32 $0x8F2B, s0  }
0xc0: {  	[sflag:s0] =	ssyncadd.remote.s32 $0x1  }
0xc1: {  	_ =	sfence.sel $0xFFFF  }
0xc2: {  	[dreg:$0x0] =	wrdreg $0xFFFFFFFF;
	(pc) =	sbr.abs _section_cstart, $3  }
0xc3: {  	[dreg:$0x1] =	wrdreg $0xFFFFFFFF  }
0xc4: {  	_ =	task.clear_ibuf [dreg:s9], $0x2FFFF;
	_ =	strace $0x9FFFFFFF  }
0xc5: {  	(tm) =	ssettm $0x7FFFFFFF  }
tec
execute0_lowered:
.L_overlay_start_1:
0x0: {  	(tag) =	ssettag $0x1  }
0x1: {  	s1 =	rddreg [dreg:$0x0]  }
0x2: {  	s4 =	rddreg [dreg:$0x2]  }
0x3: {  	s0 =	srdreg.scid;
	s7 =	stileid.u32  }
0x4: {  	s5 =	simm.s32 $0x0;
	s15 =	simm.s32 $0xC380;
	s16 =	simm.s32 $0x10380  }
0x5: {  	s17 =	simm.s32 $0x1;
	s18 =	simm.s32 $0x14380;
	s19 =	simm.s32 $0x2  }
0x6: {  	s20 =	simm.s32 $0x4;
	s21 =	simm.s32 $0x18380;
	s0 =	sand.u32 $0x1, s0  }
0x7: {  	s2 =	sshll.u32 s7, $0x7;
	[smem:$0x7FF] =	sst s5;
	s31 =	sshll.u32 s7, $0x12  }
0x8: {  	s11 =	sadd.s32 $0x800, s4;
	s3 =	sshll.u32 s0, $0x6;
	s0 =	ssub.s32 $0x2, s0  }
0x9: {  	_ =	strace $0x80000047;
	s9 =	sand.u32 $0x200000, s31;
	s2 =	sor.u32 s3, s2  }
.Ltmp0:
0xa: {  	s29 =	sshrl.u32 s0, $0x1;
	s6 =	sshll.u32 s2, $0xB;
	(pc) =	sbr.rel .LBB2_1-.Ltmp0, $4  }
0xb: {  	s0 =	ssub.s32 s0, s29;
	s30 =	sshrl.u32 s2, $0x1;
	s6 =	sadd.s32 s1, s6  }
0xc: {  	s10 =	sor.u32 $0x2, s2;
	s0 =	smax.u32 s0, $0x1;
	[dreg:$0x4] =	wrdreg s6  }
0xd: {  	s12 =	sor.u32 $0x3, s2;
	s6 =	sadd.s32 $0x800, s6;
	[dreg:$0x6] =	wrdreg s0  }
0xe: {  	v0 =	vimm.f32 $0.0e+00;
	s2 =	simm.s32 $0x0;
	s8 =	sand.u32 $0x1E0, s30;
	[dreg:$0x5] =	wrdreg s6  }
.LBB2_12:
0xf: {  	s0 =	simm.s32 $0x3  }
0x10: {  	_ =	swait.ge [sflag:s0], $0x4000  }
0x11: {  	[sflag:s0] =	ssyncset.done $0x0  }
0x12: {  	[sflag:s0] =	ssyncadd.s32 $0xFFFFC000  }
0x13: {  	_ =	swait.ge [sflag:s20], $0x4000  }
0x14: {  	s2 =	rddreg [dreg:$0x7]  }
0x15: {  	s31 =	rddreg [dreg:$0x6];
	s2 =	sadd.s32 $0x1, s2  }
0x16: {  	p0 =	sne.s32 s2, s31  }
.Ltmp1:
0x17: {  	_ = 	snop;
	(pc) =	sbr.rel @!p0 .LBB2_13-.Ltmp1, $3  }
0x18: {  	_ =	sdelay $0x1  }
0x19: {  	[sflag:s20] =	ssyncset.done $0x0  }
0x1a: {  	[sflag:s20] =	ssyncadd.s32 $0xFFFFC000  }
.LBB2_1:
0x1b: {  	[dreg:$0x7] =	wrdreg s2  }
0x1c: {  	s0 =	rddreg [dreg:$0x1];
	s29 =	simm.s32 $0x5  }
0x1d: {  	[tilespmem:s5], [sflag:$0x5] =	stream.linear.gather [hbm4b:s0+s5], $0xC350, $0x38;
	[tilespmem:$0x1C380] =	vst v63  }
0x1e: {  	_ =	swait.ge [sflag:s29], $0xC350  }
0x1f: {  	[sflag:s29] =	ssyncset.done $0x0  }
0x20: {  	[sflag:s29] =	ssyncadd.s32 $0xFFFF3CB0  }
0x21: {  	s30 =	rddreg [dreg:$0x4];
	[tilespmem:$0xC350] =	vst v0  }
0x22: {  	[tilespmem:s15], [sflag:$0x1] =	stream.linear.gather [hbm4b:s30+s5], $0x4000, $0x38;
	[tilespmem:$0x1C380] =	vst v63  }
0x23: {  	s24 =	simm.s32 $0x0;
	s31 =	rddreg [dreg:$0x5]  }
0x24: {  	[tilespmem:s16], [sflag:$0x2] =	stream.linear.gather [hbm4b:s31+s5], $0x4000, $0x38;
	[tilespmem:$0x1C380] =	vst v63  }
.LBB2_2:
0x25: {  	_ =	swait.ge [sflag:s17], $0x4000  }
0x26: {  	p0 =	seq.s32 s24, $0x0;
	[sflag:s17] =	ssyncset.done $0x0  }
0x27: {  	s2 =	simm.s32 $0x0;
	s0 =	simm.s32 @!p0 $0x3;
	[sflag:s17] =	ssyncadd.s32 $0xFFFFC000  }
0x28: {  	s3 =	sand.u32 $0x700, s2;
	_ =	swait.ge @!p0 [sflag:s0], $0x4000  }
0x29: {  	s6 =	sand.u32 $0x380, s2;
	s3 =	sshll.u32 s3, $0x3;
	[sflag:s0] =	ssyncset.done @!p0 $0x0  }
0x2a: {  	[sflag:s0] =	ssyncadd.s32 @!p0 $0xFFFFC000;
	s0 =	sor.u32 s6, s3  }
0x2b: {  	v1 =	vld [tilespmem:s0+$0xC780];
	_ =	sdelay $0x4  }
0x2c: {  	v2 =	vmax.f32 v1, $-1.000000000e+02  }
0x2d: {  	v2 =	vmin.f32 v2, $1.000000000e+02  }
0x2e: {  	v2 =	vadd.f32 $1.000000000e+02, v2;
	_ =	sdelay $0x1  }
0x2f: {  	v2 =	vmul.f32 $2.499949950e+02, v2;
	_ =	sdelay $0x1  }
0x30: {  	v3 =	vld [tilespmem:s0+$0xC380];
	v4 =	vtrunc.f32 v2  }
0x31: {  	v4 =	vcvt.f32.s32 v4;
	_ =	sdelay $0x1  }
0x32: {  	v6 =	vld [tilespmem:s0+$0xC790];
	v5 =	vadd.s32 $0x1, v4;
	_ =	sdelay $0x1  }
0x33: {  	v7 =	vmax.f32 v3, $-1.000000000e+02  }
0x34: {  	v7 =	vmin.f32 v7, $1.000000000e+02  }
0x35: {  	v7 =	vadd.f32 $1.000000000e+02, v7;
	v8 =	vld.idx.msk [tilespmem:v4+s5+$0x0], $0xffff  }
0x36: {  	v9 =	vmax.f32 v6, $-1.000000000e+02;
	v5 =	vld.idx.msk [tilespmem:v5+s5+$0x0], $0xffff  }
0x37: {  	v9 =	vmin.f32 v9, $1.000000000e+02;
	v7 =	vmul.f32 $2.499949950e+02, v7  }
0x38: {  	v9 =	vadd.f32 $1.000000000e+02, v9  }
0x39: {  	v10 =	vtrunc.f32 v7;
	v4 =	vcvt.s32.f32 v4  }
0x3a: {  	v9 =	vmul.f32 $2.499949950e+02, v9;
	v10 =	vcvt.f32.s32 v10  }
0x3b: {  	v11 =	vld [tilespmem:s0+$0xC390];
	v2 =	vsub.f32 v2, v4;
	v4 =	vsub.f32 v5, v8  }
0x3c: {  	v12 =	vadd.s32 $0x1, v10;
	v5 =	vtrunc.f32 v9  }
0x3d: {  	v2 =	vmul.f32 v2, v4;
	v4 =	vcvt.f32.s32 v5;
	_ =	sdelay $0x1  }
0x3e: {  	v2 =	vadd.f32 v2, v8;
	v5 =	vadd.s32 $0x1, v4;
	v8 =	vld [tilespmem:s0+$0xC7A0]  }
0x3f: {  	v13 =	vmax.f32 v11, $-1.000000000e+02;
	vm0 =	vgt.f32 v1, $1.000000000e+02;
	v14 =	vld.idx.msk [tilespmem:v10+s5+$0x0], $0xffff  }
0x40: {  	v13 =	vmin.f32 v13, $1.000000000e+02;
	v12 =	vld.idx.msk [tilespmem:v12+s5+$0x0], $0xffff;
	v1 =	vsel vm0, v1, v2  }
0x41: {  	v2 =	vadd.f32 $1.000000000e+02, v13;
	[tilespmem:s0+$0x14780] =	vst v1  }
0x42: {  	v1 =	vcvt.s32.f32 v10;
	v10 =	vld.idx.msk [tilespmem:v4+s5+$0x0], $0xffff  }
0x43: {  	v2 =	vmul.f32 $2.499949950e+02, v2;
	v5 =	vld.idx.msk [tilespmem:v5+s5+$0x0], $0xffff;
	v13 =	vmax.f32 v8, $-1.000000000e+02  }
0x44: {  	v1 =	vsub.f32 v7, v1;
	v7 =	vmin.f32 v13, $1.000000000e+02  }
0x45: {  	v12 =	vsub.f32 v12, v14;
	v13 =	vtrunc.f32 v2;
	v7 =	vadd.f32 $1.000000000e+02, v7  }
0x46: {  	v4 =	vcvt.s32.f32 v4;
	v13 =	vcvt.f32.s32 v13  }
0x47: {  	v15 =	vld [tilespmem:s0+$0xC3A0];
	v1 =	vmul.f32 v1, v12;
	v7 =	vmul.f32 $2.499949950e+02, v7  }
0x48: {  	v4 =	vsub.f32 v9, v4;
	v5 =	vsub.f32 v5, v10  }
0x49: {  	v9 =	vadd.s32 $0x1, v13;
	v1 =	vadd.f32 v1, v14;
	v12 =	vtrunc.f32 v7  }
0x4a: {  	v32 =	vld [tilespmem:s0+$0xC7E0];
	vm0 =	vgt.f32 v3, $1.000000000e+02;
	v4 =	vmul.f32 v4, v5;
	v12 =	vcvt.f32.s32 v12  }
0x4b: {  	v1 =	vsel vm0, v3, v1;
	v5 =	vld [tilespmem:s0+$0xC3B0]  }
0x4c: {  	v14 =	vmax.f32 v15, $-1.000000000e+02;
	[tilespmem:s0+$0x14380] =	vst v1;
	v1 =	vadd.f32 v4, v10;
	v4 =	vadd.s32 $0x1, v12;
	v10 =	vld [tilespmem:s0+$0xC7B0]  }
0x4d: {  	v3 =	vmin.f32 v14, $1.000000000e+02;
	vm0 =	vgt.f32 v6, $1.000000000e+02;
	v14 =	vld.idx.msk [tilespmem:v13+s5+$0x0], $0xffff  }
0x4e: {  	v3 =	vadd.f32 $1.000000000e+02, v3;
	v9 =	vld.idx.msk [tilespmem:v9+s5+$0x0], $0xffff;
	v1 =	vsel vm0, v6, v1  }
0x4f: {  	[tilespmem:s0+$0x14790] =	vst v1  }
0x50: {  	s13 =	simm.s32 $0x100;
	v39 =	vmax.f32 v32, $-1.000000000e+02;
	v3 =	vmul.f32 $2.499949950e+02, v3;
	v1 =	vcvt.s32.f32 v13;
	v13 =	vld.idx.msk [tilespmem:v12+s5+$0x0], $0xffff  }
0x51: {  	s14 =	simm.s32 $0x10;
	s3 =	sand.u32 $0x700, s13;
	vm1 =	vgt.f32 v11, $1.000000000e+02;
	v39 =	vmin.f32 v39, $1.000000000e+02;
	v4 =	vld.idx.msk [tilespmem:v4+s5+$0x0], $0xffff;
	v18 =	vmax.f32 v10, $-1.000000000e+02  }
0x52: {  	s6 =	sand.u32 $0x380, s14;
	s3 =	sshll.u32 s3, $0x3;
	v17 =	vtrunc.f32 v3;
	v1 =	vsub.f32 v2, v1;
	v2 =	vmin.f32 v18, $1.000000000e+02  }
0x53: {  	s25 =	sor.u32 s6, s3;
	v6 =	vld [tilespmem:s0+$0xC3C0];
	v16 =	vmax.f32 v5, $-1.000000000e+02;
	v9 =	vsub.f32 v9, v14;
	v2 =	vadd.f32 $1.000000000e+02, v2  }
0x54: {  	v27 =	vld [tilespmem:s25+$0xC380];
	v17 =	vcvt.f32.s32 v17;
	v16 =	vmin.f32 v16, $1.000000000e+02;
	v12 =	vcvt.s32.f32 v12  }
0x55: {  	v16 =	vadd.f32 $1.000000000e+02, v16;
	v1 =	vmul.f32 v1, v9;
	v19 =	vmul.f32 $2.499949950e+02, v2  }
0x56: {  	v18 =	vadd.s32 $0x1, v17;
	v2 =	vsub.f32 v7, v12;
	v4 =	vsub.f32 v4, v13  }
0x57: {  	v16 =	vmul.f32 $2.499949950e+02, v16;
	v9 =	vadd.f32 v1, v14;
	v12 =	vtrunc.f32 v19  }
0x58: {  	v20 =	vld [tilespmem:s0+$0xC7C0];
	v7 =	vmax.f32 v6, $-1.000000000e+02;
	v4 =	vmul.f32 v2, v4;
	v14 =	vcvt.f32.s32 v12  }
0x59: {  	v28 =	vmax.f32 v27, $-1.000000000e+02;
	v1 =	vld [tilespmem:s0+$0xC3D0];
	v7 =	vmin.f32 v7, $1.000000000e+02;
	v9 =	vsel vm1, v11, v9  }
0x5a: {  	v11 =	vtrunc.f32 v16;
	v2 =	vld [tilespmem:s0+$0xC3E0];
	[tilespmem:s0+$0x14390] =	vst v9;
	v4 =	vadd.f32 v4, v13;
	v13 =	vadd.s32 $0x1, v14  }
0x5b: {  	vm1 =	vgt.f32 v8, $1.000000000e+02;
	v12 =	vcvt.s32.f32 v17;
	v11 =	vcvt.f32.s32 v11;
	v17 =	vld.idx.msk [tilespmem:v17+s5+$0x0], $0xffff  }
0x5c: {  	v28 =	vmin.f32 v28, $1.000000000e+02;
	v7 =	vadd.f32 $1.000000000e+02, v7;
	v18 =	vld.idx.msk [tilespmem:v18+s5+$0x0], $0xffff;
	v4 =	vsel vm1, v8, v4  }
0x5d: {  	vm6 =	vgt.f32 v27, $1.000000000e+02;
	v28 =	vadd.f32 $1.000000000e+02, v28;
	v8 =	vcvt.s32.f32 v11;
	[tilespmem:s0+$0x147A0] =	vst v4  }
0x5e: {  	v7 =	vmul.f32 $2.499949950e+02, v7;
	v3 =	vsub.f32 v3, v12;
	v9 =	vmax.f32 v1, $-1.000000000e+02;
	v22 =	vld.idx.msk [tilespmem:v14+s5+$0x0], $0xffff  }
0x5f: {  	v21 =	vmin.f32 v9, $1.000000000e+02;
	v23 =	vsub.f32 v16, v8;
	v16 =	vmax.f32 v20, $-1.000000000e+02;
	v13 =	vld.idx.msk [tilespmem:v13+s5+$0x0], $0xffff  }
0x60: {  	v12 =	vtrunc.f32 v7;
	v8 =	vadd.f32 $1.000000000e+02, v21;
	v16 =	vmin.f32 v16, $1.000000000e+02  }
0x61: {  	v21 =	vmax.f32 v2, $-1.000000000e+02;
	v18 =	vsub.f32 v18, v17;
	v16 =	vadd.f32 $1.000000000e+02, v16  }
0x62: {  	v14 =	vcvt.s32.f32 v14;
	v25 =	vmul.f32 $2.499949950e+02, v8;
	v8 =	vmin.f32 v21, $1.000000000e+02  }
0x63: {  	v3 =	vmul.f32 v3, v18;
	v8 =	vadd.f32 $1.000000000e+02, v8;
	v18 =	vmul.f32 $2.499949950e+02, v16  }
0x64: {  	v9 =	vcvt.f32.s32 v12;
	v14 =	vsub.f32 v19, v14;
	v13 =	vsub.f32 v13, v22  }
0x65: {  	v35 =	vld [tilespmem:s25+$0xC790];
	v3 =	vadd.f32 v3, v17;
	v19 =	vmul.f32 $2.499949950e+02, v8;
	v8 =	vtrunc.f32 v18  }
0x66: {  	vm0 =	vgt.f32 v15, $1.000000000e+02;
	v21 =	vcvt.f32.s32 v8;
	v14 =	vmul.f32 v14, v13  }
0x67: {  	v26 =	vld [tilespmem:s25+$0xC780];
	v16 =	vtrunc.f32 v25;
	v3 =	vsel vm0, v15, v3;
	v8 =	vtrunc.f32 v19  }
0x68: {  	[tilespmem:s0+$0x143A0] =	vst v3;
	v8 =	vcvt.f32.s32 v8;
	v15 =	vadd.s32 $0x1, v21;
	v3 =	vadd.f32 v14, v22  }
0x69: {  	v24 =	vcvt.s32.f32 v9;
	vm0 =	vgt.f32 v10, $1.000000000e+02;
	v13 =	vcvt.f32.s32 v16;
	v22 =	vld [tilespmem:s0+$0xC7D0]  }
0x6a: {  	v56 =	vmax.f32 v35, $-1.000000000e+02;
	v17 =	vcvt.s32.f32 v8;
	v3 =	vsel vm0, v10, v3  }
0x6b: {  	v28 =	vmul.f32 $2.499949950e+02, v28;
	v14 =	vsub.f32 v7, v24;
	v7 =	vcvt.s32.f32 v13;
	[tilespmem:s0+$0x147B0] =	vst v3  }
0x6c: {  	v4 =	vadd.s32 $0x1, v11;
	v10 =	vsub.f32 v19, v17;
	v3 =	vmax.f32 v26, $-1.000000000e+02;
	v19 =	vld.idx.msk [tilespmem:v21+s5+$0x0], $0xffff  }
0x6d: {  	v39 =	vadd.f32 $1.000000000e+02, v39;
	v7 =	vsub.f32 v25, v7;
	v3 =	vmin.f32 v3, $1.000000000e+02;
	v25 =	vld.idx.msk [tilespmem:v15+s5+$0x0], $0xffff  }
0x6e: {  	v33 =	vtrunc.f32 v28;
	v15 =	vmax.f32 v22, $-1.000000000e+02;
	v3 =	vadd.f32 $1.000000000e+02, v3  }
0x6f: {  	v33 =	vcvt.f32.s32 v33;
	v21 =	vcvt.s32.f32 v21;
	v15 =	vmin.f32 v15, $1.000000000e+02  }
0x70: {  	v39 =	vmul.f32 $2.499949950e+02, v39;
	v17 =	vld [tilespmem:s25+$0xC390];
	v29 =	vadd.f32 $1.000000000e+02, v15;
	v3 =	vmul.f32 $2.499949950e+02, v3  }
0x71: {  	v36 =	vadd.s32 $0x1, v33;
	vm2 =	vgt.f32 v5, $1.000000000e+02;
	v4 =	vld.idx.msk [tilespmem:v4+s5+$0x0], $0xffff;
	v18 =	vsub.f32 v18, v21  }
0x72: {  	v24 =	vld.idx.msk [tilespmem:v11+s5+$0x0], $0xffff;
	v29 =	vmul.f32 $2.499949950e+02, v29;
	v30 =	vtrunc.f32 v3;
	v21 =	vsub.f32 v25, v19  }
0x73: {  	vm4 =	vgt.f32 v1, $1.000000000e+02;
	vm1 =	vgt.f32 v6, $1.000000000e+02;
	v15 =	vld [tilespmem:s25+$0xC3A0];
	v30 =	vcvt.f32.s32 v30  }
0x74: {  	vm3 =	vmmov vm1;
	v31 =	vtrunc.f32 v29;
	v18 =	vmul.f32 v18, v21  }
0x75: {  	vm1 =	vmmov vm4;
	v25 =	vmax.f32 v17, $-1.000000000e+02;
	v21 =	vcvt.f32.s32 v31  }
0x76: {  	vm4 =	vgt.f32 v20, $1.000000000e+02;
	v25 =	vmin.f32 v25, $1.000000000e+02;
	v18 =	vadd.f32 v18, v19  }
0x77: {  	v4 =	vsub.f32 v4, v24;
	v25 =	vadd.f32 $1.000000000e+02, v25;
	v19 =	vadd.s32 $0x1, v21  }
0x78: {  	v36 =	vld.idx.msk [tilespmem:v36+s5+$0x0], $0xffff;
	v31 =	vmax.f32 v15, $-1.000000000e+02;
	v34 =	vadd.s32 $0x1, v30;
	v18 =	vsel vm4, v20, v18  }
0x79: {  	v12 =	vadd.s32 $0x1, v9;
	v31 =	vmin.f32 v31, $1.000000000e+02;
	[tilespmem:s0+$0x147C0] =	vst v18;
	v18 =	vcvt.s32.f32 v33;
	v33 =	vld.idx.msk [tilespmem:v33+s5+$0x0], $0xffff  }
0x7a: {  	v23 =	vmul.f32 v23, v4;
	v20 =	vmul.f32 $2.499949950e+02, v25;
	v25 =	vadd.f32 $1.000000000e+02, v31;
	v31 =	vld.idx.msk [tilespmem:v30+s5+$0x0], $0xffff  }
0x7b: {  	v16 =	vadd.s32 $0x1, v13;
	v11 =	vadd.s32 $0x1, v8;
	vm0 =	vgt.f32 v2, $1.000000000e+02;
	v37 =	vld.idx.msk [tilespmem:v21+s5+$0x0], $0xffff  }
0x7c: {  	vm5 =	vgt.f32 v22, $1.000000000e+02;
	v23 =	vadd.f32 v23, v24;
	v30 =	vcvt.s32.f32 v30;
	v19 =	vld.idx.msk [tilespmem:v19+s5+$0x0], $0xffff  }
0x7d: {  	v38 =	vtrunc.f32 v20;
	v18 =	vsub.f32 v28, v18;
	v28 =	vld.idx.msk [tilespmem:v34+s5+$0x0], $0xffff;
	v34 =	vmin.f32 v56, $1.000000000e+02  }
0x7e: {  	v25 =	vmul.f32 $2.499949950e+02, v25;
	v34 =	vadd.f32 $1.000000000e+02, v34;
	v36 =	vsub.f32 v36, v33  }
0x7f: {  	v4 =	vld [tilespmem:s25+$0xC3B0];
	v5 =	vsel vm2, v5, v23;
	v38 =	vcvt.f32.s32 v38;
	v21 =	vcvt.s32.f32 v21  }
0x80: {  	v3 =	vsub.f32 v3, v30;
	v34 =	vmul.f32 $2.499949950e+02, v34;
	v18 =	vmul.f32 v18, v36  }
0x81: {  	v21 =	vsub.f32 v29, v21;
	v29 =	vtrunc.f32 v39;
	v19 =	vsub.f32 v19, v37  }
0x82: {  	v28 =	vsub.f32 v28, v31;
	v57 =	vtrunc.f32 v34;
	v18 =	vadd.f32 v18, v33  }
0x83: {  	v42 =	vld [tilespmem:s25+$0xC7A0];
	[tilespmem:s0+$0x143B0] =	vst v5;
	v19 =	vmul.f32 v21, v19;
	v21 =	vcvt.f32.s32 v29;
	v29 =	vadd.s32 $0x1, v38  }
0x84: {  	v41 =	vmax.f32 v4, $-1.000000000e+02;
	v60 =	vld.idx.msk [tilespmem:v9+s5+$0x0], $0xffff;
	v3 =	vmul.f32 v3, v28;
	v28 =	vcvt.f32.s32 v57  }
0x85: {  	v12 =	vld.idx.msk [tilespmem:v12+s5+$0x0], $0xffff;
	v18 =	vsel vm6, v27, v18;
	v19 =	vadd.f32 v19, v37;
	v58 =	vadd.s32 $0x1, v21  }
0x86: {  	v30 =	vmin.f32 v41, $1.000000000e+02;
	v40 =	vtrunc.f32 v25;
	v31 =	vadd.f32 v3, v31;
	v3 =	vld [tilespmem:s25+$0xC3C0];
	[tilespmem:s25+$0x14380] =	vst v18  }
0x87: {  	v40 =	vcvt.f32.s32 v40;
	v41 =	vadd.s32 $0x1, v28;
	v23 =	vld.idx.msk [tilespmem:v38+s5+$0x0], $0xffff;
	v19 =	vsel vm5, v22, v19  }
0x88: {  	vm0 =	vmmov vm0;
	v27 =	vmax.f32 v42, $-1.000000000e+02;
	vm5 =	vgt.f32 v26, $1.000000000e+02;
	[tilespmem:s0+$0x147D0] =	vst v19;
	v29 =	vld.idx.msk [tilespmem:v29+s5+$0x0], $0xffff  }
0x89: {  	v19 =	vadd.f32 $1.000000000e+02, v30;
	v30 =	vcvt.s32.f32 v40;
	v26 =	vsel vm5, v26, v31;
	v31 =	vld.idx.msk [tilespmem:v21+s5+$0x0], $0xffff  }
0x8a: {  	vm2 =	vgt.f32 v4, $1.000000000e+02;
	v12 =	vsub.f32 v12, v60;
	v18 =	vmin.f32 v27, $1.000000000e+02;
	[tilespmem:s25+$0x14780] =	vst v26;
	v26 =	vld.idx.msk [tilespmem:v58+s5+$0x0], $0xffff  }
0x8b: {  	vm4 =	vgt.f32 v17, $1.000000000e+02;
	v18 =	vadd.f32 $1.000000000e+02, v18;
	v25 =	vsub.f32 v25, v30;
	v30 =	vld.idx.msk [tilespmem:v28+s5+$0x0], $0xffff  }
0x8c: {  	v14 =	vmul.f32 v14, v12;
	vm6 =	vgt.f32 v32, $1.000000000e+02;
	v22 =	vcvt.s32.f32 v38;
	v24 =	vld.idx.msk [tilespmem:v41+s5+$0x0], $0xffff  }
0x8d: {  	vm5 =	vgt.f32 v15, $1.000000000e+02;
	v18 =	vmul.f32 $2.499949950e+02, v18;
	v21 =	vcvt.s32.f32 v21  }
0x8e: {  	v27 =	vmax.f32 v3, $-1.000000000e+02;
	v19 =	vmul.f32 $2.499949950e+02, v19;
	v28 =	vcvt.s32.f32 v28  }
0x8f: {  	v38 =	vld [tilespmem:s25+$0xC7E0];
	v20 =	vsub.f32 v20, v22;
	v27 =	vmin.f32 v27, $1.000000000e+02;
	v21 =	vsub.f32 v39, v21  }
0x90: {  	s23 =	simm.s32 $0x200;
	v59 =	vtrunc.f32 v19;
	v9 =	vsub.f32 v34, v28;
	v26 =	vsub.f32 v26, v31  }
0x91: {  	s26 =	simm.s32 $0x20;
	s3 =	sand.u32 $0x700, s23;
	v33 =	vcvt.f32.s32 v59;
	v28 =	vsub.f32 v29, v23;
	v24 =	vsub.f32 v24, v30  }
0x92: {  	s6 =	sand.u32 $0x380, s26;
	s3 =	sshll.u32 s3, $0x3;
	v21 =	vmul.f32 v21, v26;
	v26 =	vadd.f32 $1.000000000e+02, v27;
	v27 =	vtrunc.f32 v18  }
0x93: {  	s2 =	sand.u32 $0x7, s2;
	s26 =	sor.u32 s6, s3;
	v5 =	vld [tilespmem:s25+$0xC3D0];
	v22 =	vadd.s32 $0x1, v40;
	v9 =	vmul.f32 v9, v24;
	v24 =	vcvt.f32.s32 v27  }
0x94: {  	s2 =	sshll.u32 s2, $0xB;
	v39 =	vld [tilespmem:s26+$0xC790];
	v44 =	vmax.f32 v38, $-1.000000000e+02;
	v20 =	vmul.f32 v20, v28;
	v21 =	vadd.f32 v21, v31  }
0x95: {  	s2 =	sadd.s32 $0x0, s2;
	v27 =	vcvt.s32.f32 v33;
	v9 =	vadd.f32 v9, v30;
	v30 =	vld [tilespmem:s25+$0xC7B0];
	v29 =	vadd.s32 $0x1, v24  }
0x96: {  	s22 =	sadd.s32 $0x400, s2;
	v44 =	vmin.f32 v44, $1.000000000e+02;
	v21 =	vsel vm6, v32, v21;
	vm6 =	vgt.f32 v35, $1.000000000e+02  }
0x97: {  	s31 =	sor.u32 $0x70, s22;
	v27 =	vsub.f32 v19, v27;
	v19 =	vadd.f32 v20, v23;
	[tilespmem:s0+$0x147E0] =	vst v21;
	v9 =	vsel vm6, v35, v9  }
0x98: {  	v44 =	vadd.f32 $1.000000000e+02, v44;
	v28 =	vmax.f32 v5, $-1.000000000e+02;
	v21 =	vmul.f32 $2.499949950e+02, v26;
	v26 =	vld [tilespmem:s31+$0xC380];
	[tilespmem:s25+$0x14790] =	vst v9  }
0x99: {  	vm9 =	vgt.f32 v39, $1.000000000e+02;
	v20 =	vmin.f32 v28, $1.000000000e+02;
	v17 =	vsel vm4, v17, v19;
	v23 =	vld.idx.msk [tilespmem:v24+s5+$0x0], $0xffff  }
0x9a: {  	[tilespmem:s25+$0x14390] =	vst v17;
	v17 =	vadd.f32 v14, v60;
	v9 =	vtrunc.f32 v21;
	v28 =	vmax.f32 v30, $-1.000000000e+02;
	v19 =	vld.idx.msk [tilespmem:v29+s5+$0x0], $0xffff  }
0x9b: {  	v31 =	vadd.s32 $0x1, v33;
	v22 =	vld.idx.msk [tilespmem:v22+s5+$0x0], $0xffff;
	v12 =	vcvt.f32.s32 v9;
	v28 =	vmin.f32 v28, $1.000000000e+02  }
0x9c: {  	v9 =	vld [tilespmem:s25+$0xC3E0];
	v6 =	vsel vm3, v6, v17;
	v17 =	vcvt.s32.f32 v24;
	v28 =	vadd.f32 $1.000000000e+02, v28  }
0x9d: {  	v20 =	vadd.f32 $1.000000000e+02, v20;
	vm4 =	vgt.f32 v42, $1.000000000e+02;
	v29 =	vld.idx.msk [tilespmem:v40+s5+$0x0], $0xffff;
	v61 =	vmax.f32 v26, $-1.000000000e+02  }
0x9e: {  	[tilespmem:s0+$0x143C0] =	vst v6;
	v17 =	vsub.f32 v18, v17;
	v6 =	vmul.f32 $2.499949950e+02, v28;
	v24 =	vmin.f32 v61, $1.000000000e+02  }
0x9f: {  	vm3 =	vgt.f32 v3, $1.000000000e+02;
	v13 =	vld.idx.msk [tilespmem:v13+s5+$0x0], $0xffff;
	v24 =	vadd.f32 $1.000000000e+02, v24;
	v18 =	vsub.f32 v19, v23  }
0xa0: {  	v14 =	vadd.s32 $0x1, v12;
	v16 =	vld.idx.msk [tilespmem:v16+s5+$0x0], $0xffff;
	v28 =	vmul.f32 $2.499949950e+02, v20;
	v19 =	vtrunc.f32 v6  }
0xa1: {  	v20 =	vmax.f32 v9, $-1.000000000e+02;
	v24 =	vmul.f32 $2.499949950e+02, v24;
	v17 =	vmul.f32 v17, v18  }
0xa2: {  	v63 =	vld [tilespmem:s25+$0xC7C0];
	v18 =	vcvt.f32.s32 v19;
	v19 =	vmin.f32 v20, $1.000000000e+02;
	v20 =	vsub.f32 v22, v29  }
0xa3: {  	v62 =	vcvt.s32.f32 v12;
	vm6 =	vgt.f32 v9, $1.000000000e+02;
	v22 =	vtrunc.f32 v24  }
0xa4: {  	v17 =	vadd.f32 v17, v23;
	v23 =	vadd.s32 $0x1, v18;
	v20 =	vmul.f32 v25, v20  }
0xa5: {  	v19 =	vadd.f32 $1.000000000e+02, v19;
	v25 =	vsub.f32 v16, v13;
	v22 =	vcvt.f32.s32 v22  }
0xa6: {  	v16 =	vsub.f32 v21, v62;
	v17 =	vsel vm4, v42, v17;
	v20 =	vadd.f32 v20, v29  }
0xa7: {  	v21 =	vmax.f32 v63, $-1.000000000e+02;
	v46 =	vmul.f32 $2.499949950e+02, v19;
	v45 =	vadd.s32 $0x1, v22;
	[tilespmem:s25+$0x147A0] =	vst v17  }
0xa8: {  	v7 =	vmul.f32 v7, v25;
	v17 =	vtrunc.f32 v28;
	v29 =	vld.idx.msk [tilespmem:v18+s5+$0x0], $0xffff;
	v15 =	vsel vm5, v15, v20  }
0xa9: {  	vm4 =	vgt.f32 v5, $1.000000000e+02;
	v19 =	vcvt.f32.s32 v17;
	v17 =	vtrunc.f32 v46;
	v23 =	vld.idx.msk [tilespmem:v23+s5+$0x0], $0xffff;
	[tilespmem:s25+$0x143A0] =	vst v15  }
0xaa: {  	v13 =	vadd.f32 v7, v13;
	vm5 =	vmmov vm3;
	vm3 =	vgt.f32 v30, $1.000000000e+02;
	v25 =	vld.idx.msk [tilespmem:v33+s5+$0x0], $0xffff  }
0xab: {  	v7 =	vcvt.f32.s32 v17;
	v17 =	vmin.f32 v21, $1.000000000e+02;
	v48 =	vcvt.s32.f32 v19;
	v47 =	vld.idx.msk [tilespmem:v22+s5+$0x0], $0xffff  }
0xac: {  	v17 =	vadd.f32 $1.000000000e+02, v17;
	v1 =	vsel vm1, v1, v13;
	v13 =	vcvt.s32.f32 v18;
	v15 =	vld.idx.msk [tilespmem:v45+s5+$0x0], $0xffff  }
0xad: {  	v20 =	vadd.s32 $0x1, v19;
	v31 =	vld.idx.msk [tilespmem:v31+s5+$0x0], $0xffff;
	[tilespmem:s0+$0x143D0] =	vst v1;
	v18 =	vsub.f32 v28, v48;
	v28 =	vcvt.s32.f32 v7  }
0xae: {  	v1 =	vmul.f32 $2.499949950e+02, v17;
	v21 =	vld.idx.msk [tilespmem:v8+s5+$0x0], $0xffff;
	v13 =	vsub.f32 v6, v13;
	v17 =	vsub.f32 v23, v29  }
0xaf: {  	vm1 =	vmmov vm4;
	vm4 =	vmmov vm0;
	v23 =	vld.idx.msk [tilespmem:v11+s5+$0x0], $0xffff;
	v11 =	vcvt.s32.f32 v22  }
0xb0: {  	v6 =	vsub.f32 v46, v28;
	v22 =	vtrunc.f32 v1;
	v13 =	vmul.f32 v13, v17  }
0xb1: {  	v28 =	vld [tilespmem:s26+$0xC780];
	v17 =	vcvt.f32.s32 v22;
	v22 =	vsub.f32 v24, v11;
	v15 =	vsub.f32 v15, v47  }
0xb2: {  	vm0 =	vmmov vm6;
	v46 =	vmax.f32 v39, $-1.000000000e+02;
	v11 =	vld [tilespmem:s26+$0xC380];
	v24 =	vsub.f32 v31, v25  }
0xb3: {  	v31 =	vld [tilespmem:s25+$0xC7D0];
	v13 =	vadd.f32 v13, v29;
	v29 =	vadd.s32 $0x1, v17;
	v15 =	vmul.f32 v22, v15  }
0xb4: {  	v8 =	vadd.s32 $0x1, v7;
	v46 =	vmin.f32 v46, $1.000000000e+02;
	v23 =	vsub.f32 v23, v21  }
0xb5: {  	v27 =	vmul.f32 v27, v24;
	v22 =	vld [tilespmem:s26+$0xC390];
	v13 =	vsel vm3, v30, v13;
	v15 =	vadd.f32 v15, v47  }
0xb6: {  	vm3 =	vgt.f32 v26, $1.000000000e+02;
	v30 =	vmax.f32 v28, $-1.000000000e+02;
	[tilespmem:s25+$0x147B0] =	vst v13;
	v24 =	vmul.f32 v10, v23  }
0xb7: {  	v10 =	vmax.f32 v11, $-1.000000000e+02;
	v49 =	vld.idx.msk [tilespmem:v17+s5+$0x0], $0xffff;
	v13 =	vsel vm3, v26, v15;
	v15 =	vmin.f32 v30, $1.000000000e+02  }
0xb8: {  	v10 =	vmin.f32 v10, $1.000000000e+02;
	v26 =	vld.idx.msk [tilespmem:v29+s5+$0x0], $0xffff;
	v29 =	vmax.f32 v31, $-1.000000000e+02;
	v15 =	vadd.f32 $1.000000000e+02, v15  }
0xb9: {  	v27 =	vadd.f32 v27, v25;
	v10 =	vadd.f32 $1.000000000e+02, v10;
	v29 =	vmin.f32 v29, $1.000000000e+02  }
0xba: {  	v30 =	vmax.f32 v22, $-1.000000000e+02;
	v29 =	vadd.f32 $1.000000000e+02, v29;
	v15 =	vmul.f32 $2.499949950e+02, v15  }
0xbb: {  	v23 =	vld [tilespmem:s26+$0xC3A0];
	v30 =	vmin.f32 v30, $1.000000000e+02;
	v50 =	vmul.f32 $2.499949950e+02, v10;
	v10 =	vcvt.s32.f32 v17  }
0xbc: {  	v17 =	vadd.f32 $1.000000000e+02, v30;
	v29 =	vmul.f32 $2.499949950e+02, v29;
	v30 =	vtrunc.f32 v15  }
0xbd: {  	v1 =	vsub.f32 v1, v10;
	v26 =	vsub.f32 v26, v49;
	v30 =	vcvt.f32.s32 v30  }
0xbe: {  	vm8 =	vgt.f32 v11, $1.000000000e+02;
	v4 =	vsel vm2, v4, v27;
	v53 =	vtrunc.f32 v29  }
0xbf: {  	v42 =	vld [tilespmem:s26+$0xC7B0];
	v1 =	vmul.f32 v1, v26;
	v26 =	vcvt.f32.s32 v53;
	v54 =	vadd.s32 $0x1, v30  }
0xc0: {  	vm3 =	vgt.f32 v63, $1.000000000e+02;
	v51 =	vmax.f32 v23, $-1.000000000e+02;
	v52 =	vtrunc.f32 v50  }
0xc1: {  	v17 =	vmul.f32 $2.499949950e+02, v17;
	v1 =	vadd.f32 v1, v49;
	v55 =	vadd.s32 $0x1, v26  }
0xc2: {  	v21 =	vadd.f32 v24, v21;
	v10 =	vld [tilespmem:s26+$0xC3B0];
	v35 =	vmin.f32 v51, $1.000000000e+02;
	v36 =	vcvt.f32.s32 v52  }
0xc3: {  	v35 =	vadd.f32 $1.000000000e+02, v35;
	v58 =	vtrunc.f32 v17;
	v1 =	vsel vm3, v63, v1;
	v43 =	vld.idx.msk [tilespmem:v30+s5+$0x0], $0xffff  }
0xc4: {  	v24 =	vmax.f32 v42, $-1.000000000e+02;
	vm7 =	vgt.f32 v22, $1.000000000e+02;
	v34 =	vcvt.f32.s32 v58;
	[tilespmem:s25+$0x147C0] =	vst v1;
	v37 =	vld.idx.msk [tilespmem:v54+s5+$0x0], $0xffff  }
0xc5: {  	v24 =	vmin.f32 v24, $1.000000000e+02;
	v57 =	vadd.s32 $0x1, v36;
	v35 =	vmul.f32 $2.499949950e+02, v35;
	v61 =	vld.idx.msk [tilespmem:v26+s5+$0x0], $0xffff  }
0xc6: {  	v24 =	vadd.f32 $1.000000000e+02, v24;
	v56 =	vcvt.s32.f32 v36;
	v47 =	vcvt.s32.f32 v34;
	v32 =	vld.idx.msk [tilespmem:v55+s5+$0x0], $0xffff  }
0xc7: {  	v59 =	vmax.f32 v10, $-1.000000000e+02;
	v1 =	vtrunc.f32 v35;
	v30 =	vcvt.s32.f32 v30  }
0xc8: {  	v48 =	vcvt.f32.s32 v1;
	v1 =	vadd.f32 $1.000000000e+02, v46;
	v46 =	vsub.f32 v17, v47  }
0xc9: {  	v36 =	vld.idx.msk [tilespmem:v36+s5+$0x0], $0xffff;
	v17 =	vcvt.s32.f32 v26;
	v15 =	vsub.f32 v15, v30;
	v30 =	vmul.f32 $2.499949950e+02, v44  }
0xca: {  	v33 =	vsub.f32 v50, v56;
	v41 =	vld.idx.msk [tilespmem:v57+s5+$0x0], $0xffff;
	v44 =	vmul.f32 $2.499949950e+02, v1;
	v26 =	vsub.f32 v37, v43  }
0xcb: {  	v1 =	vsub.f32 v29, v17;
	v29 =	vtrunc.f32 v30;
	v17 =	vsub.f32 v32, v61  }
0xcc: {  	v60 =	vmin.f32 v59, $1.000000000e+02;
	v62 =	vtrunc.f32 v44;
	v26 =	vmul.f32 v15, v26  }
0xcd: {  	v40 =	vadd.f32 $1.000000000e+02, v60;
	v29 =	vcvt.f32.s32 v29;
	v1 =	vmul.f32 v1, v17  }
0xce: {  	vm3 =	vgt.f32 v28, $1.000000000e+02;
	v32 =	vcvt.f32.s32 v62;
	v17 =	vadd.f32 v26, v43  }
0xcf: {  	v52 =	vadd.s32 $0x1, v29;
	v15 =	vld [tilespmem:s26+$0xC3C0];
	v26 =	vsub.f32 v41, v36;
	v1 =	vadd.f32 v1, v61  }
0xd0: {  	v40 =	vmul.f32 $2.499949950e+02, v40;
	v43 =	vld [tilespmem:s26+$0xC7A0];
	v28 =	vsel vm3, v28, v17;
	vm3 =	vgt.f32 v31, $1.000000000e+02  }
0xd1: {  	v26 =	vmul.f32 v33, v26;
	[tilespmem:s26+$0x14780] =	vst v28;
	v28 =	vadd.s32 $0x1, v32;
	v31 =	vsel vm3, v31, v1  }
0xd2: {  	v2 =	vsel vm4, v2, v21;
	vm6 =	vgt.f32 v23, $1.000000000e+02;
	v63 =	vcvt.s32.f32 v48;
	v17 =	vld [tilespmem:s26+$0xC3D0];
	[tilespmem:s25+$0x147D0] =	vst v31  }
0xd3: {  	v45 =	vadd.s32 $0x1, v34;
	v53 =	vtrunc.f32 v40;
	v26 =	vadd.f32 v26, v36;
	v55 =	vld.idx.msk [tilespmem:v29+s5+$0x0], $0xffff  }
0xd4: {  	v25 =	vcvt.f32.s32 v53;
	v35 =	vsub.f32 v35, v63;
	v37 =	vadd.s32 $0x1, v48;
	v27 =	vld.idx.msk [tilespmem:v52+s5+$0x0], $0xffff  }
0xd5: {  	v54 =	vmax.f32 v15, $-1.000000000e+02;
	v49 =	vld.idx.msk [tilespmem:v32+s5+$0x0], $0xffff;
	v58 =	vmax.f32 v43, $-1.000000000e+02;
	v11 =	vsel vm8, v11, v26  }
0xd6: {  	vm3 =	vgt.f32 v10, $1.000000000e+02;
	v32 =	vcvt.s32.f32 v32;
	[tilespmem:s26+$0x14380] =	vst v11;
	v11 =	vmin.f32 v58, $1.000000000e+02;
	v56 =	vld.idx.msk [tilespmem:v28+s5+$0x0], $0xffff  }
0xd7: {  	v31 =	vmin.f32 v54, $1.000000000e+02;
	v29 =	vcvt.s32.f32 v29;
	v34 =	vld.idx.msk [tilespmem:v34+s5+$0x0], $0xffff;
	v60 =	vadd.f32 $1.000000000e+02, v11  }
0xd8: {  	v31 =	vadd.f32 $1.000000000e+02, v31;
	v26 =	vcvt.s32.f32 v25;
	v32 =	vsub.f32 v44, v32;
	v61 =	vld.idx.msk [tilespmem:v45+s5+$0x0], $0xffff  }
0xd9: {  	[tilespmem:s25+$0x143B0] =	vst v4;
	v29 =	vsub.f32 v30, v29;
	v4 =	vmul.f32 $2.499949950e+02, v60;
	v27 =	vsub.f32 v27, v55  }
0xda: {  	v14 =	vld.idx.msk [tilespmem:v14+s5+$0x0], $0xffff;
	vm8 =	vgt.f32 v38, $1.000000000e+02;
	v31 =	vmul.f32 $2.499949950e+02, v31;
	v57 =	vmax.f32 v17, $-1.000000000e+02  }
0xdb: {  	s7 =	simm.s32 $0x1;
	v62 =	vld.idx.msk [tilespmem:v12+s5+$0x0], $0xffff;
	v41 =	vtrunc.f32 v4;
	v27 =	vmul.f32 v29, v27;
	v36 =	vsub.f32 v56, v49  }
0xdc: {  	s3 =	sand.u32 $0x7, s7;
	v28 =	vsub.f32 v40, v26;
	v59 =	vtrunc.f32 v31;
	v63 =	vcvt.f32.s32 v41  }
0xdd: {  	s3 =	sshll.u32 s3, $0xB;
	v47 =	vsub.f32 v61, v34;
	v27 =	vadd.f32 v27, v55;
	v29 =	vmul.f32 v32, v36  }
0xde: {  	s3 =	sadd.s32 $0x10, s3;
	v26 =	vmin.f32 v57, $1.000000000e+02;
	v11 =	vcvt.f32.s32 v59;
	v50 =	vadd.s32 $0x1, v63  }
0xdf: {  	s13 =	sadd.s32 $0x400, s3;
	v1 =	vld [tilespmem:s26+$0xC3E0];
	v41 =	vmul.f32 v46, v47;
	v27 =	vsel vm8, v38, v27;
	v29 =	vadd.f32 v29, v49  }
0xe0: {  	s6 =	sor.u32 $0x70, s13;
	vm2 =	vgt.f32 v15, $1.000000000e+02;
	v52 =	vsub.f32 v14, v62;
	v26 =	vadd.f32 $1.000000000e+02, v26;
	[tilespmem:s25+$0x147E0] =	vst v27  }
0xe1: {  	v51 =	vcvt.s32.f32 v11;
	v27 =	vadd.f32 v41, v34;
	v54 =	vld [tilespmem:s6+$0xC380];
	v29 =	vsel vm9, v39, v29  }
0xe2: {  	vm4 =	vgt.f32 v43, $1.000000000e+02;
	v30 =	vadd.s32 $0x1, v25;
	v55 =	vmul.f32 v16, v52;
	[tilespmem:s26+$0x14790] =	vst v29  }
0xe3: {  	v26 =	vmul.f32 $2.499949950e+02, v26;
	v14 =	vsub.f32 v31, v51;
	v22 =	vsel vm7, v22, v27;
	v31 =	vld.idx.msk [tilespmem:v63+s5+$0x0], $0xffff  }
0xe4: {  	vm12 =	vgt.f32 v17, $1.000000000e+02;
	v45 =	vmax.f32 v1, $-1.000000000e+02;
	[tilespmem:s26+$0x14390] =	vst v22;
	v22 =	vadd.f32 v55, v62;
	v27 =	vld.idx.msk [tilespmem:v50+s5+$0x0], $0xffff  }
0xe5: {  	v53 =	vmin.f32 v45, $1.000000000e+02;
	v59 =	vmul.f32 $2.499949950e+02, v24;
	v16 =	vtrunc.f32 v26;
	v38 =	vld [tilespmem:s26+$0xC7D0]  }
0xe6: {  	v29 =	vadd.f32 $1.000000000e+02, v53;
	v56 =	vld.idx.msk [tilespmem:v48+s5+$0x0], $0xffff;
	v3 =	vsel vm5, v3, v22;
	v57 =	vmax.f32 v54, $-1.000000000e+02  }
0xe7: {  	v16 =	vcvt.f32.s32 v16;
	v37 =	vld.idx.msk [tilespmem:v37+s5+$0x0], $0xffff;
	v22 =	vcvt.s32.f32 v63;
	[tilespmem:s25+$0x143C0] =	vst v3;
	v58 =	vmin.f32 v57, $1.000000000e+02  }
0xe8: {  	v12 =	vadd.s32 $0x1, v11;
	v29 =	vmul.f32 $2.499949950e+02, v29;
	v19 =	vld.idx.msk [tilespmem:v19+s5+$0x0], $0xffff;
	v24 =	vadd.f32 $1.000000000e+02, v58  }
0xe9: {  	v3 =	vcvt.s32.f32 v16;
	v4 =	vsub.f32 v4, v22;
	v61 =	vld.idx.msk [tilespmem:v20+s5+$0x0], $0xffff;
	v27 =	vsub.f32 v27, v31  }
0xea: {  	vm8 =	vgt.f32 v1, $1.000000000e+02;
	v20 =	vtrunc.f32 v59;
	v62 =	vmul.f32 $2.499949950e+02, v24  }
0xeb: {  	v51 =	vmax.f32 v38, $-1.000000000e+02;
	v24 =	vcvt.f32.s32 v20;
	v4 =	vmul.f32 v4, v27  }
0xec: {  	s14 =	simm.s32 $0x300;
	v63 =	vld [tilespmem:s26+$0xC7C0];
	v21 =	vsub.f32 v26, v3;
	v3 =	vsub.f32 v37, v56;
	v20 =	vtrunc.f32 v62  }
0xed: {  	s30 =	simm.s32 $0x30;
	[tilespmem:s0+$0x143E0] =	vst v2;
	s0 =	sand.u32 $0x700, s14;
	v26 =	vadd.s32 $0x1, v24;
	v4 =	vadd.f32 v4, v31;
	v27 =	vcvt.f32.s32 v20  }
0xee: {  	s28 =	sor.u32 $0x70, s2;
	s22 =	sand.u32 $0x380, s30;
	s0 =	sshll.u32 s0, $0x3;
	v60 =	vtrunc.f32 v29;
	v44 =	vsub.f32 v61, v19;
	v31 =	vmul.f32 v35, v3  }
0xef: {  	v2 =	vld [tilespmem:s28+$0xC380];
	s29 =	sor.u32 s22, s0;
	v36 =	vmin.f32 v51, $1.000000000e+02;
	v20 =	vcvt.f32.s32 v60;
	v4 =	vsel vm4, v43, v4  }
0xf0: {  	v34 =	vld [tilespmem:s29+$0xC790];
	v18 =	vmul.f32 v18, v44;
	v45 =	vadd.s32 $0x1, v27;
	v31 =	vadd.f32 v31, v56;
	[tilespmem:s26+$0x147A0] =	vst v4  }
0xf1: {  	v36 =	vadd.f32 $1.000000000e+02, v36;
	v46 =	vcvt.s32.f32 v20;
	v4 =	vmax.f32 v63, $-1.000000000e+02;
	v47 =	vld.idx.msk [tilespmem:v24+s5+$0x0], $0xffff  }
0xf2: {  	v19 =	vadd.f32 v18, v19;
	v4 =	vmin.f32 v4, $1.000000000e+02;
	v23 =	vsel vm6, v23, v31;
	v26 =	vld.idx.msk [tilespmem:v26+s5+$0x0], $0xffff  }
0xf3: {  	vm7 =	vmmov vm2;
	v31 =	vadd.f32 $1.000000000e+02, v4;
	v4 =	vsub.f32 v29, v46;
	[tilespmem:s26+$0x143A0] =	vst v23;
	v29 =	vld.idx.msk [tilespmem:v27+s5+$0x0], $0xffff  }
0xf4: {  	vm2 =	vgt.f32 v42, $1.000000000e+02;
	v48 =	vmax.f32 v2, $-1.000000000e+02;
	vm5 =	vmmov vm0;
	v30 =	vld.idx.msk [tilespmem:v30+s5+$0x0], $0xffff  }
0xf5: {  	v36 =	vmul.f32 $2.499949950e+02, v36;
	v18 =	vmin.f32 v48, $1.000000000e+02;
	v5 =	vsel vm1, v5, v19;
	v23 =	vld.idx.msk [tilespmem:v45+s5+$0x0], $0xffff  }
0xf6: {  	v19 =	vcvt.s32.f32 v24;
	[tilespmem:s25+$0x143D0] =	vst v5;
	v49 =	vmul.f32 $2.499949950e+02, v31;
	v31 =	vadd.f32 $1.000000000e+02, v18;
	v18 =	vld.idx.msk [tilespmem:v25+s5+$0x0], $0xffff  }
0xf7: {  	vm10 =	vgt.f32 v34, $1.000000000e+02;
	v22 =	vadd.s32 $0x1, v16;
	v57 =	vtrunc.f32 v36;
	v25 =	vld.idx.msk [tilespmem:v7+s5+$0x0], $0xffff  }
0xf8: {  	v3 =	vadd.s32 $0x1, v20;
	v7 =	vsub.f32 v59, v19;
	v8 =	vld.idx.msk [tilespmem:v8+s5+$0x0], $0xffff;
	v19 =	vsub.f32 v26, v47  }
0xf9: {  	vm4 =	vmmov vm12;
	v5 =	vtrunc.f32 v49;
	v26 =	vcvt.s32.f32 v27  }
0xfa: {  	v35 =	vld [tilespmem:s29+$0xC780];
	vm6 =	vgt.f32 v2, $1.000000000e+02;
	v5 =	vcvt.f32.s32 v5;
	v7 =	vmul.f32 v7, v19  }
0xfb: {  	v24 =	vmul.f32 $2.499949950e+02, v31;
	v31 =	vsub.f32 v62, v26;
	v19 =	vld [tilespmem:s29+$0xC380];
	v23 =	vsub.f32 v23, v29  }
0xfc: {  	v50 =	vadd.s32 $0x1, v5;
	v30 =	vsub.f32 v30, v18;
	v7 =	vadd.f32 v7, v47  }
0xfd: {  	vm1 =	vmmov vm8;
	v8 =	vsub.f32 v8, v25;
	v23 =	vmul.f32 v31, v23  }
0xfe: {  	v45 =	vld [tilespmem:s26+$0xC7E0];
	v27 =	vtrunc.f32 v24;
	v39 =	vmul.f32 v28, v30;
	v7 =	vsel vm2, v42, v7  }
0xff: {  	v31 =	vld [tilespmem:s29+$0xC390];
	v32 =	vmul.f32 v6, v8;
	v23 =	vadd.f32 v23, v29;
	[tilespmem:s26+$0x147B0] =	vst v7;
	v7 =	vmax.f32 v35, $-1.000000000e+02  }
0x100: {  	vm2 =	vgt.f32 v54, $1.000000000e+02;
	v6 =	vmax.f32 v19, $-1.000000000e+02;
	v8 =	vld.idx.msk [tilespmem:v5+s5+$0x0], $0xffff;
	v7 =	vmin.f32 v7, $1.000000000e+02  }
0x101: {  	v6 =	vmin.f32 v6, $1.000000000e+02;
	v28 =	vsel vm2, v54, v23;
	v23 =	vld.idx.msk [tilespmem:v50+s5+$0x0], $0xffff;
	v7 =	vadd.f32 $1.000000000e+02, v7  }
0x102: {  	vm0 =	vmmov vm6;
	v26 =	vcvt.f32.s32 v27;
	v6 =	vadd.f32 $1.000000000e+02, v6  }
0x103: {  	v51 =	vmax.f32 v45, $-1.000000000e+02;
	v5 =	vcvt.s32.f32 v5;
	v7 =	vmul.f32 $2.499949950e+02, v7  }
0x104: {  	vm14 =	vgt.f32 v45, $1.000000000e+02;
	v51 =	vmin.f32 v51, $1.000000000e+02;
	v29 =	vld [tilespmem:s29+$0xC3A0];
	v53 =	vmul.f32 $2.499949950e+02, v6  }
0x105: {  	v52 =	vmax.f32 v31, $-1.000000000e+02;
	v5 =	vsub.f32 v49, v5;
	v54 =	vtrunc.f32 v7  }
0x106: {  	v55 =	vtrunc.f32 v53;
	v41 =	vcvt.f32.s32 v54;
	v23 =	vsub.f32 v23, v8  }
0x107: {  	v27 =	vadd.s32 $0x1, v26;
	v37 =	vmin.f32 v52, $1.000000000e+02;
	v59 =	vcvt.f32.s32 v55  }
0x108: {  	v37 =	vadd.f32 $1.000000000e+02, v37;
	v58 =	vadd.s32 $0x1, v41;
	v5 =	vmul.f32 v5, v23  }
0x109: {  	v6 =	vmax.f32 v29, $-1.000000000e+02;
	v23 =	vcvt.f32.s32 v57;
	v61 =	vadd.s32 $0x1, v59  }
0x10a: {  	vm2 =	vgt.f32 v63, $1.000000000e+02;
	v56 =	vmin.f32 v6, $1.000000000e+02;
	v6 =	vld [tilespmem:s29+$0xC3B0];
	v5 =	vadd.f32 v5, v8  }
0x10b: {  	v37 =	vmul.f32 $2.499949950e+02, v37;
	v42 =	vadd.f32 $1.000000000e+02, v56;
	v8 =	vadd.s32 $0x1, v23  }
0x10c: {  	v51 =	vadd.f32 $1.000000000e+02, v51;
	v60 =	vcvt.s32.f32 v59;
	v5 =	vsel vm2, v63, v5;
	v63 =	vld.idx.msk [tilespmem:v41+s5+$0x0], $0xffff  }
0x10d: {  	v18 =	vadd.f32 v39, v18;
	v62 =	vtrunc.f32 v37;
	v42 =	vmul.f32 $2.499949950e+02, v42;
	v44 =	vld.idx.msk [tilespmem:v58+s5+$0x0], $0xffff  }
0x10e: {  	v46 =	vcvt.f32.s32 v62;
	v40 =	vsub.f32 v53, v60;
	[tilespmem:s26+$0x147C0] =	vst v5;
	v58 =	vmax.f32 v34, $-1.000000000e+02;
	v47 =	vld.idx.msk [tilespmem:v61+s5+$0x0], $0xffff  }
0x10f: {  	v57 =	vmax.f32 v6, $-1.000000000e+02;
	v5 =	vtrunc.f32 v42;
	v50 =	vld.idx.msk [tilespmem:v23+s5+$0x0], $0xffff;
	v49 =	vmin.f32 v58, $1.000000000e+02  }
0x110: {  	v54 =	vcvt.f32.s32 v5;
	v5 =	vcvt.s32.f32 v41;
	v8 =	vld.idx.msk [tilespmem:v8+s5+$0x0], $0xffff;
	v49 =	vadd.f32 $1.000000000e+02, v49  }
0x111: {  	v48 =	vmin.f32 v57, $1.000000000e+02;
	v53 =	vcvt.s32.f32 v46;
	v41 =	vld.idx.msk [tilespmem:v59+s5+$0x0], $0xffff;
	v23 =	vcvt.s32.f32 v23  }
0x112: {  	v5 =	vsub.f32 v7, v5;
	v49 =	vmul.f32 $2.499949950e+02, v49;
	v7 =	vsub.f32 v44, v63  }
0x113: {  	v59 =	vadd.f32 $1.000000000e+02, v48;
	v48 =	vsub.f32 v37, v53;
	v44 =	vmul.f32 $2.499949950e+02, v51  }
0x114: {  	v23 =	vsub.f32 v36, v23;
	v60 =	vtrunc.f32 v49;
	v5 =	vmul.f32 v5, v7  }
0x115: {  	v61 =	vsub.f32 v8, v50;
	v7 =	vtrunc.f32 v44;
	v53 =	vcvt.f32.s32 v60;
	v8 =	vld [tilespmem:s29+$0xC3C0]  }
0x116: {  	v18 =	vsel vm3, v10, v18;
	v62 =	vsub.f32 v47, v41;
	v36 =	vcvt.f32.s32 v7  }
0x117: {  	v23 =	vmul.f32 v23, v61;
	v5 =	vadd.f32 v5, v63;
	v63 =	vcvt.s32.f32 v54  }
0x118: {  	vm2 =	vgt.f32 v35, $1.000000000e+02;
	v7 =	vld [tilespmem:s29+$0xC3D0];
	v37 =	vmul.f32 v40, v62;
	v55 =	vadd.s32 $0x1, v36  }
0x119: {  	v23 =	vadd.f32 v23, v50;
	v5 =	vsel vm2, v35, v5;
	v40 =	vsub.f32 v42, v63;
	v42 =	vld [tilespmem:s29+$0xC7A0]  }
0x11a: {  	v56 =	vadd.s32 $0x1, v53;
	vm2 =	vgt.f32 v38, $1.000000000e+02;
	[tilespmem:s29+$0x14780] =	vst v5;
	v5 =	vld [tilespmem:s29+$0xC3E0];
	v58 =	vmax.f32 v8, $-1.000000000e+02  }
0x11b: {  	[tilespmem:s26+$0x143B0] =	vst v18;
	v43 =	vmul.f32 $2.499949950e+02, v59;
	v23 =	vsel vm2, v38, v23;
	v39 =	vld.idx.msk [tilespmem:v53+s5+$0x0], $0xffff;
	v59 =	vmin.f32 v58, $1.000000000e+02  }
0x11c: {  	v30 =	vcvt.s32.f32 v26;
	vm13 =	vgt.f32 v19, $1.000000000e+02;
	[tilespmem:s26+$0x147D0] =	vst v23;
	v60 =	vadd.f32 $1.000000000e+02, v59;
	v59 =	vld.idx.msk [tilespmem:v12+s5+$0x0], $0xffff  }
0x11d: {  	v32 =	vadd.f32 v32, v25;
	v52 =	vadd.s32 $0x1, v46;
	v23 =	vadd.f32 v37, v41;
	v38 =	vld.idx.msk [tilespmem:v36+s5+$0x0], $0xffff  }
0x11e: {  	vm6 =	vgt.f32 v31, $1.000000000e+02;
	v57 =	vtrunc.f32 v43;
	v35 =	vld.idx.msk [tilespmem:v55+s5+$0x0], $0xffff;
	v36 =	vcvt.s32.f32 v36  }
0x11f: {  	v33 =	vcvt.f32.s32 v57;
	v10 =	vsel vm13, v19, v23;
	v23 =	vld.idx.msk [tilespmem:v56+s5+$0x0], $0xffff;
	v62 =	vmax.f32 v42, $-1.000000000e+02  }
0x120: {  	v57 =	vcvt.s32.f32 v53;
	[tilespmem:s29+$0x14380] =	vst v10;
	v10 =	vmin.f32 v62, $1.000000000e+02;
	v18 =	vsub.f32 v44, v36;
	v36 =	vld.idx.msk [tilespmem:v11+s5+$0x0], $0xffff  }
0x121: {  	vm8 =	vgt.f32 v29, $1.000000000e+02;
	v61 =	vmax.f32 v7, $-1.000000000e+02;
	v46 =	vld.idx.msk [tilespmem:v46+s5+$0x0], $0xffff;
	v50 =	vadd.f32 $1.000000000e+02, v10  }
0x122: {  	v58 =	vsub.f32 v49, v57;
	v63 =	vmin.f32 v61, $1.000000000e+02;
	v19 =	vcvt.s32.f32 v33;
	v52 =	vld.idx.msk [tilespmem:v52+s5+$0x0], $0xffff  }
0x123: {  	v41 =	vmul.f32 $2.499949950e+02, v60;
	v50 =	vmul.f32 $2.499949950e+02, v50;
	v35 =	vsub.f32 v35, v38  }
0x124: {  	v60 =	vmax.f32 v5, $-1.000000000e+02;
	v19 =	vsub.f32 v43, v19;
	v23 =	vsub.f32 v23, v39  }
0x125: {  	s2 =	simm.s32 $0x2;
	v43 =	vadd.f32 $1.000000000e+02, v63;
	v12 =	vtrunc.f32 v50;
	v18 =	vmul.f32 v18, v35  }
0x126: {  	s23 =	sand.u32 $0x7, s2;
	v49 =	vsub.f32 v59, v36;
	v23 =	vmul.f32 v58, v23;
	v44 =	vcvt.f32.s32 v12  }
0x127: {  	s0 =	sshll.u32 s23, $0xB;
	v35 =	vmin.f32 v60, $1.000000000e+02;
	v12 =	vsub.f32 v52, v46;
	v18 =	vadd.f32 v18, v38  }
0x128: {  	s7 =	sadd.s32 $0x20, s0;
	v55 =	vmul.f32 v14, v49;
	v62 =	vadd.f32 v23, v39;
	v63 =	vadd.s32 $0x1, v44  }
0x129: {  	s0 =	sadd.s32 $0x400, s7;
	v56 =	vtrunc.f32 v41;
	v53 =	vadd.f32 $1.000000000e+02, v35;
	v18 =	vsel vm14, v45, v18  }
0x12a: {  	s13 =	sor.u32 $0x70, s0;
	v48 =	vmul.f32 v48, v12;
	v23 =	vld [tilespmem:s29+$0xC7B0];
	v35 =	vadd.f32 v55, v36;
	v34 =	vsel vm10, v34, v62;
	[tilespmem:s26+$0x147E0] =	vst v18  }
0x12b: {  	v51 =	vadd.s32 $0x1, v54;
	vm3 =	vgt.f32 v8, $1.000000000e+02;
	v10 =	vcvt.f32.s32 v56;
	v18 =	vld [tilespmem:s13+$0xC380];
	[tilespmem:s29+$0x14790] =	vst v34  }
0x12c: {  	v43 =	vmul.f32 $2.499949950e+02, v43;
	v52 =	vadd.f32 v48, v46;
	v59 =	vsel vm7, v15, v35;
	v56 =	vld.idx.msk [tilespmem:v44+s5+$0x0], $0xffff  }
0x12d: {  	vm2 =	vgt.f32 v6, $1.000000000e+02;
	vm15 =	vgt.f32 v7, $1.000000000e+02;
	v37 =	vadd.s32 $0x1, v33;
	[tilespmem:s26+$0x143C0] =	vst v59;
	v25 =	vld.idx.msk [tilespmem:v63+s5+$0x0], $0xffff  }
0x12e: {  	v61 =	vcvt.s32.f32 v10;
	v14 =	vtrunc.f32 v43;
	v31 =	vsel vm6, v31, v52;
	v48 =	vld.idx.msk [tilespmem:v16+s5+$0x0], $0xffff  }
0x12f: {  	v11 =	vadd.s32 $0x1, v10;
	v14 =	vcvt.f32.s32 v14;
	v57 =	vmax.f32 v23, $-1.000000000e+02;
	[tilespmem:s29+$0x14390] =	vst v31;
	v22 =	vld.idx.msk [tilespmem:v22+s5+$0x0], $0xffff  }
0x130: {  	v12 =	vsub.f32 v41, v61;
	v36 =	vmul.f32 $2.499949950e+02, v53;
	v31 =	vmin.f32 v57, $1.000000000e+02;
	v58 =	vld.idx.msk [tilespmem:v54+s5+$0x0], $0xffff  }
0x131: {  	v15 =	vadd.s32 $0x1, v14;
	v44 =	vcvt.s32.f32 v44;
	v61 =	vld.idx.msk [tilespmem:v51+s5+$0x0], $0xffff;
	v31 =	vadd.f32 $1.000000000e+02, v31  }
0x132: {  	v49 =	vtrunc.f32 v36;
	vm6 =	vgt.f32 v5, $1.000000000e+02;
	v63 =	vld.idx.msk [tilespmem:v27+s5+$0x0], $0xffff;
	v27 =	vcvt.s32.f32 v14  }
0x133: {  	v44 =	vsub.f32 v50, v44;
	v60 =	vmax.f32 v18, $-1.000000000e+02;
	v35 =	vmul.f32 $2.499949950e+02, v31  }
0x134: {  	v16 =	vsub.f32 v43, v27;
	v62 =	vmin.f32 v60, $1.000000000e+02;
	v51 =	vsub.f32 v25, v56  }
0x135: {  	v52 =	vld.idx.msk [tilespmem:v26+s5+$0x0], $0xffff;
	v31 =	vadd.f32 $1.000000000e+02, v62;
	v22 =	vsub.f32 v22, v48;
	v27 =	vtrunc.f32 v35  }
0x136: {  	v54 =	vsub.f32 v61, v58;
	v26 =	vmul.f32 v44, v51;
	v53 =	vcvt.f32.s32 v27  }
0x137: {  	v25 =	vmul.f32 $2.499949950e+02, v31;
	v31 =	vsel vm5, v9, v32;
	v27 =	vld [tilespmem:s29+$0xC7C0];
	v21 =	vmul.f32 v21, v22  }
0x138: {  	s0 =	sor.u32 $0x70, s3;
	vm5 =	vgt.f32 v42, $1.000000000e+02;
	[tilespmem:s25+$0x143E0] =	vst v31;
	v32 =	vmul.f32 v40, v54;
	v38 =	vadd.f32 v26, v56  }
0x139: {  	v55 =	vtrunc.f32 v25;
	v56 =	vadd.s32 $0x1, v53;
	v26 =	vld [tilespmem:s0+$0xC380];
	v62 =	vadd.f32 v21, v48  }
0x13a: {  	[tilespmem:s31+$0x14380] =	vst v13;
	v59 =	vsub.f32 v63, v52;
	v31 =	vcvt.f32.s32 v55;
	v38 =	vsel vm5, v42, v38  }
0x13b: {  	v22 =	vsub.f32 v24, v30;
	v32 =	vadd.f32 v32, v58;
	v13 =	vsel vm4, v17, v62;
	[tilespmem:s29+$0x147A0] =	vst v38  }
0x13c: {  	v9 =	vcvt.f32.s32 v49;
	v57 =	vadd.s32 $0x1, v31;
	v60 =	vmax.f32 v27, $-1.000000000e+02;
	[tilespmem:s26+$0x143D0] =	vst v13;
	v38 =	vld.idx.msk [tilespmem:v53+s5+$0x0], $0xffff  }
0x13d: {  	v22 =	vmul.f32 v22, v59;
	v24 =	vsel vm8, v29, v32;
	v29 =	vmin.f32 v60, $1.000000000e+02;
	v17 =	vld.idx.msk [tilespmem:v20+s5+$0x0], $0xffff  }
0x13e: {  	v58 =	vcvt.s32.f32 v9;
	[tilespmem:s29+$0x143A0] =	vst v24;
	v39 =	vld.idx.msk [tilespmem:v56+s5+$0x0], $0xffff;
	v61 =	vadd.f32 $1.000000000e+02, v29;
	v29 =	vmax.f32 v26, $-1.000000000e+02  }
0x13f: {  	v34 =	vadd.s32 $0x1, v9;
	v22 =	vadd.f32 v22, v52;
	v24 =	vmin.f32 v29, $1.000000000e+02;
	v29 =	vld.idx.msk [tilespmem:v33+s5+$0x0], $0xffff  }
0x140: {  	v32 =	vsub.f32 v36, v58;
	v21 =	vld.idx.msk [tilespmem:v31+s5+$0x0], $0xffff;
	v36 =	vmul.f32 $2.499949950e+02, v61;
	v63 =	vadd.f32 $1.000000000e+02, v24  }
0x141: {  	s31 =	simm.s32 $0x6;
	s14 =	sor.u32 $0x70, s7;
	s7 =	simm.s32 $0x30;
	vm4 =	vmmov vm3;
	vm3 =	vmmov vm15;
	v33 =	vcvt.s32.f32 v53;
	v30 =	vld.idx.msk [tilespmem:v57+s5+$0x0], $0xffff  }
0x142: {  	s3 =	sadd.s32 s8, s24;
	[tilespmem:s6+$0x14380] =	vst v28;
	s6 =	simm.s32 $0x400;
	s25 =	sshll.u32 s24, $0x1;
	vm7 =	vgt.f32 v26, $1.000000000e+02;
	v37 =	vld.idx.msk [tilespmem:v37+s5+$0x0], $0xffff;
	v24 =	vtrunc.f32 v36;
	v13 =	vmul.f32 $2.499949950e+02, v63  }
.LBB2_3:
0x143: {  	v20 =	vsub.f32 v35, v33;
	v28 =	vsub.f32 v39, v38  }
0x144: {  	s22 =	sand.u32 $0x700, s6;
	s30 =	sadd.s32 $0x10, s30;
	v35 =	vld.idx.msk [tilespmem:v3+s5+$0x0], $0xffff;
	v31 =	vcvt.s32.f32 v31;
	v3 =	vmovc v34;
	vm5 =	vmmov vm1;
	vm1 =	vmmov vm6  }
0x145: {  	v24 =	vcvt.f32.s32 v24;
	v22 =	vsel vm0, v2, v22;
	v2 =	vmovc v26;
	s22 =	sshll.u32 s22, $0x3;
	s23 =	sand.u32 $0x380, s30;
	v33 =	vtrunc.f32 v13  }
0x146: {  	v26 =	vsub.f32 v30, v21;
	s22 =	sor.u32 s23, s22;
	v20 =	vmul.f32 v20, v28;
	v25 =	vsub.f32 v25, v31;
	[tilespmem:s28+$0x14380] =	vst v22;
	s28 =	smov.u32 s0;
	s0 =	smov.u32 s14  }
0x147: {  	vm0 =	vmmov vm7;
	v39 =	vcvt.f32.s32 v33;
	v34 =	vld [tilespmem:s22+$0xC780]  }
0x148: {  	v22 =	vadd.s32 $0x1, v24;
	v33 =	vld [tilespmem:s22+$0xC380];
	v20 =	vadd.f32 v20, v38;
	v26 =	vmul.f32 v25, v26  }
0x149: {  	vm6 =	vgt.f32 v23, $1.000000000e+02;
	v28 =	vsub.f32 v37, v29;
	v38 =	vadd.s32 $0x1, v39;
	v37 =	vld [tilespmem:s29+$0xC7D0]  }
0x14a: {  	v30 =	vsub.f32 v35, v17;
	v25 =	vld [tilespmem:s22+$0xC390];
	v23 =	vsel vm6, v23, v20;
	v26 =	vadd.f32 v26, v21  }
0x14b: {  	v19 =	vmul.f32 v19, v28;
	vm6 =	vgt.f32 v18, $1.000000000e+02;
	v21 =	vcvt.s32.f32 v39;
	v20 =	vld [tilespmem:s22+$0xC3A0];
	[tilespmem:s29+$0x147B0] =	vst v23  }
0x14c: {  	v30 =	vmul.f32 v4, v30;
	v4 =	vmovc v32;
	v23 =	vmax.f32 v34, $-1.000000000e+02;
	v40 =	vld.idx.msk [tilespmem:v24+s5+$0x0], $0xffff;
	v18 =	vsel vm6, v18, v26  }
0x14d: {  	s31 =	sadd.s32 $0x2, s31;
	v26 =	vmax.f32 v33, $-1.000000000e+02;
	vm8 =	vgt.f32 v33, $1.000000000e+02;
	v28 =	vmin.f32 v23, $1.000000000e+02;
	v32 =	vld.idx.msk [tilespmem:v22+s5+$0x0], $0xffff;
	[tilespmem:s13+$0x14380] =	vst v18  }
0x14e: {  	p1 =	slt.u32 s31, $0x7E;
	v18 =	vmin.f32 v26, $1.000000000e+02;
	v23 =	vld [tilespmem:s22+$0xC3B0];
	v26 =	vadd.f32 $1.000000000e+02, v28;
	v22 =	vmax.f32 v37, $-1.000000000e+02  }
0x14f: {  	v18 =	vadd.f32 $1.000000000e+02, v18;
	v28 =	vmax.f32 v25, $-1.000000000e+02;
	v31 =	vld [tilespmem:s22+$0xC3C0];
	v35 =	vmin.f32 v22, $1.000000000e+02  }
0x150: {  	v28 =	vmin.f32 v28, $1.000000000e+02;
	v22 =	vld [tilespmem:s22+$0xC3D0];
	v41 =	vmul.f32 $2.499949950e+02, v26;
	v35 =	vadd.f32 $1.000000000e+02, v35  }
0x151: {  	v24 =	vcvt.s32.f32 v24;
	v42 =	vmul.f32 $2.499949950e+02, v18;
	v18 =	vadd.f32 $1.000000000e+02, v28;
	v26 =	vld [tilespmem:s22+$0xC3E0]  }
0x152: {  	v43 =	vmax.f32 v20, $-1.000000000e+02;
	v44 =	vtrunc.f32 v41;
	v45 =	vmul.f32 $2.499949950e+02, v35;
	v28 =	vld.idx.msk [tilespmem:v38+s5+$0x0], $0xffff  }
0x153: {  	v35 =	vsub.f32 v36, v24;
	v32 =	vsub.f32 v32, v40;
	v38 =	vcvt.f32.s32 v44;
	v24 =	vld.idx.msk [tilespmem:v39+s5+$0x0], $0xffff  }
0x154: {  	v36 =	vtrunc.f32 v42;
	v39 =	vmin.f32 v43, $1.000000000e+02;
	v43 =	vtrunc.f32 v45  }
0x155: {  	v32 =	vmul.f32 v35, v32;
	v44 =	vadd.s32 $0x1, v38;
	v43 =	vcvt.f32.s32 v43  }
0x156: {  	v46 =	vmul.f32 $2.499949950e+02, v18;
	v36 =	vcvt.f32.s32 v36;
	v39 =	vadd.f32 $1.000000000e+02, v39;
	v35 =	vld [tilespmem:s29+$0xC7E0]  }
0x157: {  	vm6 =	vgt.f32 v25, $1.000000000e+02;
	v32 =	vadd.f32 v32, v40;
	v18 =	vld [tilespmem:s22+$0xC790];
	v40 =	vadd.s32 $0x1, v43  }
0x158: {  	vm7 =	vgt.f32 v27, $1.000000000e+02;
	v47 =	vcvt.s32.f32 v36;
	v48 =	vadd.s32 $0x1, v36  }
0x159: {  	v49 =	vtrunc.f32 v46;
	v39 =	vmul.f32 $2.499949950e+02, v39;
	v27 =	vsel vm7, v27, v32;
	v50 =	vld.idx.msk [tilespmem:v38+s5+$0x0], $0xffff  }
0x15a: {  	v32 =	vsub.f32 v42, v47;
	v42 =	vcvt.f32.s32 v49;
	v47 =	vmax.f32 v23, $-1.000000000e+02;
	v44 =	vld.idx.msk [tilespmem:v44+s5+$0x0], $0xffff;
	[tilespmem:s29+$0x147C0] =	vst v27  }
0x15b: {  	v47 =	vmin.f32 v47, $1.000000000e+02;
	v27 =	vtrunc.f32 v39;
	v49 =	vld.idx.msk [tilespmem:v43+s5+$0x0], $0xffff;
	v51 =	vmax.f32 v35, $-1.000000000e+02  }
0x15c: {  	v52 =	vadd.s32 $0x1, v42;
	v53 =	vmax.f32 v18, $-1.000000000e+02;
	v40 =	vld.idx.msk [tilespmem:v40+s5+$0x0], $0xffff;
	v51 =	vmin.f32 v51, $1.000000000e+02  }
0x15d: {  	v54 =	vcvt.s32.f32 v42;
	v48 =	vld.idx.msk [tilespmem:v48+s5+$0x0], $0xffff;
	v53 =	vmin.f32 v53, $1.000000000e+02;
	v51 =	vadd.f32 $1.000000000e+02, v51  }
0x15e: {  	v47 =	vadd.f32 $1.000000000e+02, v47;
	v27 =	vcvt.f32.s32 v27;
	v55 =	vld.idx.msk [tilespmem:v36+s5+$0x0], $0xffff;
	v53 =	vadd.f32 $1.000000000e+02, v53  }
0x15f: {  	v38 =	vcvt.s32.f32 v38;
	v46 =	vsub.f32 v46, v54;
	v51 =	vmul.f32 $2.499949950e+02, v51  }
0x160: {  	v43 =	vcvt.s32.f32 v43;
	v36 =	vadd.s32 $0x1, v27;
	v53 =	vmul.f32 $2.499949950e+02, v53  }
0x161: {  	v38 =	vsub.f32 v41, v38;
	v41 =	vsub.f32 v44, v50;
	v44 =	vtrunc.f32 v51  }
0x162: {  	v43 =	vsub.f32 v45, v43;
	v40 =	vsub.f32 v40, v49;
	v54 =	vtrunc.f32 v53  }
0x163: {  	vm7 =	vgt.f32 v20, $1.000000000e+02;
	v38 =	vmul.f32 v38, v41;
	v41 =	vcvt.f32.s32 v54  }
0x164: {  	v45 =	vsub.f32 v48, v55;
	v40 =	vmul.f32 v43, v40;
	v43 =	vcvt.f32.s32 v44  }
0x165: {  	v47 =	vmul.f32 $2.499949950e+02, v47;
	v44 =	vcvt.s32.f32 v27;
	v38 =	vadd.f32 v38, v50  }
0x166: {  	vm9 =	vgt.f32 v34, $1.000000000e+02;
	v40 =	vadd.f32 v40, v49;
	v48 =	vadd.s32 $0x1, v43  }
0x167: {  	v38 =	vsel vm9, v34, v38;
	v49 =	vadd.s32 $0x1, v41;
	vm9 =	vgt.f32 v37, $1.000000000e+02  }
0x168: {  	v45 =	vmul.f32 v32, v45;
	v34 =	vsub.f32 v39, v44;
	v37 =	vsel vm9, v37, v40;
	[tilespmem:s22+$0x14780] =	vst v38;
	v32 =	vld [tilespmem:s22+$0xC7A0]  }
0x169: {  	v19 =	vadd.f32 v19, v29;
	v39 =	vmax.f32 v31, $-1.000000000e+02;
	v38 =	vtrunc.f32 v47;
	v40 =	vld.idx.msk [tilespmem:v41+s5+$0x0], $0xffff;
	[tilespmem:s29+$0x147D0] =	vst v37  }
0x16a: {  	v37 =	vadd.f32 v45, v55;
	v29 =	vcvt.f32.s32 v38;
	v38 =	vmin.f32 v39, $1.000000000e+02;
	v39 =	vld.idx.msk [tilespmem:v43+s5+$0x0], $0xffff  }
0x16b: {  	v19 =	vsel vm2, v6, v19;
	vm2 =	vgt.f32 v23, $1.000000000e+02;
	v6 =	vmovc v23;
	v38 =	vadd.f32 $1.000000000e+02, v38;
	v44 =	vld.idx.msk [tilespmem:v48+s5+$0x0], $0xffff  }
0x16c: {  	v23 =	vsel vm8, v33, v37;
	v37 =	vcvt.s32.f32 v29;
	v33 =	vadd.s32 $0x1, v29;
	v45 =	vld.idx.msk [tilespmem:v49+s5+$0x0], $0xffff;
	[tilespmem:s29+$0x143B0] =	vst v19  }
0x16d: {  	v38 =	vmul.f32 $2.499949950e+02, v38;
	[tilespmem:s22+$0x14380] =	vst v23;
	v23 =	vmax.f32 v22, $-1.000000000e+02;
	v48 =	vmax.f32 v32, $-1.000000000e+02;
	v49 =	vld.idx.msk [tilespmem:v10+s5+$0x0], $0xffff  }
0x16e: {  	v19 =	vsub.f32 v47, v37;
	v42 =	vld.idx.msk [tilespmem:v42+s5+$0x0], $0xffff;
	v23 =	vmin.f32 v23, $1.000000000e+02;
	v10 =	vmin.f32 v48, $1.000000000e+02  }
0x16f: {  	v43 =	vcvt.s32.f32 v43;
	v47 =	vtrunc.f32 v38;
	v37 =	vld.idx.msk [tilespmem:v52+s5+$0x0], $0xffff;
	v48 =	vadd.f32 $1.000000000e+02, v10  }
0x170: {  	v10 =	vcvt.f32.s32 v47;
	v47 =	vadd.f32 $1.000000000e+02, v23;
	v23 =	vcvt.s32.f32 v41;
	v41 =	vld.idx.msk [tilespmem:v11+s5+$0x0], $0xffff  }
0x171: {  	v43 =	vsub.f32 v51, v43;
	v44 =	vsub.f32 v44, v39;
	v48 =	vmul.f32 $2.499949950e+02, v48  }
0x172: {  	v11 =	vadd.s32 $0x1, v10;
	v23 =	vsub.f32 v53, v23;
	v45 =	vsub.f32 v45, v40  }
0x173: {  	s2 =	sadd.s32 $0x1, s2;
	vm8 =	vgt.f32 v31, $1.000000000e+02;
	v43 =	vmul.f32 v43, v44;
	v50 =	vtrunc.f32 v48  }
0x174: {  	s13 =	sand.u32 $0x7, s2;
	v44 =	vmax.f32 v26, $-1.000000000e+02;
	v23 =	vmul.f32 v23, v45;
	v45 =	vcvt.f32.s32 v50  }
0x175: {  	s13 =	sshll.u32 s13, $0xB;
	v37 =	vsub.f32 v37, v42;
	v50 =	vcvt.s32.f32 v10;
	v39 =	vadd.f32 v43, v39  }
0x176: {  	s13 =	sadd.s32 s13, s7;
	s7 =	smov.u32 s30;
	vm9 =	vgt.f32 v35, $1.000000000e+02;
	v40 =	vadd.f32 v23, v40;
	v43 =	vadd.s32 $0x1, v45  }
0x177: {  	s14 =	sor.u32 $0x70, s13;
	s13 =	sadd.s32 $0x400, s13;
	vm10 =	vgt.f32 v18, $1.000000000e+02;
	v37 =	vmul.f32 v46, v37;
	v35 =	vsel vm9, v35, v39;
	v23 =	vld [tilespmem:s22+$0xC7B0]  }
0x178: {  	s13 =	sor.u32 $0x70, s13;
	v38 =	vsub.f32 v38, v50;
	v39 =	vsub.f32 v41, v49;
	v18 =	vsel vm10, v18, v40;
	[tilespmem:s29+$0x147E0] =	vst v35  }
0x179: {  	v40 =	vmin.f32 v44, $1.000000000e+02;
	v35 =	vadd.f32 v37, v42;
	v37 =	vmul.f32 $2.499949950e+02, v47;
	[tilespmem:s22+$0x14790] =	vst v18;
	v18 =	vld [tilespmem:s13+$0xC380]  }
0x17a: {  	vm9 =	vgt.f32 v22, $1.000000000e+02;
	v40 =	vadd.f32 $1.000000000e+02, v40;
	v39 =	vmul.f32 v12, v39;
	v12 =	vmovc v38;
	v41 =	vld.idx.msk [tilespmem:v45+s5+$0x0], $0xffff  }
0x17b: {  	v17 =	vadd.f32 v30, v17;
	v25 =	vsel vm6, v25, v35;
	v35 =	vtrunc.f32 v37;
	v38 =	vld.idx.msk [tilespmem:v43+s5+$0x0], $0xffff  }
0x17c: {  	[tilespmem:s22+$0x14390] =	vst v25;
	v25 =	vcvt.f32.s32 v35;
	v30 =	vmax.f32 v23, $-1.000000000e+02;
	v35 =	vadd.f32 v39, v49  }
0x17d: {  	v40 =	vmul.f32 $2.499949950e+02, v40;
	vm6 =	vgt.f32 v26, $1.000000000e+02;
	v39 =	vld.idx.msk [tilespmem:v27+s5+$0x0], $0xffff;
	v27 =	vmin.f32 v30, $1.000000000e+02  }
0x17e: {  	v30 =	vld.idx.msk [tilespmem:v36+s5+$0x0], $0xffff;
	v27 =	vadd.f32 $1.000000000e+02, v27;
	v35 =	vsel vm4, v8, v35;
	v36 =	vmax.f32 v18, $-1.000000000e+02;
	v8 =	vmovc v31  }
0x17f: {  	v42 =	vcvt.s32.f32 v45;
	v31 =	vadd.s32 $0x1, v25;
	[tilespmem:s29+$0x143C0] =	vst v35;
	v36 =	vmin.f32 v36, $1.000000000e+02  }
0x180: {  	v43 =	vcvt.s32.f32 v25;
	v35 =	vmul.f32 $2.499949950e+02, v27;
	v44 =	vld.idx.msk [tilespmem:v14+s5+$0x0], $0xffff;
	v27 =	vadd.f32 $1.000000000e+02, v36;
	v14 =	vmovc v25  }
0x181: {  	v42 =	vsub.f32 v48, v42;
	v36 =	vtrunc.f32 v40;
	v38 =	vsub.f32 v38, v41;
	v45 =	vld.idx.msk [tilespmem:v15+s5+$0x0], $0xffff;
	v15 =	vmovc v31  }
0x182: {  	v37 =	vsub.f32 v37, v43;
	v31 =	vtrunc.f32 v35;
	v25 =	vmul.f32 $2.499949950e+02, v27  }
0x183: {  	v17 =	vsel vm5, v1, v17;
	v1 =	vmovc v5;
	v5 =	vmovc v26;
	v38 =	vmul.f32 v42, v38;
	v42 =	vcvt.f32.s32 v31  }
0x184: {  	v43 =	vcvt.f32.s32 v36;
	v30 =	vsub.f32 v30, v39;
	v27 =	vld [tilespmem:s22+$0xC7C0];
	v26 =	vtrunc.f32 v25;
	[tilespmem:s26+$0x143E0] =	vst v17;
	s26 =	smov.u32 s29;
	s29 =	smov.u32 s22  }
0x185: {  	v17 =	vadd.f32 v38, v41;
	v36 =	vadd.s32 $0x1, v42;
	v31 =	vcvt.f32.s32 v26;
	v26 =	vld [tilespmem:s0+$0xC380]  }
0x186: {  	vm4 =	vgt.f32 v32, $1.000000000e+02;
	v30 =	vmul.f32 v34, v30;
	v34 =	vadd.s32 $0x1, v43  }
0x187: {  	v17 =	vsel vm4, v32, v17;
	v32 =	vsub.f32 v45, v44;
	v41 =	vadd.s32 $0x1, v31  }
0x188: {  	v30 =	vadd.f32 v30, v39;
	v39 =	vcvt.s32.f32 v43;
	[tilespmem:s29+$0x147A0] =	vst v17;
	v17 =	vsub.f32 v28, v24  }
0x189: {  	v13 =	vsub.f32 v13, v21;
	v45 =	vmul.f32 v16, v32;
	v16 =	vmovc v37;
	v38 =	vld.idx.msk [tilespmem:v42+s5+$0x0], $0xffff;
	v28 =	vmax.f32 v27, $-1.000000000e+02  }
0x18a: {  	v20 =	vsel vm7, v20, v30;
	v32 =	vsub.f32 v40, v39;
	v39 =	vld.idx.msk [tilespmem:v36+s5+$0x0], $0xffff;
	v21 =	vmin.f32 v28, $1.000000000e+02  }
.Ltmp2:
0x18b: {  	v28 =	vadd.f32 v45, v44;
	v36 =	vmax.f32 v26, $-1.000000000e+02;
	[tilespmem:s29+$0x143A0] =	vst v20;
	v20 =	vadd.f32 $1.000000000e+02, v21;
	v21 =	vld.idx.msk [tilespmem:v31+s5+$0x0], $0xffff;
	(pc) =	sbr.rel @p1 .LBB2_3-.Ltmp2, $4  }
0x18c: {  	vm7 =	vgt.f32 v26, $1.000000000e+02;
	v13 =	vmul.f32 v13, v17;
	v37 =	vmin.f32 v36, $1.000000000e+02;
	v30 =	vld.idx.msk [tilespmem:v41+s5+$0x0], $0xffff  }
0x18d: {  	v17 =	vsel vm3, v7, v28;
	v7 =	vmovc v22;
	v29 =	vld.idx.msk [tilespmem:v29+s5+$0x0], $0xffff;
	v36 =	vmul.f32 $2.499949950e+02, v20;
	v20 =	vadd.f32 $1.000000000e+02, v37  }
0x18e: {  	vm4 =	vmmov vm8;
	v22 =	vadd.f32 v13, v24;
	v37 =	vld.idx.msk [tilespmem:v33+s5+$0x0], $0xffff;
	v33 =	vcvt.s32.f32 v42;
	[tilespmem:s26+$0x143D0] =	vst v17  }
0x18f: {  	s6 =	sadd.s32 $0x100, s6;
	vm3 =	vmmov vm9;
	v24 =	vtrunc.f32 v36;
	v17 =	vld.idx.msk [tilespmem:v9+s5+$0x0], $0xffff;
	v13 =	vmul.f32 $2.499949950e+02, v20;
	v9 =	vmovc v43  }
0x190: {  	_ = 	snop  }
0x191: {  	v20 =	vsub.f32 v35, v33;
	v28 =	vsub.f32 v39, v38;
	_ =	sdelay $0x1  }
0x192: {  	v24 =	vcvt.f32.s32 v24;
	v20 =	vmul.f32 v20, v28;
	v51 =	vsub.f32 v37, v29;
	_ =	sdelay $0x1  }
0x193: {  	v52 =	vld [tilespmem:s29+$0xC7D0];
	v50 =	vadd.s32 $0x1, v24;
	v20 =	vadd.f32 v20, v38;
	v19 =	vmul.f32 v19, v51  }
0x194: {  	vm5 =	vgt.f32 v23, $1.000000000e+02  }
0x195: {  	v20 =	vsel vm5, v23, v20;
	v19 =	vadd.f32 v19, v29  }
0x196: {  	[tilespmem:s29+$0x147B0] =	vst v20  }
0x197: {  	v20 =	vld.idx.msk [tilespmem:v24+s5+$0x0], $0xffff;
	v6 =	vsel vm2, v6, v19  }
0x198: {  	v54 =	vmax.f32 v52, $-1.000000000e+02;
	v53 =	vld.idx.msk [tilespmem:v50+s5+$0x0], $0xffff;
	[tilespmem:s29+$0x143B0] =	vst v6  }
0x199: {  	v28 =	vmin.f32 v54, $1.000000000e+02;
	v10 =	vld.idx.msk [tilespmem:v10+s5+$0x0], $0xffff  }
0x19a: {  	v55 =	vadd.f32 $1.000000000e+02, v28;
	v11 =	vld.idx.msk [tilespmem:v11+s5+$0x0], $0xffff  }
0x19b: {  	v56 =	vcvt.s32.f32 v24  }
0x19c: {  	v19 =	vmul.f32 $2.499949950e+02, v55  }
0x19d: {  	v6 =	vsub.f32 v36, v56;
	v23 =	vsub.f32 v53, v20  }
0x19e: {  	v57 =	vtrunc.f32 v19  }
0x19f: {  	v58 =	vcvt.f32.s32 v57;
	v6 =	vmul.f32 v6, v23;
	v11 =	vsub.f32 v11, v10;
	_ =	sdelay $0x1  }
0x1a0: {  	v59 =	vld [tilespmem:s29+$0xC7E0];
	v60 =	vadd.s32 $0x1, v58;
	v6 =	vadd.f32 v6, v20;
	v11 =	vmul.f32 v12, v11  }
0x1a1: {  	vm15 =	vgt.f32 v27, $1.000000000e+02  }
0x1a2: {  	v6 =	vsel vm15, v27, v6;
	v10 =	vadd.f32 v11, v10  }
0x1a3: {  	[tilespmem:s29+$0x147C0] =	vst v6  }
0x1a4: {  	v6 =	vld.idx.msk [tilespmem:v58+s5+$0x0], $0xffff;
	v8 =	vsel vm4, v8, v10  }
0x1a5: {  	v61 =	vmax.f32 v59, $-1.000000000e+02;
	v62 =	vld.idx.msk [tilespmem:v60+s5+$0x0], $0xffff;
	[tilespmem:s29+$0x143C0] =	vst v8  }
0x1a6: {  	v11 =	vmin.f32 v61, $1.000000000e+02;
	v23 =	vld.idx.msk [tilespmem:v14+s5+$0x0], $0xffff  }
0x1a7: {  	v63 =	vadd.f32 $1.000000000e+02, v11;
	v27 =	vld.idx.msk [tilespmem:v15+s5+$0x0], $0xffff  }
0x1a8: {  	v20 =	vcvt.s32.f32 v58  }
0x1a9: {  	v10 =	vmul.f32 $2.499949950e+02, v63  }
0x1aa: {  	v8 =	vsub.f32 v19, v20;
	v12 =	vsub.f32 v62, v6  }
0x1ab: {  	v28 =	vtrunc.f32 v10  }
0x1ac: {  	v29 =	vcvt.f32.s32 v28;
	v8 =	vmul.f32 v8, v12;
	v14 =	vsub.f32 v27, v23;
	_ =	sdelay $0x1  }
0x1ad: {  	v33 =	vadd.s32 $0x1, v29;
	v6 =	vadd.f32 v8, v6;
	v14 =	vmul.f32 v16, v14  }
0x1ae: {  	vm4 =	vgt.f32 v52, $1.000000000e+02  }
0x1af: {  	v6 =	vsel vm4, v52, v6;
	v11 =	vadd.f32 v14, v23  }
0x1b0: {  	v3 =	vld.idx.msk [tilespmem:v3+s5+$0x0], $0xffff;
	[tilespmem:s29+$0x147D0] =	vst v6  }
0x1b1: {  	v6 =	vld.idx.msk [tilespmem:v29+s5+$0x0], $0xffff;
	v7 =	vsel vm3, v7, v11  }
0x1b2: {  	v8 =	vld.idx.msk [tilespmem:v33+s5+$0x0], $0xffff;
	[tilespmem:s29+$0x143D0] =	vst v7  }
0x1b3: {  	v9 =	vld.idx.msk [tilespmem:v9+s5+$0x0], $0xffff  }
0x1b4: {  	v37 =	vld.idx.msk [tilespmem:v34+s5+$0x0], $0xffff  }
0x1b5: {  	v3 =	vsub.f32 v3, v17;
	v36 =	vcvt.s32.f32 v29;
	_ =	sdelay $0x1  }
0x1b6: {  	v3 =	vmul.f32 v4, v3;
	v7 =	vsub.f32 v10, v36;
	v8 =	vsub.f32 v8, v6;
	_ =	sdelay $0x1  }
0x1b7: {  	s2 =	sadd.s32 $0x1, s2;
	v3 =	vadd.f32 v3, v17;
	v7 =	vmul.f32 v7, v8;
	v39 =	vsub.f32 v37, v9  }
0x1b8: {  	vm1 =	vmmov vm1;
	s2 =	sand.u32 $0x7, s2  }
0x1b9: {  	s2 =	sshll.u32 s2, $0xB;
	v1 =	vsel vm1, v1, v3;
	v38 =	vadd.f32 v7, v6;
	v6 =	vmul.f32 v32, v39  }
0x1ba: {  	s6 =	sadd.s32 s2, s7;
	vm5 =	vgt.f32 v59, $1.000000000e+02;
	[tilespmem:s26+$0x143E0] =	vst v1  }
0x1bb: {  	vm6 =	vmmov vm6;
	s2 =	sadd.s32 $0x400, s6;
	v1 =	vld [tilespmem:s14+$0xC380];
	v4 =	vsel vm5, v59, v38;
	v3 =	vadd.f32 v6, v9  }
0x1bc: {  	vm8 =	vmmov vm6;
	s2 =	sor.u32 $0x70, s2;
	[tilespmem:s29+$0x147E0] =	vst v4  }
0x1bd: {  	v4 =	vld [tilespmem:s2+$0xC380];
	v3 =	vsel vm8, v5, v3  }
0x1be: {  	s6 =	sor.u32 $0x70, s6;
	[tilespmem:s29+$0x143E0] =	vst v3  }
0x1bf: {  	v3 =	vld [tilespmem:s6+$0xC380]  }
0x1c0: {  	v42 =	vmax.f32 v1, $-1.000000000e+02  }
0x1c1: {  	v7 =	vmin.f32 v42, $1.000000000e+02  }
0x1c2: {  	v7 =	vadd.f32 $1.000000000e+02, v7;
	v40 =	vmax.f32 v4, $-1.000000000e+02  }
0x1c3: {  	v41 =	vtrunc.f32 v13;
	v5 =	vmin.f32 v40, $1.000000000e+02  }
0x1c4: {  	v7 =	vmul.f32 $2.499949950e+02, v7;
	v5 =	vadd.f32 $1.000000000e+02, v5;
	v43 =	vmax.f32 v3, $-1.000000000e+02  }
0x1c5: {  	v6 =	vcvt.f32.s32 v41;
	v8 =	vmin.f32 v43, $1.000000000e+02  }
0x1c6: {  	v46 =	vtrunc.f32 v7;
	v5 =	vmul.f32 $2.499949950e+02, v5;
	v8 =	vadd.f32 $1.000000000e+02, v8  }
0x1c7: {  	v44 =	vadd.s32 $0x1, v6;
	v11 =	vcvt.f32.s32 v46  }
0x1c8: {  	v45 =	vtrunc.f32 v5;
	v8 =	vmul.f32 $2.499949950e+02, v8  }
0x1c9: {  	v49 =	vadd.s32 $0x1, v11;
	v10 =	vcvt.f32.s32 v45  }
0x1ca: {  	v48 =	vtrunc.f32 v8  }
0x1cb: {  	v50 =	vld.idx.msk [tilespmem:v6+s5+$0x0], $0xffff;
	v47 =	vadd.s32 $0x1, v10;
	v14 =	vcvt.f32.s32 v48  }
0x1cc: {  	v9 =	vld.idx.msk [tilespmem:v44+s5+$0x0], $0xffff  }
0x1cd: {  	v52 =	vcvt.s32.f32 v31;
	v55 =	vld.idx.msk [tilespmem:v11+s5+$0x0], $0xffff;
	v51 =	vadd.s32 $0x1, v14  }
0x1ce: {  	v15 =	vld.idx.msk [tilespmem:v49+s5+$0x0], $0xffff  }
0x1cf: {  	v54 =	vsub.f32 v30, v21;
	v19 =	vsub.f32 v25, v52;
	v53 =	vld.idx.msk [tilespmem:v10+s5+$0x0], $0xffff  }
0x1d0: {  	v12 =	vld.idx.msk [tilespmem:v47+s5+$0x0], $0xffff  }
0x1d1: {  	v2 =	vsel vm0, v2, v22;
	v19 =	vmul.f32 v19, v54;
	v56 =	vld.idx.msk [tilespmem:v14+s5+$0x0], $0xffff  }
0x1d2: {  	vm9 =	vmmov vm7;
	vm10 =	vgt.f32 v18, $1.000000000e+02;
	v6 =	vcvt.s32.f32 v6;
	v17 =	vld.idx.msk [tilespmem:v51+s5+$0x0], $0xffff  }
0x1d3: {  	vm11 =	vgt.f32 v1, $1.000000000e+02;
	v19 =	vadd.f32 v19, v21;
	v11 =	vcvt.s32.f32 v11  }
0x1d4: {  	v6 =	vsub.f32 v13, v6;
	v9 =	vsub.f32 v9, v50;
	v10 =	vcvt.s32.f32 v10  }
0x1d5: {  	v7 =	vsub.f32 v7, v11;
	v59 =	vsub.f32 v15, v55;
	v58 =	vcvt.s32.f32 v14  }
0x1d6: {  	v6 =	vmul.f32 v6, v9;
	v5 =	vsub.f32 v5, v10;
	v57 =	vsub.f32 v12, v53  }
0x1d7: {  	v7 =	vmul.f32 v7, v59;
	v8 =	vsub.f32 v8, v58;
	v60 =	vsub.f32 v17, v56  }
0x1d8: {  	vm12 =	vmmov vm11;
	v6 =	vadd.f32 v6, v50;
	v5 =	vmul.f32 v5, v57  }
0x1d9: {  	[tilespmem:s28+$0x14380] =	vst v2;
	v61 =	vsel vm10, v18, v19;
	v7 =	vadd.f32 v7, v55;
	v62 =	vmul.f32 v8, v60  }
0x1da: {  	p1 =	sne.s32 s24, $0x1F;
	[tilespmem:s13+$0x14380] =	vst v61;
	vm13 =	vgt.f32 v4, $1.000000000e+02;
	v2 =	vsel vm9, v26, v6;
	v5 =	vadd.f32 v5, v53  }
.Ltmp3:
0x1db: {  	vm14 =	vgt.f32 v3, $1.000000000e+02;
	[tilespmem:s0+$0x14380] =	vst v2;
	v1 =	vsel vm12, v1, v7;
	v63 =	vadd.f32 v62, v56;
	(pc) =	sbr.rel @p1 .LBB2_6-.Ltmp3, $4  }
0x1dc: {  	s31 =	sshll.u32 s3, $0xC;
	vm15 =	vmmov vm14;
	[tilespmem:s14+$0x14380] =	vst v1;
	v2 =	vsel vm13, v4, v5  }
0x1dd: {  	s26 =	sadd.s32 s9, s31;
	[tilespmem:s2+$0x14380] =	vst v2;
	v1 =	vsel vm15, v3, v63  }
0x1de: {  	s0 =	sadd.s32 s4, s26;
	[tilespmem:s6+$0x14380] =	vst v1  }
0x1df: {  	[hbm4b:s0+s5] =	stream.linear.scatter [tilespmem:s18], [sflag:$0x3], $0x4000, $0x38;
	[tilespmem:$0x1C380] =	vst v63  }
.Ltmp4:
0x1e0: {  	(pc) =	sbr.rel .LBB2_7-.Ltmp4, $4  }
0x1e1: {  	_ = 	snop  }
0x1e2: {  	_ =	swait.ge [sflag:s19], $0x4000  }
0x1e3: {  	[sflag:s19] =	ssyncset.done $0x0  }
0x1e4: {  	[sflag:s19] =	ssyncadd.s32 $0xFFFFC000  }
.LBB2_6:
0x1e5: {  	s0 =	sadd.s32 s25, s10  }
0x1e6: {  	s0 =	sshll.u32 s0, $0xB  }
.Ltmp5:
0x1e7: {  	s0 =	sadd.s32 s1, s0;
	(pc) =	sbr.rel @p0 .LBB2_8-.Ltmp5, $4  }
0x1e8: {  	[tilespmem:s15], [sflag:$0x1] =	stream.linear.gather [hbm4b:s0+s5], $0x4000, $0x38;
	[tilespmem:$0x1C380] =	vst v63  }
0x1e9: {  	_ =	swait.ge [sflag:s19], $0x4000  }
0x1ea: {  	[sflag:s19] =	ssyncset.done $0x0  }
0x1eb: {  	[sflag:s19] =	ssyncadd.s32 $0xFFFFC000  }
.LBB2_7:
0x1ec: {  	_ =	swait.ge [sflag:s20], $0x4000  }
0x1ed: {  	[sflag:s20] =	ssyncset.done $0x0  }
0x1ee: {  	[sflag:s20] =	ssyncadd.s32 $0xFFFFC000  }
.LBB2_8:
0x1ef: {  	s2 =	simm.s32 $0x0  }
0x1f0: {  	s0 =	sand.u32 $0x700, s2  }
0x1f1: {  	s3 =	sand.u32 $0x380, s2;
	s0 =	sshll.u32 s0, $0x3  }
0x1f2: {  	s0 =	sor.u32 s3, s0  }
0x1f3: {  	v1 =	vld [tilespmem:s0+$0x10780];
	_ =	sdelay $0x4  }
0x1f4: {  	v2 =	vmax.f32 v1, $-1.000000000e+02  }
0x1f5: {  	v2 =	vmin.f32 v2, $1.000000000e+02  }
0x1f6: {  	v2 =	vadd.f32 $1.000000000e+02, v2;
	_ =	sdelay $0x1  }
0x1f7: {  	v2 =	vmul.f32 $2.499949950e+02, v2;
	_ =	sdelay $0x1  }
0x1f8: {  	v3 =	vld [tilespmem:s0+$0x10380];
	v4 =	vtrunc.f32 v2  }
0x1f9: {  	v4 =	vcvt.f32.s32 v4;
	_ =	sdelay $0x1  }
0x1fa: {  	v6 =	vld [tilespmem:s0+$0x10790];
	v5 =	vadd.s32 $0x1, v4;
	_ =	sdelay $0x1  }
0x1fb: {  	v7 =	vmax.f32 v3, $-1.000000000e+02  }
0x1fc: {  	v7 =	vmin.f32 v7, $1.000000000e+02  }
0x1fd: {  	v7 =	vadd.f32 $1.000000000e+02, v7;
	v8 =	vld.idx.msk [tilespmem:v4+s5+$0x0], $0xffff  }
0x1fe: {  	v9 =	vmax.f32 v6, $-1.000000000e+02;
	v5 =	vld.idx.msk [tilespmem:v5+s5+$0x0], $0xffff  }
0x1ff: {  	v9 =	vmin.f32 v9, $1.000000000e+02;
	v7 =	vmul.f32 $2.499949950e+02, v7  }
0x200: {  	v9 =	vadd.f32 $1.000000000e+02, v9  }
0x201: {  	v10 =	vtrunc.f32 v7;
	v4 =	vcvt.s32.f32 v4  }
0x202: {  	v9 =	vmul.f32 $2.499949950e+02, v9;
	v10 =	vcvt.f32.s32 v10  }
0x203: {  	v11 =	vld [tilespmem:s0+$0x10390];
	v2 =	vsub.f32 v2, v4;
	v4 =	vsub.f32 v5, v8  }
0x204: {  	v12 =	vadd.s32 $0x1, v10;
	v5 =	vtrunc.f32 v9  }
0x205: {  	v2 =	vmul.f32 v2, v4;
	v4 =	vcvt.f32.s32 v5;
	_ =	sdelay $0x1  }
0x206: {  	v2 =	vadd.f32 v2, v8;
	v5 =	vadd.s32 $0x1, v4;
	v8 =	vld [tilespmem:s0+$0x107A0]  }
0x207: {  	v13 =	vmax.f32 v11, $-1.000000000e+02;
	vm0 =	vgt.f32 v1, $1.000000000e+02;
	v14 =	vld.idx.msk [tilespmem:v10+s5+$0x0], $0xffff  }
0x208: {  	v13 =	vmin.f32 v13, $1.000000000e+02;
	v12 =	vld.idx.msk [tilespmem:v12+s5+$0x0], $0xffff;
	v1 =	vsel vm0, v1, v2  }
0x209: {  	v2 =	vadd.f32 $1.000000000e+02, v13;
	[tilespmem:s0+$0x18780] =	vst v1  }
0x20a: {  	v1 =	vcvt.s32.f32 v10;
	v10 =	vld.idx.msk [tilespmem:v4+s5+$0x0], $0xffff  }
0x20b: {  	v2 =	vmul.f32 $2.499949950e+02, v2;
	v5 =	vld.idx.msk [tilespmem:v5+s5+$0x0], $0xffff;
	v13 =	vmax.f32 v8, $-1.000000000e+02  }
0x20c: {  	v1 =	vsub.f32 v7, v1;
	v7 =	vmin.f32 v13, $1.000000000e+02  }
0x20d: {  	v12 =	vsub.f32 v12, v14;
	v13 =	vtrunc.f32 v2;
	v7 =	vadd.f32 $1.000000000e+02, v7  }
0x20e: {  	v15 =	vld [tilespmem:s0+$0x103A0];
	v4 =	vcvt.s32.f32 v4;
	v13 =	vcvt.f32.s32 v13  }
0x20f: {  	v1 =	vmul.f32 v1, v12;
	v7 =	vmul.f32 $2.499949950e+02, v7  }
0x210: {  	v4 =	vsub.f32 v9, v4;
	v5 =	vsub.f32 v5, v10  }
0x211: {  	v9 =	vadd.s32 $0x1, v13;
	v1 =	vadd.f32 v1, v14;
	v12 =	vtrunc.f32 v7  }
0x212: {  	vm0 =	vgt.f32 v3, $1.000000000e+02;
	v4 =	vmul.f32 v4, v5;
	v12 =	vcvt.f32.s32 v12  }
0x213: {  	v14 =	vmax.f32 v15, $-1.000000000e+02;
	v1 =	vsel vm0, v3, v1;
	v5 =	vld [tilespmem:s0+$0x103B0]  }
0x214: {  	v3 =	vmin.f32 v14, $1.000000000e+02;
	[tilespmem:s0+$0x18380] =	vst v1;
	v1 =	vadd.f32 v4, v10;
	v4 =	vadd.s32 $0x1, v12;
	v10 =	vld [tilespmem:s0+$0x107B0]  }
0x215: {  	vm0 =	vgt.f32 v6, $1.000000000e+02;
	v3 =	vadd.f32 $1.000000000e+02, v3;
	v14 =	vld.idx.msk [tilespmem:v13+s5+$0x0], $0xffff  }
0x216: {  	v9 =	vld.idx.msk [tilespmem:v9+s5+$0x0], $0xffff;
	v1 =	vsel vm0, v6, v1  }
0x217: {  	v3 =	vmul.f32 $2.499949950e+02, v3;
	[tilespmem:s0+$0x18790] =	vst v1  }
0x218: {  	v1 =	vcvt.s32.f32 v13;
	v13 =	vld.idx.msk [tilespmem:v12+s5+$0x0], $0xffff  }
0x219: {  	v17 =	vtrunc.f32 v3;
	v16 =	vmax.f32 v5, $-1.000000000e+02;
	v4 =	vld.idx.msk [tilespmem:v4+s5+$0x0], $0xffff;
	v18 =	vmax.f32 v10, $-1.000000000e+02  }
0x21a: {  	v6 =	vld [tilespmem:s0+$0x103C0];
	v17 =	vcvt.f32.s32 v17;
	v1 =	vsub.f32 v2, v1;
	v2 =	vmin.f32 v18, $1.000000000e+02  }
0x21b: {  	v16 =	vmin.f32 v16, $1.000000000e+02;
	v9 =	vsub.f32 v9, v14;
	v2 =	vadd.f32 $1.000000000e+02, v2  }
0x21c: {  	vm1 =	vgt.f32 v11, $1.000000000e+02;
	v12 =	vcvt.s32.f32 v12;
	v16 =	vadd.f32 $1.000000000e+02, v16  }
0x21d: {  	s14 =	simm.s32 $0x100;
	v18 =	vadd.s32 $0x1, v17;
	v1 =	vmul.f32 v1, v9;
	v19 =	vmul.f32 $2.499949950e+02, v2  }
0x21e: {  	s6 =	simm.s32 $0x10;
	s3 =	sand.u32 $0x700, s14;
	v16 =	vmul.f32 $2.499949950e+02, v16;
	v2 =	vsub.f32 v7, v12;
	v4 =	vsub.f32 v4, v13  }
0x21f: {  	s6 =	sand.u32 $0x380, s6;
	v20 =	vld [tilespmem:s0+$0x107C0];
	s3 =	sshll.u32 s3, $0x3;
	v7 =	vmax.f32 v6, $-1.000000000e+02;
	v9 =	vadd.f32 v1, v14;
	v12 =	vtrunc.f32 v19  }
0x220: {  	s30 =	sor.u32 s6, s3;
	v1 =	vld [tilespmem:s0+$0x103D0];
	v7 =	vmin.f32 v7, $1.000000000e+02;
	v4 =	vmul.f32 v2, v4;
	v12 =	vcvt.f32.s32 v12  }
0x221: {  	v27 =	vld [tilespmem:s30+$0x10380];
	v14 =	vcvt.s32.f32 v17;
	v7 =	vadd.f32 $1.000000000e+02, v7;
	v9 =	vsel vm1, v11, v9  }
0x222: {  	v11 =	vtrunc.f32 v16;
	v2 =	vld [tilespmem:s0+$0x103E0];
	[tilespmem:s0+$0x18390] =	vst v9;
	v4 =	vadd.f32 v4, v13;
	v13 =	vadd.s32 $0x1, v12  }
0x223: {  	vm1 =	vgt.f32 v8, $1.000000000e+02;
	v11 =	vcvt.f32.s32 v11;
	v7 =	vmul.f32 $2.499949950e+02, v7;
	v17 =	vld.idx.msk [tilespmem:v17+s5+$0x0], $0xffff  }
0x224: {  	v3 =	vsub.f32 v3, v14;
	v14 =	vld.idx.msk [tilespmem:v18+s5+$0x0], $0xffff;
	v4 =	vsel vm1, v8, v4  }
0x225: {  	v9 =	vmax.f32 v1, $-1.000000000e+02;
	v18 =	vtrunc.f32 v7;
	v8 =	vcvt.s32.f32 v11;
	[tilespmem:s0+$0x187A0] =	vst v4  }
0x226: {  	v21 =	vmin.f32 v9, $1.000000000e+02;
	v9 =	vcvt.f32.s32 v18;
	v18 =	vld.idx.msk [tilespmem:v12+s5+$0x0], $0xffff  }
0x227: {  	v22 =	vsub.f32 v16, v8;
	v8 =	vadd.f32 $1.000000000e+02, v21;
	v16 =	vmax.f32 v20, $-1.000000000e+02;
	v21 =	vld.idx.msk [tilespmem:v13+s5+$0x0], $0xffff  }
0x228: {  	v28 =	vmax.f32 v27, $-1.000000000e+02;
	v16 =	vmin.f32 v16, $1.000000000e+02  }
0x229: {  	v23 =	vmax.f32 v2, $-1.000000000e+02;
	v14 =	vsub.f32 v14, v17;
	v16 =	vadd.f32 $1.000000000e+02, v16  }
0x22a: {  	v12 =	vcvt.s32.f32 v12;
	v25 =	vmul.f32 $2.499949950e+02, v8;
	v8 =	vmin.f32 v23, $1.000000000e+02  }
0x22b: {  	v3 =	vmul.f32 v3, v14;
	v8 =	vadd.f32 $1.000000000e+02, v8;
	v23 =	vmul.f32 $2.499949950e+02, v16  }
0x22c: {  	v28 =	vmin.f32 v28, $1.000000000e+02;
	v12 =	vsub.f32 v19, v12;
	v16 =	vsub.f32 v21, v18  }
0x22d: {  	v3 =	vadd.f32 v3, v17;
	v19 =	vmul.f32 $2.499949950e+02, v8;
	v8 =	vtrunc.f32 v23  }
0x22e: {  	v32 =	vld [tilespmem:s0+$0x107E0];
	vm0 =	vgt.f32 v15, $1.000000000e+02;
	v21 =	vcvt.f32.s32 v8;
	v16 =	vmul.f32 v12, v16  }
0x22f: {  	v26 =	vld [tilespmem:s30+$0x10780];
	v14 =	vtrunc.f32 v25;
	v3 =	vsel vm0, v15, v3;
	v8 =	vtrunc.f32 v19  }
0x230: {  	[tilespmem:s0+$0x183A0] =	vst v3;
	v8 =	vcvt.f32.s32 v8;
	v15 =	vadd.s32 $0x1, v21;
	v3 =	vadd.f32 v16, v18  }
0x231: {  	v24 =	vcvt.s32.f32 v9;
	vm0 =	vgt.f32 v10, $1.000000000e+02;
	v12 =	vcvt.f32.s32 v14;
	v18 =	vld [tilespmem:s0+$0x107D0]  }
0x232: {  	v28 =	vadd.f32 $1.000000000e+02, v28;
	v17 =	vcvt.s32.f32 v8;
	v3 =	vsel vm0, v10, v3  }
0x233: {  	v39 =	vmax.f32 v32, $-1.000000000e+02;
	v14 =	vsub.f32 v7, v24;
	v7 =	vcvt.s32.f32 v12;
	[tilespmem:s0+$0x187B0] =	vst v3  }
0x234: {  	v28 =	vmul.f32 $2.499949950e+02, v28;
	v10 =	vsub.f32 v19, v17;
	v3 =	vmax.f32 v26, $-1.000000000e+02;
	v19 =	vld.idx.msk [tilespmem:v21+s5+$0x0], $0xffff  }
0x235: {  	v4 =	vadd.s32 $0x1, v11;
	v7 =	vsub.f32 v25, v7;
	v3 =	vmin.f32 v3, $1.000000000e+02;
	v25 =	vld.idx.msk [tilespmem:v15+s5+$0x0], $0xffff  }
0x236: {  	v33 =	vtrunc.f32 v28;
	v15 =	vmax.f32 v18, $-1.000000000e+02;
	v3 =	vadd.f32 $1.000000000e+02, v3  }
0x237: {  	v33 =	vcvt.f32.s32 v33;
	v21 =	vcvt.s32.f32 v21;
	v15 =	vmin.f32 v15, $1.000000000e+02  }
0x238: {  	v39 =	vmin.f32 v39, $1.000000000e+02;
	v17 =	vld [tilespmem:s30+$0x10390];
	v29 =	vadd.f32 $1.000000000e+02, v15;
	v3 =	vmul.f32 $2.499949950e+02, v3  }
0x239: {  	vm6 =	vgt.f32 v27, $1.000000000e+02;
	v36 =	vadd.s32 $0x1, v33;
	v24 =	vld.idx.msk [tilespmem:v11+s5+$0x0], $0xffff;
	v21 =	vsub.f32 v23, v21  }
0x23a: {  	v4 =	vld.idx.msk [tilespmem:v4+s5+$0x0], $0xffff;
	v29 =	vmul.f32 $2.499949950e+02, v29;
	v30 =	vtrunc.f32 v3;
	v23 =	vsub.f32 v25, v19  }
0x23b: {  	vm4 =	vgt.f32 v1, $1.000000000e+02;
	vm1 =	vgt.f32 v6, $1.000000000e+02;
	v15 =	vld [tilespmem:s30+$0x103A0];
	v30 =	vcvt.f32.s32 v30  }
0x23c: {  	vm3 =	vmmov vm1;
	v31 =	vtrunc.f32 v29;
	v21 =	vmul.f32 v21, v23  }
0x23d: {  	vm1 =	vmmov vm4;
	v25 =	vmax.f32 v17, $-1.000000000e+02;
	v23 =	vcvt.f32.s32 v31  }
0x23e: {  	v35 =	vld [tilespmem:s30+$0x10790];
	vm4 =	vgt.f32 v20, $1.000000000e+02;
	v25 =	vmin.f32 v25, $1.000000000e+02;
	v19 =	vadd.f32 v21, v19  }
0x23f: {  	v4 =	vsub.f32 v4, v24;
	v25 =	vadd.f32 $1.000000000e+02, v25;
	v21 =	vadd.s32 $0x1, v23  }
0x240: {  	v36 =	vld.idx.msk [tilespmem:v36+s5+$0x0], $0xffff;
	v31 =	vmax.f32 v15, $-1.000000000e+02;
	v34 =	vadd.s32 $0x1, v30;
	v19 =	vsel vm4, v20, v19  }
0x241: {  	v39 =	vadd.f32 $1.000000000e+02, v39;
	v31 =	vmin.f32 v31, $1.000000000e+02;
	[tilespmem:s0+$0x187C0] =	vst v19;
	v19 =	vcvt.s32.f32 v33;
	v33 =	vld.idx.msk [tilespmem:v33+s5+$0x0], $0xffff  }
0x242: {  	v22 =	vmul.f32 v22, v4;
	v20 =	vmul.f32 $2.499949950e+02, v25;
	v25 =	vadd.f32 $1.000000000e+02, v31;
	v31 =	vld.idx.msk [tilespmem:v30+s5+$0x0], $0xffff  }
0x243: {  	v61 =	vmax.f32 v35, $-1.000000000e+02;
	v39 =	vmul.f32 $2.499949950e+02, v39;
	vm2 =	vgt.f32 v5, $1.000000000e+02;
	v37 =	vld.idx.msk [tilespmem:v23+s5+$0x0], $0xffff  }
0x244: {  	vm5 =	vgt.f32 v18, $1.000000000e+02;
	v22 =	vadd.f32 v22, v24;
	v30 =	vcvt.s32.f32 v30;
	v21 =	vld.idx.msk [tilespmem:v21+s5+$0x0], $0xffff  }
0x245: {  	v38 =	vtrunc.f32 v20;
	v19 =	vsub.f32 v28, v19;
	v28 =	vld.idx.msk [tilespmem:v34+s5+$0x0], $0xffff;
	v34 =	vmin.f32 v61, $1.000000000e+02  }
0x246: {  	v25 =	vmul.f32 $2.499949950e+02, v25;
	v34 =	vadd.f32 $1.000000000e+02, v34;
	v36 =	vsub.f32 v36, v33  }
0x247: {  	v4 =	vld [tilespmem:s30+$0x103B0];
	v5 =	vsel vm2, v5, v22;
	v38 =	vcvt.f32.s32 v38;
	v23 =	vcvt.s32.f32 v23  }
0x248: {  	v3 =	vsub.f32 v3, v30;
	v34 =	vmul.f32 $2.499949950e+02, v34;
	v19 =	vmul.f32 v19, v36  }
0x249: {  	v23 =	vsub.f32 v29, v23;
	v29 =	vtrunc.f32 v39;
	v21 =	vsub.f32 v21, v37  }
0x24a: {  	v28 =	vsub.f32 v28, v31;
	v62 =	vtrunc.f32 v34;
	v19 =	vadd.f32 v19, v33  }
0x24b: {  	v42 =	vld [tilespmem:s30+$0x107A0];
	v21 =	vmul.f32 v23, v21;
	v23 =	vcvt.f32.s32 v29;
	v29 =	vadd.s32 $0x1, v38  }
0x24c: {  	v41 =	vmax.f32 v4, $-1.000000000e+02;
	v3 =	vmul.f32 v3, v28;
	v28 =	vcvt.f32.s32 v62  }
0x24d: {  	v19 =	vsel vm6, v27, v19;
	v21 =	vadd.f32 v21, v37;
	v63 =	vadd.s32 $0x1, v23  }
0x24e: {  	v30 =	vmin.f32 v41, $1.000000000e+02;
	v40 =	vtrunc.f32 v25;
	v31 =	vadd.f32 v3, v31;
	v3 =	vld [tilespmem:s30+$0x103C0];
	[tilespmem:s30+$0x18380] =	vst v19  }
0x24f: {  	v40 =	vcvt.f32.s32 v40;
	v41 =	vadd.s32 $0x1, v28;
	v22 =	vld.idx.msk [tilespmem:v38+s5+$0x0], $0xffff;
	v18 =	vsel vm5, v18, v21  }
0x250: {  	v13 =	vadd.s32 $0x1, v9;
	v27 =	vmax.f32 v42, $-1.000000000e+02;
	vm5 =	vgt.f32 v26, $1.000000000e+02;
	[tilespmem:s0+$0x187D0] =	vst v18;
	v29 =	vld.idx.msk [tilespmem:v29+s5+$0x0], $0xffff  }
0x251: {  	v18 =	vadd.f32 $1.000000000e+02, v30;
	v30 =	vcvt.s32.f32 v40;
	v26 =	vsel vm5, v26, v31;
	v31 =	vld.idx.msk [tilespmem:v23+s5+$0x0], $0xffff  }
0x252: {  	v19 =	vmin.f32 v27, $1.000000000e+02;
	[tilespmem:s30+$0x18780] =	vst v26;
	v26 =	vld.idx.msk [tilespmem:v63+s5+$0x0], $0xffff  }
0x253: {  	v16 =	vadd.s32 $0x1, v12;
	v19 =	vadd.f32 $1.000000000e+02, v19;
	v25 =	vsub.f32 v25, v30;
	v30 =	vld.idx.msk [tilespmem:v28+s5+$0x0], $0xffff  }
0x254: {  	v11 =	vadd.s32 $0x1, v8;
	vm0 =	vgt.f32 v2, $1.000000000e+02;
	[tilespmem:s0+$0x183B0] =	vst v5;
	v21 =	vcvt.s32.f32 v38;
	v24 =	vld.idx.msk [tilespmem:v41+s5+$0x0], $0xffff  }
0x255: {  	v44 =	vld.idx.msk [tilespmem:v9+s5+$0x0], $0xffff;
	vm4 =	vgt.f32 v17, $1.000000000e+02;
	v19 =	vmul.f32 $2.499949950e+02, v19;
	v23 =	vcvt.s32.f32 v23  }
0x256: {  	v13 =	vld.idx.msk [tilespmem:v13+s5+$0x0], $0xffff;
	v27 =	vmax.f32 v3, $-1.000000000e+02;
	v18 =	vmul.f32 $2.499949950e+02, v18;
	v28 =	vcvt.s32.f32 v28  }
0x257: {  	v20 =	vsub.f32 v20, v21;
	v27 =	vmin.f32 v27, $1.000000000e+02;
	v23 =	vsub.f32 v39, v23  }
0x258: {  	v43 =	vtrunc.f32 v18;
	v9 =	vsub.f32 v34, v28;
	v26 =	vsub.f32 v26, v31  }
0x259: {  	v33 =	vcvt.f32.s32 v43;
	v28 =	vsub.f32 v29, v22;
	v24 =	vsub.f32 v24, v30  }
0x25a: {  	v23 =	vmul.f32 v23, v26;
	v26 =	vadd.f32 $1.000000000e+02, v27;
	v27 =	vtrunc.f32 v19  }
0x25b: {  	s22 =	simm.s32 $0x200;
	s2 =	sand.u32 $0x7, s2;
	v5 =	vld [tilespmem:s30+$0x103D0];
	v13 =	vsub.f32 v13, v44;
	v9 =	vmul.f32 v9, v24;
	v24 =	vcvt.f32.s32 v27  }
0x25c: {  	s23 =	simm.s32 $0x20;
	s2 =	sshll.u32 s2, $0xB;
	s3 =	sand.u32 $0x700, s22;
	vm6 =	vgt.f32 v32, $1.000000000e+02;
	v20 =	vmul.f32 v20, v28;
	v23 =	vadd.f32 v23, v31  }
0x25d: {  	s7 =	sadd.s32 $0x0, s2;
	s6 =	sand.u32 $0x380, s23;
	s3 =	sshll.u32 s3, $0x3;
	v27 =	vcvt.s32.f32 v33;
	v9 =	vadd.f32 v9, v30;
	v30 =	vld [tilespmem:s30+$0x107B0];
	v29 =	vadd.s32 $0x1, v24  }
0x25e: {  	s2 =	sadd.s32 $0x400, s7;
	s28 =	sor.u32 s6, s3;
	v21 =	vadd.s32 $0x1, v40;
	v23 =	vsel vm6, v32, v23;
	vm6 =	vgt.f32 v35, $1.000000000e+02  }
0x25f: {  	s2 =	sor.u32 $0x70, s2;
	v39 =	vld [tilespmem:s28+$0x10790];
	v27 =	vsub.f32 v18, v27;
	v18 =	vadd.f32 v20, v22;
	[tilespmem:s0+$0x187E0] =	vst v23;
	v9 =	vsel vm6, v35, v9  }
0x260: {  	v14 =	vmul.f32 v14, v13;
	v28 =	vmax.f32 v5, $-1.000000000e+02;
	v23 =	vmul.f32 $2.499949950e+02, v26;
	v26 =	vld [tilespmem:s2+$0x10380];
	[tilespmem:s30+$0x18790] =	vst v9  }
0x261: {  	vm0 =	vmmov vm0;
	v20 =	vmin.f32 v28, $1.000000000e+02;
	v17 =	vsel vm4, v17, v18;
	v22 =	vld.idx.msk [tilespmem:v24+s5+$0x0], $0xffff  }
0x262: {  	[tilespmem:s30+$0x18390] =	vst v17;
	v17 =	vadd.f32 v14, v44;
	v9 =	vtrunc.f32 v23;
	v28 =	vmax.f32 v30, $-1.000000000e+02;
	v18 =	vld.idx.msk [tilespmem:v29+s5+$0x0], $0xffff  }
0x263: {  	vm2 =	vgt.f32 v4, $1.000000000e+02;
	v21 =	vld.idx.msk [tilespmem:v21+s5+$0x0], $0xffff;
	v13 =	vcvt.f32.s32 v9;
	v28 =	vmin.f32 v28, $1.000000000e+02  }
0x264: {  	v9 =	vld [tilespmem:s30+$0x103E0];
	v6 =	vsel vm3, v6, v17;
	v17 =	vcvt.s32.f32 v24;
	v28 =	vadd.f32 $1.000000000e+02, v28  }
0x265: {  	vm5 =	vgt.f32 v15, $1.000000000e+02;
	v20 =	vadd.f32 $1.000000000e+02, v20;
	v29 =	vld.idx.msk [tilespmem:v40+s5+$0x0], $0xffff;
	v45 =	vmax.f32 v26, $-1.000000000e+02  }
0x266: {  	v38 =	vld [tilespmem:s30+$0x107E0];
	[tilespmem:s0+$0x183C0] =	vst v6;
	v17 =	vsub.f32 v19, v17;
	v6 =	vmul.f32 $2.499949950e+02, v28;
	v24 =	vmin.f32 v45, $1.000000000e+02  }
0x267: {  	vm9 =	vgt.f32 v39, $1.000000000e+02;
	v24 =	vadd.f32 $1.000000000e+02, v24;
	v18 =	vsub.f32 v18, v22  }
0x268: {  	v31 =	vadd.s32 $0x1, v33;
	v12 =	vld.idx.msk [tilespmem:v12+s5+$0x0], $0xffff;
	v28 =	vmul.f32 $2.499949950e+02, v20;
	v19 =	vtrunc.f32 v6  }
0x269: {  	v16 =	vld.idx.msk [tilespmem:v16+s5+$0x0], $0xffff;
	v20 =	vmax.f32 v9, $-1.000000000e+02;
	v24 =	vmul.f32 $2.499949950e+02, v24;
	v17 =	vmul.f32 v17, v18  }
0x26a: {  	v18 =	vcvt.f32.s32 v19;
	v19 =	vmin.f32 v20, $1.000000000e+02;
	v20 =	vsub.f32 v21, v29  }
0x26b: {  	vm4 =	vgt.f32 v42, $1.000000000e+02;
	v44 =	vmax.f32 v38, $-1.000000000e+02;
	v21 =	vtrunc.f32 v24  }
0x26c: {  	v17 =	vadd.f32 v17, v22;
	v22 =	vadd.s32 $0x1, v18;
	v20 =	vmul.f32 v25, v20  }
0x26d: {  	v48 =	vld [tilespmem:s30+$0x107C0];
	v46 =	vcvt.s32.f32 v13;
	v19 =	vadd.f32 $1.000000000e+02, v19;
	v47 =	vcvt.f32.s32 v21  }
0x26e: {  	v21 =	vsub.f32 v16, v12;
	v17 =	vsel vm4, v42, v17;
	v20 =	vadd.f32 v20, v29  }
0x26f: {  	v16 =	vsub.f32 v23, v46;
	v23 =	vmul.f32 $2.499949950e+02, v19;
	v25 =	vadd.s32 $0x1, v47;
	[tilespmem:s30+$0x187A0] =	vst v17  }
0x270: {  	v17 =	vtrunc.f32 v28;
	v7 =	vmul.f32 v7, v21;
	v29 =	vld.idx.msk [tilespmem:v18+s5+$0x0], $0xffff;
	v15 =	vsel vm5, v15, v20  }
0x271: {  	v44 =	vmin.f32 v44, $1.000000000e+02;
	vm3 =	vgt.f32 v3, $1.000000000e+02;
	v19 =	vcvt.f32.s32 v17;
	v22 =	vld.idx.msk [tilespmem:v22+s5+$0x0], $0xffff;
	[tilespmem:s30+$0x183A0] =	vst v15  }
0x272: {  	v21 =	vmax.f32 v48, $-1.000000000e+02;
	v17 =	vtrunc.f32 v23;
	v12 =	vadd.f32 v7, v12;
	v31 =	vld.idx.msk [tilespmem:v31+s5+$0x0], $0xffff  }
0x273: {  	v7 =	vcvt.f32.s32 v17;
	v17 =	vmin.f32 v21, $1.000000000e+02;
	v50 =	vcvt.s32.f32 v19;
	v49 =	vld.idx.msk [tilespmem:v47+s5+$0x0], $0xffff  }
0x274: {  	v17 =	vadd.f32 $1.000000000e+02, v17;
	v1 =	vsel vm1, v1, v12;
	v12 =	vcvt.s32.f32 v18;
	v15 =	vld.idx.msk [tilespmem:v25+s5+$0x0], $0xffff  }
0x275: {  	v44 =	vadd.f32 $1.000000000e+02, v44;
	v25 =	vld.idx.msk [tilespmem:v33+s5+$0x0], $0xffff;
	v18 =	vsub.f32 v28, v50;
	v28 =	vcvt.s32.f32 v7;
	[tilespmem:s0+$0x183D0] =	vst v1  }
0x276: {  	v1 =	vmul.f32 $2.499949950e+02, v17;
	v21 =	vld.idx.msk [tilespmem:v8+s5+$0x0], $0xffff;
	v12 =	vsub.f32 v6, v12;
	v17 =	vsub.f32 v22, v29  }
0x277: {  	v14 =	vadd.s32 $0x1, v13;
	vm6 =	vgt.f32 v9, $1.000000000e+02;
	v22 =	vld.idx.msk [tilespmem:v11+s5+$0x0], $0xffff;
	v11 =	vcvt.s32.f32 v47  }
0x278: {  	v6 =	vsub.f32 v23, v28;
	v23 =	vtrunc.f32 v1;
	v12 =	vmul.f32 v12, v17  }
0x279: {  	v28 =	vld [tilespmem:s28+$0x10780];
	v17 =	vcvt.f32.s32 v23;
	v23 =	vsub.f32 v24, v11;
	v15 =	vsub.f32 v15, v49  }
0x27a: {  	v46 =	vmax.f32 v39, $-1.000000000e+02;
	vm4 =	vgt.f32 v5, $1.000000000e+02;
	v11 =	vld [tilespmem:s28+$0x10380];
	v12 =	vadd.f32 v12, v29  }
0x27b: {  	v29 =	vadd.s32 $0x1, v17;
	v15 =	vmul.f32 v23, v15;
	v23 =	vsub.f32 v31, v25;
	v31 =	vld [tilespmem:s30+$0x107D0]  }
0x27c: {  	vm5 =	vmmov vm3;
	vm3 =	vgt.f32 v30, $1.000000000e+02;
	v24 =	vsub.f32 v22, v21  }
0x27d: {  	v22 =	vld [tilespmem:s28+$0x10390];
	v12 =	vsel vm3, v30, v12;
	vm3 =	vgt.f32 v26, $1.000000000e+02;
	v15 =	vadd.f32 v15, v49  }
0x27e: {  	v27 =	vmul.f32 v27, v23;
	[tilespmem:s30+$0x187B0] =	vst v12;
	v23 =	vmax.f32 v28, $-1.000000000e+02;
	v24 =	vmul.f32 v10, v24  }
0x27f: {  	v10 =	vmax.f32 v11, $-1.000000000e+02;
	v30 =	vld.idx.msk [tilespmem:v17+s5+$0x0], $0xffff;
	v12 =	vsel vm3, v26, v15;
	v15 =	vmin.f32 v23, $1.000000000e+02  }
0x280: {  	v10 =	vmin.f32 v10, $1.000000000e+02;
	v26 =	vld.idx.msk [tilespmem:v29+s5+$0x0], $0xffff;
	v15 =	vadd.f32 $1.000000000e+02, v15;
	v29 =	vmax.f32 v31, $-1.000000000e+02  }
0x281: {  	v46 =	vmin.f32 v46, $1.000000000e+02;
	v10 =	vadd.f32 $1.000000000e+02, v10;
	v29 =	vmin.f32 v29, $1.000000000e+02  }
0x282: {  	v51 =	vmax.f32 v22, $-1.000000000e+02;
	v15 =	vmul.f32 $2.499949950e+02, v15;
	v29 =	vadd.f32 $1.000000000e+02, v29  }
0x283: {  	v23 =	vld [tilespmem:s28+$0x103A0];
	v32 =	vmin.f32 v51, $1.000000000e+02;
	v52 =	vmul.f32 $2.499949950e+02, v10;
	v10 =	vcvt.s32.f32 v17  }
0x284: {  	v17 =	vadd.f32 $1.000000000e+02, v32;
	v53 =	vtrunc.f32 v15;
	v29 =	vmul.f32 $2.499949950e+02, v29  }
0x285: {  	v1 =	vsub.f32 v1, v10;
	v26 =	vsub.f32 v26, v30;
	v32 =	vcvt.f32.s32 v53  }
0x286: {  	v20 =	vadd.s32 $0x1, v19;
	vm1 =	vmmov vm4;
	v56 =	vtrunc.f32 v29  }
0x287: {  	v1 =	vmul.f32 v1, v26;
	v26 =	vcvt.f32.s32 v56;
	v57 =	vadd.s32 $0x1, v32  }
0x288: {  	v55 =	vtrunc.f32 v52;
	v54 =	vmax.f32 v23, $-1.000000000e+02;
	v17 =	vmul.f32 $2.499949950e+02, v17  }
0x289: {  	v34 =	vmin.f32 v54, $1.000000000e+02;
	v1 =	vadd.f32 v1, v30;
	v30 =	vadd.s32 $0x1, v26  }
0x28a: {  	vm3 =	vgt.f32 v48, $1.000000000e+02;
	v10 =	vld [tilespmem:s28+$0x103B0];
	v36 =	vcvt.f32.s32 v55;
	v34 =	vadd.f32 $1.000000000e+02, v34  }
0x28b: {  	vm4 =	vmmov vm0;
	v60 =	vtrunc.f32 v17;
	v1 =	vsel vm3, v48, v1;
	v43 =	vld.idx.msk [tilespmem:v32+s5+$0x0], $0xffff  }
0x28c: {  	v59 =	vadd.s32 $0x1, v36;
	v35 =	vcvt.f32.s32 v60;
	v34 =	vmul.f32 $2.499949950e+02, v34;
	[tilespmem:s30+$0x187C0] =	vst v1;
	v37 =	vld.idx.msk [tilespmem:v57+s5+$0x0], $0xffff  }
0x28d: {  	vm0 =	vmmov vm6;
	v8 =	vadd.s32 $0x1, v7;
	v58 =	vcvt.s32.f32 v36;
	v63 =	vld.idx.msk [tilespmem:v26+s5+$0x0], $0xffff  }
0x28e: {  	vm8 =	vgt.f32 v11, $1.000000000e+02;
	v47 =	vcvt.s32.f32 v35;
	v1 =	vtrunc.f32 v34;
	v30 =	vld.idx.msk [tilespmem:v30+s5+$0x0], $0xffff  }
0x28f: {  	v32 =	vcvt.s32.f32 v32;
	v48 =	vcvt.f32.s32 v1;
	v1 =	vadd.f32 $1.000000000e+02, v46  }
0x290: {  	v33 =	vsub.f32 v52, v58;
	v36 =	vld.idx.msk [tilespmem:v36+s5+$0x0], $0xffff;
	v46 =	vsub.f32 v17, v47;
	v17 =	vcvt.s32.f32 v26  }
0x291: {  	v41 =	vld.idx.msk [tilespmem:v59+s5+$0x0], $0xffff;
	v15 =	vsub.f32 v15, v32;
	v52 =	vmul.f32 $2.499949950e+02, v1;
	v26 =	vsub.f32 v37, v43  }
0x292: {  	v61 =	vmax.f32 v10, $-1.000000000e+02;
	v32 =	vmul.f32 $2.499949950e+02, v44;
	v1 =	vsub.f32 v29, v17  }
0x293: {  	v17 =	vsub.f32 v30, v63;
	v26 =	vmul.f32 v15, v26;
	v30 =	vtrunc.f32 v52  }
0x294: {  	v62 =	vmin.f32 v61, $1.000000000e+02;
	v29 =	vtrunc.f32 v32;
	v30 =	vcvt.f32.s32 v30  }
0x295: {  	v29 =	vcvt.f32.s32 v29;
	v1 =	vmul.f32 v1, v17;
	v17 =	vadd.f32 v26, v43  }
0x296: {  	v40 =	vadd.f32 $1.000000000e+02, v62;
	vm3 =	vgt.f32 v28, $1.000000000e+02;
	v26 =	vsub.f32 v41, v36  }
0x297: {  	v54 =	vadd.s32 $0x1, v29;
	v15 =	vld [tilespmem:s28+$0x103C0];
	v1 =	vadd.f32 v1, v63;
	v28 =	vsel vm3, v28, v17  }
0x298: {  	v17 =	vld [tilespmem:s28+$0x103D0];
	vm3 =	vgt.f32 v31, $1.000000000e+02;
	v26 =	vmul.f32 v33, v26;
	[tilespmem:s28+$0x18780] =	vst v28;
	v28 =	vadd.s32 $0x1, v30  }
0x299: {  	v27 =	vadd.f32 v27, v25;
	v21 =	vadd.f32 v24, v21;
	v33 =	vld [tilespmem:s28+$0x107A0];
	v31 =	vsel vm3, v31, v1  }
0x29a: {  	v45 =	vadd.s32 $0x1, v35;
	v40 =	vmul.f32 $2.499949950e+02, v40;
	v26 =	vadd.f32 v26, v36;
	v49 =	vld.idx.msk [tilespmem:v30+s5+$0x0], $0xffff;
	[tilespmem:s30+$0x187D0] =	vst v31  }
0x29b: {  	vm7 =	vgt.f32 v22, $1.000000000e+02;
	v4 =	vsel vm2, v4, v27;
	v53 =	vcvt.s32.f32 v48;
	v57 =	vld.idx.msk [tilespmem:v29+s5+$0x0], $0xffff  }
0x29c: {  	v2 =	vsel vm4, v2, v21;
	v55 =	vtrunc.f32 v40;
	v27 =	vld.idx.msk [tilespmem:v54+s5+$0x0], $0xffff;
	v11 =	vsel vm8, v11, v26  }
0x29d: {  	v25 =	vcvt.f32.s32 v55;
	v34 =	vsub.f32 v34, v53;
	v56 =	vmax.f32 v15, $-1.000000000e+02;
	[tilespmem:s28+$0x18380] =	vst v11;
	v58 =	vld.idx.msk [tilespmem:v28+s5+$0x0], $0xffff  }
0x29e: {  	v37 =	vadd.s32 $0x1, v48;
	v31 =	vmin.f32 v56, $1.000000000e+02;
	v60 =	vmax.f32 v33, $-1.000000000e+02;
	v35 =	vld.idx.msk [tilespmem:v35+s5+$0x0], $0xffff  }
0x29f: {  	[tilespmem:s30+$0x183B0] =	vst v4;
	v30 =	vcvt.s32.f32 v30;
	v29 =	vcvt.s32.f32 v29;
	v11 =	vmin.f32 v60, $1.000000000e+02;
	v63 =	vld.idx.msk [tilespmem:v45+s5+$0x0], $0xffff  }
0x2a0: {  	v14 =	vld.idx.msk [tilespmem:v14+s5+$0x0], $0xffff;
	v31 =	vadd.f32 $1.000000000e+02, v31;
	v26 =	vcvt.s32.f32 v25;
	v62 =	vadd.f32 $1.000000000e+02, v11  }
0x2a1: {  	vm8 =	vgt.f32 v38, $1.000000000e+02;
	v29 =	vsub.f32 v32, v29;
	v45 =	vld.idx.msk [tilespmem:v13+s5+$0x0], $0xffff;
	v27 =	vsub.f32 v27, v57  }
0x2a2: {  	v59 =	vmax.f32 v17, $-1.000000000e+02;
	v31 =	vmul.f32 $2.499949950e+02, v31;
	v4 =	vmul.f32 $2.499949950e+02, v62  }
0x2a3: {  	v30 =	vsub.f32 v52, v30;
	v41 =	vsub.f32 v58, v49;
	v27 =	vmul.f32 v29, v27  }
0x2a4: {  	s6 =	simm.s32 $0x1;
	v61 =	vtrunc.f32 v31;
	v42 =	vtrunc.f32 v4;
	v50 =	vsub.f32 v63, v35  }
0x2a5: {  	s3 =	sand.u32 $0x7, s6;
	v29 =	vmul.f32 v30, v41;
	v30 =	vcvt.f32.s32 v42;
	v27 =	vadd.f32 v27, v57  }
0x2a6: {  	s3 =	sshll.u32 s3, $0xB;
	v52 =	vld [tilespmem:s28+$0x107B0];
	v11 =	vcvt.f32.s32 v61;
	v54 =	vsub.f32 v14, v45;
	v42 =	vmul.f32 v46, v50  }
0x2a7: {  	s3 =	sadd.s32 $0x10, s3;
	v1 =	vld [tilespmem:s28+$0x103E0];
	v29 =	vadd.f32 v29, v49;
	v51 =	vadd.s32 $0x1, v30;
	v27 =	vsel vm8, v38, v27  }
0x2a8: {  	s13 =	sadd.s32 $0x400, s3;
	v28 =	vsub.f32 v40, v26;
	v26 =	vmin.f32 v59, $1.000000000e+02;
	[tilespmem:s30+$0x187E0] =	vst v27;
	v27 =	vadd.f32 v42, v35  }
0x2a9: {  	s6 =	sor.u32 $0x70, s13;
	v53 =	vcvt.s32.f32 v11;
	v57 =	vmul.f32 v16, v54;
	v29 =	vsel vm9, v39, v29  }
0x2aa: {  	vm6 =	vgt.f32 v23, $1.000000000e+02;
	v26 =	vadd.f32 $1.000000000e+02, v26;
	v56 =	vld [tilespmem:s6+$0x10380];
	[tilespmem:s28+$0x18790] =	vst v29;
	v22 =	vsel vm7, v22, v27  }
0x2ab: {  	v24 =	vmax.f32 v52, $-1.000000000e+02;
	v14 =	vsub.f32 v31, v53;
	v31 =	vld.idx.msk [tilespmem:v30+s5+$0x0], $0xffff;
	[tilespmem:s28+$0x18390] =	vst v22;
	v22 =	vadd.f32 v57, v45  }
0x2ac: {  	v47 =	vmax.f32 v1, $-1.000000000e+02;
	v26 =	vmul.f32 $2.499949950e+02, v26;
	v24 =	vmin.f32 v24, $1.000000000e+02;
	v27 =	vld.idx.msk [tilespmem:v51+s5+$0x0], $0xffff  }
0x2ad: {  	v55 =	vmin.f32 v47, $1.000000000e+02;
	v24 =	vadd.f32 $1.000000000e+02, v24;
	v58 =	vld.idx.msk [tilespmem:v48+s5+$0x0], $0xffff;
	v3 =	vsel vm5, v3, v22  }
0x2ae: {  	v16 =	vtrunc.f32 v26;
	v29 =	vadd.f32 $1.000000000e+02, v55;
	v37 =	vld.idx.msk [tilespmem:v37+s5+$0x0], $0xffff;
	v22 =	vcvt.s32.f32 v30;
	[tilespmem:s30+$0x183C0] =	vst v3  }
0x2af: {  	v16 =	vcvt.f32.s32 v16;
	v60 =	vmul.f32 $2.499949950e+02, v24;
	v59 =	vmax.f32 v56, $-1.000000000e+02;
	v19 =	vld.idx.msk [tilespmem:v19+s5+$0x0], $0xffff  }
0x2b0: {  	v29 =	vmul.f32 $2.499949950e+02, v29;
	v30 =	vmin.f32 v59, $1.000000000e+02;
	v4 =	vsub.f32 v4, v22;
	v61 =	vld.idx.msk [tilespmem:v20+s5+$0x0], $0xffff  }
0x2b1: {  	v3 =	vcvt.s32.f32 v16;
	v24 =	vadd.f32 $1.000000000e+02, v30;
	v27 =	vsub.f32 v27, v31  }
0x2b2: {  	s29 =	sor.u32 $0x70, s7;
	[tilespmem:s0+$0x183E0] =	vst v2;
	vm2 =	vgt.f32 v15, $1.000000000e+02;
	v20 =	vtrunc.f32 v60;
	v30 =	vtrunc.f32 v29  }
0x2b3: {  	v2 =	vld [tilespmem:s29+$0x10380];
	vm3 =	vgt.f32 v10, $1.000000000e+02;
	v62 =	vmul.f32 $2.499949950e+02, v24;
	v4 =	vmul.f32 v4, v27  }
0x2b4: {  	s14 =	simm.s32 $0x300;
	v21 =	vsub.f32 v26, v3;
	v3 =	vsub.f32 v37, v58;
	v27 =	vcvt.f32.s32 v20  }
0x2b5: {  	s22 =	sand.u32 $0x700, s14;
	s0 =	simm.s32 $0x30;
	v24 =	vld [tilespmem:s28+$0x107C0];
	v20 =	vtrunc.f32 v62;
	v63 =	vsub.f32 v61, v19;
	v4 =	vadd.f32 v4, v31  }
0x2b6: {  	s7 =	sshll.u32 s22, $0x3;
	s13 =	sand.u32 $0x380, s0;
	v26 =	vadd.s32 $0x1, v27;
	v31 =	vcvt.f32.s32 v20;
	v20 =	vcvt.f32.s32 v30  }
0x2b7: {  	s31 =	sor.u32 s13, s7;
	vm4 =	vgt.f32 v33, $1.000000000e+02;
	v30 =	vmul.f32 v34, v3;
	v18 =	vmul.f32 v18, v63  }
0x2b8: {  	v32 =	vadd.s32 $0x1, v25;
	v45 =	vmax.f32 v2, $-1.000000000e+02;
	v34 =	vld [tilespmem:s31+$0x10790];
	v4 =	vsel vm4, v33, v4  }
0x2b9: {  	v30 =	vadd.f32 v30, v58;
	[tilespmem:s28+$0x187A0] =	vst v4;
	v19 =	vadd.f32 v18, v19;
	v18 =	vmin.f32 v45, $1.000000000e+02;
	v45 =	vld [tilespmem:s28+$0x107E0]  }
0x2ba: {  	v40 =	vadd.s32 $0x1, v31;
	v42 =	vcvt.s32.f32 v20;
	v4 =	vmax.f32 v24, $-1.000000000e+02;
	v44 =	vld.idx.msk [tilespmem:v27+s5+$0x0], $0xffff  }
0x2bb: {  	vm12 =	vgt.f32 v17, $1.000000000e+02;
	v4 =	vmin.f32 v4, $1.000000000e+02;
	v23 =	vsel vm6, v23, v30;
	v26 =	vld.idx.msk [tilespmem:v26+s5+$0x0], $0xffff  }
0x2bc: {  	v13 =	vadd.s32 $0x1, v11;
	v30 =	vadd.f32 $1.000000000e+02, v4;
	v4 =	vsub.f32 v29, v42;
	[tilespmem:s28+$0x183A0] =	vst v23;
	v29 =	vld.idx.msk [tilespmem:v31+s5+$0x0], $0xffff  }
0x2bd: {  	vm8 =	vgt.f32 v1, $1.000000000e+02;
	vm7 =	vmmov vm2;
	v23 =	vadd.f32 $1.000000000e+02, v18;
	v18 =	vld.idx.msk [tilespmem:v25+s5+$0x0], $0xffff  }
0x2be: {  	vm2 =	vgt.f32 v52, $1.000000000e+02;
	v5 =	vsel vm1, v5, v19;
	v19 =	vcvt.s32.f32 v27;
	v27 =	vld.idx.msk [tilespmem:v32+s5+$0x0], $0xffff  }
0x2bf: {  	vm5 =	vmmov vm0;
	v22 =	vadd.s32 $0x1, v16;
	v3 =	vadd.s32 $0x1, v20;
	[tilespmem:s30+$0x183D0] =	vst v5;
	v46 =	vld.idx.msk [tilespmem:v40+s5+$0x0], $0xffff  }
0x2c0: {  	vm4 =	vmmov vm12;
	vm6 =	vgt.f32 v2, $1.000000000e+02;
	v47 =	vmul.f32 $2.499949950e+02, v30;
	v25 =	vld.idx.msk [tilespmem:v7+s5+$0x0], $0xffff  }
0x2c1: {  	vm1 =	vmmov vm8;
	v7 =	vsub.f32 v60, v19;
	v8 =	vld.idx.msk [tilespmem:v8+s5+$0x0], $0xffff;
	v19 =	vsub.f32 v26, v44  }
0x2c2: {  	vm0 =	vmmov vm6;
	v5 =	vtrunc.f32 v47;
	v26 =	vcvt.s32.f32 v31  }
0x2c3: {  	v33 =	vld [tilespmem:s31+$0x10780];
	vm10 =	vgt.f32 v34, $1.000000000e+02;
	v5 =	vcvt.f32.s32 v5;
	v7 =	vmul.f32 v7, v19  }
0x2c4: {  	v23 =	vmul.f32 $2.499949950e+02, v23;
	vm14 =	vgt.f32 v45, $1.000000000e+02;
	v31 =	vsub.f32 v62, v26;
	v19 =	vld [tilespmem:s31+$0x10380]  }
0x2c5: {  	v36 =	vld [tilespmem:s28+$0x107D0];
	v48 =	vsub.f32 v46, v29;
	v49 =	vadd.s32 $0x1, v5;
	v7 =	vadd.f32 v7, v44  }
0x2c6: {  	v30 =	vtrunc.f32 v23;
	v50 =	vsub.f32 v27, v18;
	v8 =	vsub.f32 v8, v25  }
0x2c7: {  	v26 =	vcvt.f32.s32 v30;
	v30 =	vmul.f32 v31, v48;
	v7 =	vsel vm2, v52, v7  }
0x2c8: {  	v38 =	vmul.f32 v28, v50;
	v31 =	vld [tilespmem:s31+$0x10390];
	v32 =	vmul.f32 v6, v8;
	[tilespmem:s28+$0x187B0] =	vst v7;
	v7 =	vmax.f32 v33, $-1.000000000e+02  }
0x2c9: {  	v51 =	vadd.f32 v30, v29;
	v6 =	vmax.f32 v19, $-1.000000000e+02;
	v8 =	vld.idx.msk [tilespmem:v5+s5+$0x0], $0xffff;
	v7 =	vmin.f32 v7, $1.000000000e+02  }
0x2ca: {  	v52 =	vmax.f32 v36, $-1.000000000e+02;
	v35 =	vld.idx.msk [tilespmem:v49+s5+$0x0], $0xffff;
	v6 =	vmin.f32 v6, $1.000000000e+02;
	v7 =	vadd.f32 $1.000000000e+02, v7  }
0x2cb: {  	vm2 =	vgt.f32 v56, $1.000000000e+02;
	v37 =	vmin.f32 v52, $1.000000000e+02;
	v6 =	vadd.f32 $1.000000000e+02, v6  }
0x2cc: {  	v37 =	vadd.f32 $1.000000000e+02, v37;
	v5 =	vcvt.s32.f32 v5;
	v7 =	vmul.f32 $2.499949950e+02, v7  }
0x2cd: {  	v29 =	vld [tilespmem:s31+$0x103A0];
	v28 =	vsel vm2, v56, v51;
	v53 =	vmax.f32 v31, $-1.000000000e+02;
	v54 =	vmul.f32 $2.499949950e+02, v6  }
0x2ce: {  	v37 =	vmul.f32 $2.499949950e+02, v37;
	v5 =	vsub.f32 v47, v5;
	v56 =	vtrunc.f32 v7  }
0x2cf: {  	v57 =	vsub.f32 v35, v8;
	v58 =	vtrunc.f32 v54;
	v41 =	vcvt.f32.s32 v56  }
0x2d0: {  	vm2 =	vgt.f32 v24, $1.000000000e+02;
	v39 =	vmin.f32 v53, $1.000000000e+02;
	v35 =	vcvt.f32.s32 v58  }
0x2d1: {  	v39 =	vadd.f32 $1.000000000e+02, v39;
	v60 =	vtrunc.f32 v37;
	v5 =	vmul.f32 v5, v57  }
0x2d2: {  	v6 =	vmax.f32 v29, $-1.000000000e+02;
	v43 =	vcvt.f32.s32 v60;
	v61 =	vadd.s32 $0x1, v41  }
0x2d3: {  	v51 =	vmax.f32 v45, $-1.000000000e+02;
	v59 =	vmin.f32 v6, $1.000000000e+02;
	v6 =	vld [tilespmem:s31+$0x103B0];
	v5 =	vadd.f32 v5, v8  }
0x2d4: {  	v51 =	vmin.f32 v51, $1.000000000e+02;
	v39 =	vmul.f32 $2.499949950e+02, v39;
	v63 =	vadd.s32 $0x1, v35  }
0x2d5: {  	v42 =	vadd.f32 $1.000000000e+02, v59;
	v8 =	vadd.s32 $0x1, v43;
	v5 =	vsel vm2, v24, v5;
	v24 =	vld.idx.msk [tilespmem:v41+s5+$0x0], $0xffff  }
0x2d6: {  	v18 =	vadd.f32 v38, v18;
	v51 =	vadd.f32 $1.000000000e+02, v51;
	v62 =	vcvt.s32.f32 v35;
	v35 =	vld.idx.msk [tilespmem:v35+s5+$0x0], $0xffff  }
0x2d7: {  	v55 =	vtrunc.f32 v39;
	v42 =	vmul.f32 $2.499949950e+02, v42;
	v57 =	vmax.f32 v34, $-1.000000000e+02;
	[tilespmem:s28+$0x187C0] =	vst v5;
	v44 =	vld.idx.msk [tilespmem:v61+s5+$0x0], $0xffff  }
0x2d8: {  	v46 =	vcvt.f32.s32 v55;
	v49 =	vmin.f32 v57, $1.000000000e+02;
	v56 =	vmax.f32 v6, $-1.000000000e+02;
	v50 =	vld.idx.msk [tilespmem:v43+s5+$0x0], $0xffff  }
0x2d9: {  	v49 =	vadd.f32 $1.000000000e+02, v49;
	v40 =	vsub.f32 v54, v62;
	v5 =	vtrunc.f32 v42;
	v47 =	vld.idx.msk [tilespmem:v63+s5+$0x0], $0xffff  }
0x2da: {  	v48 =	vmin.f32 v56, $1.000000000e+02;
	v54 =	vcvt.f32.s32 v5;
	v5 =	vcvt.s32.f32 v41;
	v8 =	vld.idx.msk [tilespmem:v8+s5+$0x0], $0xffff  }
0x2db: {  	v52 =	vadd.s32 $0x1, v46;
	v58 =	vadd.f32 $1.000000000e+02, v48;
	v48 =	vmul.f32 $2.499949950e+02, v49  }
0x2dc: {  	v43 =	vcvt.s32.f32 v43;
	v5 =	vsub.f32 v7, v5;
	v7 =	vsub.f32 v44, v24  }
0x2dd: {  	vm2 =	vgt.f32 v33, $1.000000000e+02;
	v59 =	vtrunc.f32 v48;
	v44 =	vmul.f32 $2.499949950e+02, v51  }
0x2de: {  	v51 =	vcvt.f32.s32 v59;
	v47 =	vsub.f32 v47, v35;
	v5 =	vmul.f32 v5, v7  }
0x2df: {  	v37 =	vsub.f32 v37, v43;
	v61 =	vcvt.s32.f32 v54;
	v60 =	vsub.f32 v8, v50  }
0x2e0: {  	v63 =	vadd.s32 $0x1, v51;
	v47 =	vmul.f32 v40, v47;
	v5 =	vadd.f32 v5, v24  }
0x2e1: {  	v7 =	vtrunc.f32 v44;
	v40 =	vsub.f32 v42, v61;
	v42 =	vld [tilespmem:s31+$0x107A0];
	v37 =	vmul.f32 v37, v60  }
0x2e2: {  	v24 =	vcvt.f32.s32 v7;
	v35 =	vadd.f32 v47, v35;
	v5 =	vsel vm2, v33, v5  }
0x2e3: {  	v27 =	vadd.s32 $0x1, v26;
	vm13 =	vgt.f32 v19, $1.000000000e+02;
	v18 =	vsel vm3, v10, v18;
	v8 =	vld [tilespmem:s31+$0x103C0];
	[tilespmem:s31+$0x18780] =	vst v5  }
0x2e4: {  	v37 =	vadd.f32 v37, v50;
	v62 =	vadd.s32 $0x1, v24;
	v10 =	vsel vm13, v19, v35;
	v38 =	vld.idx.msk [tilespmem:v51+s5+$0x0], $0xffff  }
0x2e5: {  	v30 =	vcvt.s32.f32 v26;
	v32 =	vadd.f32 v32, v25;
	vm2 =	vgt.f32 v36, $1.000000000e+02;
	[tilespmem:s31+$0x18380] =	vst v10;
	v59 =	vld.idx.msk [tilespmem:v63+s5+$0x0], $0xffff  }
0x2e6: {  	v53 =	vcvt.s32.f32 v46;
	v36 =	vsel vm2, v36, v37;
	v61 =	vmax.f32 v42, $-1.000000000e+02;
	v46 =	vld.idx.msk [tilespmem:v46+s5+$0x0], $0xffff  }
0x2e7: {  	vm6 =	vgt.f32 v31, $1.000000000e+02;
	v41 =	vmul.f32 $2.499949950e+02, v58;
	[tilespmem:s28+$0x187D0] =	vst v36;
	v10 =	vmin.f32 v61, $1.000000000e+02;
	v52 =	vld.idx.msk [tilespmem:v52+s5+$0x0], $0xffff  }
0x2e8: {  	vm8 =	vgt.f32 v29, $1.000000000e+02;
	v39 =	vsub.f32 v39, v53;
	v53 =	vadd.f32 $1.000000000e+02, v10;
	v43 =	vld.idx.msk [tilespmem:v24+s5+$0x0], $0xffff  }
0x2e9: {  	v49 =	vadd.s32 $0x1, v54;
	v55 =	vtrunc.f32 v41;
	v56 =	vmax.f32 v8, $-1.000000000e+02;
	v58 =	vld.idx.msk [tilespmem:v62+s5+$0x0], $0xffff  }
0x2ea: {  	v57 =	vmin.f32 v56, $1.000000000e+02;
	v56 =	vcvt.s32.f32 v51;
	v51 =	vmul.f32 $2.499949950e+02, v53  }
0x2eb: {  	[tilespmem:s28+$0x183B0] =	vst v18;
	v7 =	vld [tilespmem:s31+$0x103D0];
	v33 =	vcvt.f32.s32 v55;
	vm3 =	vgt.f32 v8, $1.000000000e+02;
	vm2 =	vgt.f32 v6, $1.000000000e+02  }
0x2ec: {  	v24 =	vcvt.s32.f32 v24;
	v35 =	vsub.f32 v59, v38;
	v59 =	vld.idx.msk [tilespmem:v13+s5+$0x0], $0xffff;
	v13 =	vtrunc.f32 v51  }
0x2ed: {  	v36 =	vadd.f32 $1.000000000e+02, v57;
	v61 =	vcvt.f32.s32 v13;
	v13 =	vsub.f32 v52, v46  }
0x2ee: {  	v19 =	vcvt.s32.f32 v33;
	v18 =	vsub.f32 v44, v24;
	v24 =	vsub.f32 v58, v43  }
0x2ef: {  	v5 =	vld [tilespmem:s31+$0x103E0];
	v36 =	vmul.f32 $2.499949950e+02, v36;
	v58 =	vsub.f32 v48, v56;
	v39 =	vmul.f32 v39, v13  }
0x2f0: {  	s7 =	simm.s32 $0x2;
	v57 =	vld.idx.msk [tilespmem:v11+s5+$0x0], $0xffff;
	v60 =	vmax.f32 v7, $-1.000000000e+02;
	v19 =	vsub.f32 v41, v19;
	v18 =	vmul.f32 v18, v24  }
0x2f1: {  	s23 =	sand.u32 $0x7, s7;
	v63 =	vtrunc.f32 v36;
	v24 =	vmul.f32 v58, v35;
	v47 =	vadd.f32 v39, v46  }
0x2f2: {  	s13 =	sshll.u32 s23, $0xB;
	v62 =	vmin.f32 v60, $1.000000000e+02;
	v10 =	vcvt.f32.s32 v63;
	v18 =	vadd.f32 v18, v43  }
0x2f3: {  	s14 =	sadd.s32 $0x20, s13;
	v63 =	vadd.s32 $0x1, v61;
	v38 =	vadd.f32 v24, v38;
	v31 =	vsel vm6, v31, v47  }
0x2f4: {  	s13 =	sadd.s32 $0x400, s14;
	v41 =	vadd.f32 $1.000000000e+02, v62;
	v60 =	vmax.f32 v5, $-1.000000000e+02;
	v24 =	vld [tilespmem:s31+$0x107B0];
	[tilespmem:s31+$0x18390] =	vst v31;
	v18 =	vsel vm14, v45, v18  }
0x2f5: {  	s13 =	sor.u32 $0x70, s13;
	v62 =	vcvt.s32.f32 v10;
	v34 =	vsel vm10, v34, v38;
	v45 =	vsub.f32 v59, v57;
	v38 =	vld.idx.msk [tilespmem:v54+s5+$0x0], $0xffff;
	[tilespmem:s28+$0x187E0] =	vst v18  }
0x2f6: {  	v37 =	vadd.s32 $0x1, v33;
	vm15 =	vgt.f32 v7, $1.000000000e+02;
	v52 =	vmin.f32 v60, $1.000000000e+02;
	[tilespmem:s31+$0x18790] =	vst v34;
	v18 =	vld [tilespmem:s13+$0x10380]  }
0x2f7: {  	v48 =	vmul.f32 $2.499949950e+02, v41;
	v13 =	vsub.f32 v36, v62;
	v36 =	vmul.f32 v14, v45;
	v55 =	vld.idx.msk [tilespmem:v61+s5+$0x0], $0xffff  }
0x2f8: {  	v11 =	vadd.s32 $0x1, v10;
	v53 =	vadd.f32 $1.000000000e+02, v52;
	v60 =	vcvt.s32.f32 v61;
	v25 =	vld.idx.msk [tilespmem:v63+s5+$0x0], $0xffff  }
0x2f9: {  	v59 =	vld.idx.msk [tilespmem:v49+s5+$0x0], $0xffff;
	v14 =	vtrunc.f32 v48;
	v56 =	vmax.f32 v24, $-1.000000000e+02;
	v36 =	vadd.f32 v36, v57  }
0x2fa: {  	v43 =	vmul.f32 $2.499949950e+02, v53;
	v14 =	vcvt.f32.s32 v14;
	v31 =	vmin.f32 v56, $1.000000000e+02  }
0x2fb: {  	vm6 =	vgt.f32 v5, $1.000000000e+02;
	v31 =	vadd.f32 $1.000000000e+02, v31;
	v57 =	vsel vm7, v15, v36  }
0x2fc: {  	v61 =	vld.idx.msk [tilespmem:v27+s5+$0x0], $0xffff;
	v45 =	vsub.f32 v51, v60;
	v27 =	vcvt.s32.f32 v14;
	v58 =	vmax.f32 v18, $-1.000000000e+02;
	[tilespmem:s28+$0x183C0] =	vst v57  }
0x2fd: {  	v35 =	vmul.f32 $2.499949950e+02, v31;
	v63 =	vsub.f32 v25, v55;
	v36 =	vmin.f32 v58, $1.000000000e+02;
	v22 =	vld.idx.msk [tilespmem:v22+s5+$0x0], $0xffff  }
0x2fe: {  	v62 =	vtrunc.f32 v43;
	v53 =	vsub.f32 v59, v38;
	v31 =	vadd.f32 $1.000000000e+02, v36;
	v36 =	vld.idx.msk [tilespmem:v16+s5+$0x0], $0xffff  }
0x2ff: {  	v16 =	vsub.f32 v48, v27;
	v27 =	vtrunc.f32 v35;
	v48 =	vld.idx.msk [tilespmem:v26+s5+$0x0], $0xffff;
	v26 =	vmul.f32 v45, v63  }
0x300: {  	v15 =	vadd.s32 $0x1, v14;
	v52 =	vcvt.f32.s32 v27;
	v27 =	vld [tilespmem:s31+$0x107C0];
	v25 =	vmul.f32 $2.499949950e+02, v31  }
0x301: {  	v31 =	vsel vm5, v9, v32;
	v9 =	vcvt.f32.s32 v62;
	v55 =	vadd.f32 v26, v55  }
0x302: {  	s3 =	sor.u32 $0x70, s3;
	v32 =	vmul.f32 v40, v53;
	[tilespmem:s30+$0x183E0] =	vst v31;
	v56 =	vadd.s32 $0x1, v52;
	v54 =	vtrunc.f32 v25  }
0x303: {  	vm5 =	vgt.f32 v42, $1.000000000e+02;
	v26 =	vld [tilespmem:s3+$0x10380];
	v34 =	vadd.s32 $0x1, v9;
	v31 =	vcvt.f32.s32 v54  }
0x304: {  	v39 =	vsel vm5, v42, v55;
	v32 =	vadd.f32 v32, v38;
	v22 =	vsub.f32 v22, v36  }
0x305: {  	v58 =	vcvt.s32.f32 v9;
	[tilespmem:s31+$0x187A0] =	vst v39;
	v60 =	vmax.f32 v27, $-1.000000000e+02;
	v57 =	vadd.s32 $0x1, v31  }
0x306: {  	v38 =	vld.idx.msk [tilespmem:v52+s5+$0x0], $0xffff;
	v21 =	vmul.f32 v21, v22;
	v22 =	vsub.f32 v23, v30;
	v23 =	vsel vm8, v29, v32  }
0x307: {  	v59 =	vsub.f32 v61, v48;
	v32 =	vsub.f32 v43, v58;
	v29 =	vmin.f32 v60, $1.000000000e+02;
	v39 =	vld.idx.msk [tilespmem:v56+s5+$0x0], $0xffff;
	[tilespmem:s31+$0x183A0] =	vst v23  }
0x308: {  	v61 =	vadd.f32 $1.000000000e+02, v29;
	v62 =	vadd.f32 v21, v36;
	v29 =	vmax.f32 v26, $-1.000000000e+02;
	v37 =	vld.idx.msk [tilespmem:v37+s5+$0x0], $0xffff  }
0x309: {  	vm7 =	vgt.f32 v26, $1.000000000e+02;
	v22 =	vmul.f32 v22, v59;
	v23 =	vmin.f32 v29, $1.000000000e+02;
	v29 =	vld.idx.msk [tilespmem:v33+s5+$0x0], $0xffff  }
0x30a: {  	[tilespmem:s2+$0x18380] =	vst v12;
	v36 =	vmul.f32 $2.499949950e+02, v61;
	v21 =	vld.idx.msk [tilespmem:v31+s5+$0x0], $0xffff;
	v12 =	vsel vm4, v17, v62;
	v63 =	vadd.f32 $1.000000000e+02, v23  }
0x30b: {  	s2 =	simm.s32 $0x30;
	v33 =	vcvt.s32.f32 v52;
	v22 =	vadd.f32 v22, v48;
	vm4 =	vmmov vm3;
	v30 =	vld.idx.msk [tilespmem:v57+s5+$0x0], $0xffff;
	[tilespmem:s28+$0x183D0] =	vst v12  }
0x30c: {  	s14 =	sor.u32 $0x70, s14;
	[tilespmem:s6+$0x18380] =	vst v28;
	s6 =	simm.s32 $0x400;
	s30 =	simm.s32 $0x6;
	vm3 =	vmmov vm15;
	v23 =	vtrunc.f32 v36;
	v17 =	vld.idx.msk [tilespmem:v20+s5+$0x0], $0xffff;
	v12 =	vmul.f32 $2.499949950e+02, v63  }
.LBB2_9:
0x30d: {  	v20 =	vsub.f32 v35, v33;
	v28 =	vsub.f32 v39, v38  }
0x30e: {  	s22 =	sand.u32 $0x700, s6;
	s0 =	sadd.s32 $0x10, s0;
	v35 =	vld.idx.msk [tilespmem:v3+s5+$0x0], $0xffff;
	v31 =	vcvt.s32.f32 v31;
	v3 =	vmovc v34;
	vm5 =	vmmov vm1;
	vm1 =	vmmov vm6  }
0x30f: {  	v23 =	vcvt.f32.s32 v23;
	v22 =	vsel vm0, v2, v22;
	v2 =	vmovc v26;
	s22 =	sshll.u32 s22, $0x3;
	s23 =	sand.u32 $0x380, s0;
	v33 =	vtrunc.f32 v12  }
0x310: {  	v26 =	vsub.f32 v30, v21;
	s22 =	sor.u32 s23, s22;
	v20 =	vmul.f32 v20, v28;
	v25 =	vsub.f32 v25, v31;
	[tilespmem:s29+$0x18380] =	vst v22;
	s29 =	smov.u32 s3;
	s3 =	smov.u32 s14  }
0x311: {  	vm0 =	vmmov vm7;
	v39 =	vcvt.f32.s32 v33;
	v34 =	vld [tilespmem:s22+$0x10780]  }
0x312: {  	v22 =	vadd.s32 $0x1, v23;
	v33 =	vld [tilespmem:s22+$0x10380];
	v20 =	vadd.f32 v20, v38;
	v26 =	vmul.f32 v25, v26  }
0x313: {  	vm6 =	vgt.f32 v24, $1.000000000e+02;
	v28 =	vsub.f32 v37, v29;
	v38 =	vadd.s32 $0x1, v39;
	v37 =	vld [tilespmem:s31+$0x107D0]  }
0x314: {  	v30 =	vsub.f32 v35, v17;
	v25 =	vld [tilespmem:s22+$0x10390];
	v24 =	vsel vm6, v24, v20;
	v26 =	vadd.f32 v26, v21  }
0x315: {  	v19 =	vmul.f32 v19, v28;
	vm6 =	vgt.f32 v18, $1.000000000e+02;
	v21 =	vcvt.s32.f32 v39;
	v20 =	vld [tilespmem:s22+$0x103A0];
	[tilespmem:s31+$0x187B0] =	vst v24  }
0x316: {  	v30 =	vmul.f32 v4, v30;
	v4 =	vmovc v32;
	v24 =	vmax.f32 v34, $-1.000000000e+02;
	v40 =	vld.idx.msk [tilespmem:v23+s5+$0x0], $0xffff;
	v18 =	vsel vm6, v18, v26  }
0x317: {  	s30 =	sadd.s32 $0x2, s30;
	v26 =	vmax.f32 v33, $-1.000000000e+02;
	vm8 =	vgt.f32 v33, $1.000000000e+02;
	v28 =	vmin.f32 v24, $1.000000000e+02;
	v32 =	vld.idx.msk [tilespmem:v22+s5+$0x0], $0xffff;
	[tilespmem:s13+$0x18380] =	vst v18  }
0x318: {  	p0 =	slt.u32 s30, $0x7E;
	v18 =	vmin.f32 v26, $1.000000000e+02;
	v24 =	vld [tilespmem:s22+$0x103B0];
	v26 =	vadd.f32 $1.000000000e+02, v28;
	v22 =	vmax.f32 v37, $-1.000000000e+02  }
0x319: {  	v18 =	vadd.f32 $1.000000000e+02, v18;
	v28 =	vmax.f32 v25, $-1.000000000e+02;
	v31 =	vld [tilespmem:s22+$0x103C0];
	v35 =	vmin.f32 v22, $1.000000000e+02  }
0x31a: {  	v28 =	vmin.f32 v28, $1.000000000e+02;
	v22 =	vld [tilespmem:s22+$0x103D0];
	v41 =	vmul.f32 $2.499949950e+02, v26;
	v35 =	vadd.f32 $1.000000000e+02, v35  }
0x31b: {  	v23 =	vcvt.s32.f32 v23;
	v42 =	vmul.f32 $2.499949950e+02, v18;
	v18 =	vadd.f32 $1.000000000e+02, v28;
	v26 =	vld [tilespmem:s22+$0x103E0]  }
0x31c: {  	v43 =	vmax.f32 v20, $-1.000000000e+02;
	v44 =	vtrunc.f32 v41;
	v45 =	vmul.f32 $2.499949950e+02, v35;
	v28 =	vld.idx.msk [tilespmem:v38+s5+$0x0], $0xffff  }
0x31d: {  	v35 =	vsub.f32 v36, v23;
	v32 =	vsub.f32 v32, v40;
	v38 =	vcvt.f32.s32 v44;
	v23 =	vld.idx.msk [tilespmem:v39+s5+$0x0], $0xffff  }
0x31e: {  	v36 =	vtrunc.f32 v42;
	v39 =	vmin.f32 v43, $1.000000000e+02;
	v43 =	vtrunc.f32 v45  }
0x31f: {  	v32 =	vmul.f32 v35, v32;
	v44 =	vadd.s32 $0x1, v38;
	v43 =	vcvt.f32.s32 v43  }
0x320: {  	v46 =	vmul.f32 $2.499949950e+02, v18;
	v36 =	vcvt.f32.s32 v36;
	v39 =	vadd.f32 $1.000000000e+02, v39;
	v35 =	vld [tilespmem:s31+$0x107E0]  }
0x321: {  	vm6 =	vgt.f32 v25, $1.000000000e+02;
	v32 =	vadd.f32 v32, v40;
	v18 =	vld [tilespmem:s22+$0x10790];
	v40 =	vadd.s32 $0x1, v43  }
0x322: {  	vm7 =	vgt.f32 v27, $1.000000000e+02;
	v47 =	vcvt.s32.f32 v36;
	v48 =	vadd.s32 $0x1, v36  }
0x323: {  	v49 =	vtrunc.f32 v46;
	v39 =	vmul.f32 $2.499949950e+02, v39;
	v27 =	vsel vm7, v27, v32;
	v50 =	vld.idx.msk [tilespmem:v38+s5+$0x0], $0xffff  }
0x324: {  	v32 =	vsub.f32 v42, v47;
	v42 =	vcvt.f32.s32 v49;
	v47 =	vmax.f32 v24, $-1.000000000e+02;
	v44 =	vld.idx.msk [tilespmem:v44+s5+$0x0], $0xffff;
	[tilespmem:s31+$0x187C0] =	vst v27  }
0x325: {  	v47 =	vmin.f32 v47, $1.000000000e+02;
	v27 =	vtrunc.f32 v39;
	v49 =	vld.idx.msk [tilespmem:v43+s5+$0x0], $0xffff;
	v51 =	vmax.f32 v35, $-1.000000000e+02  }
0x326: {  	v52 =	vadd.s32 $0x1, v42;
	v53 =	vmax.f32 v18, $-1.000000000e+02;
	v40 =	vld.idx.msk [tilespmem:v40+s5+$0x0], $0xffff;
	v51 =	vmin.f32 v51, $1.000000000e+02  }
0x327: {  	v54 =	vcvt.s32.f32 v42;
	v48 =	vld.idx.msk [tilespmem:v48+s5+$0x0], $0xffff;
	v53 =	vmin.f32 v53, $1.000000000e+02;
	v51 =	vadd.f32 $1.000000000e+02, v51  }
0x328: {  	v47 =	vadd.f32 $1.000000000e+02, v47;
	v27 =	vcvt.f32.s32 v27;
	v55 =	vld.idx.msk [tilespmem:v36+s5+$0x0], $0xffff;
	v53 =	vadd.f32 $1.000000000e+02, v53  }
0x329: {  	v38 =	vcvt.s32.f32 v38;
	v46 =	vsub.f32 v46, v54;
	v51 =	vmul.f32 $2.499949950e+02, v51  }
0x32a: {  	v43 =	vcvt.s32.f32 v43;
	v36 =	vadd.s32 $0x1, v27;
	v53 =	vmul.f32 $2.499949950e+02, v53  }
0x32b: {  	v38 =	vsub.f32 v41, v38;
	v41 =	vsub.f32 v44, v50;
	v44 =	vtrunc.f32 v51  }
0x32c: {  	v43 =	vsub.f32 v45, v43;
	v40 =	vsub.f32 v40, v49;
	v54 =	vtrunc.f32 v53  }
0x32d: {  	vm7 =	vgt.f32 v20, $1.000000000e+02;
	v38 =	vmul.f32 v38, v41;
	v41 =	vcvt.f32.s32 v54  }
0x32e: {  	v45 =	vsub.f32 v48, v55;
	v40 =	vmul.f32 v43, v40;
	v43 =	vcvt.f32.s32 v44  }
0x32f: {  	v47 =	vmul.f32 $2.499949950e+02, v47;
	v44 =	vcvt.s32.f32 v27;
	v38 =	vadd.f32 v38, v50  }
0x330: {  	vm9 =	vgt.f32 v34, $1.000000000e+02;
	v40 =	vadd.f32 v40, v49;
	v48 =	vadd.s32 $0x1, v43  }
0x331: {  	v38 =	vsel vm9, v34, v38;
	v49 =	vadd.s32 $0x1, v41;
	vm9 =	vgt.f32 v37, $1.000000000e+02  }
0x332: {  	v45 =	vmul.f32 v32, v45;
	v34 =	vsub.f32 v39, v44;
	v37 =	vsel vm9, v37, v40;
	[tilespmem:s22+$0x18780] =	vst v38;
	v32 =	vld [tilespmem:s22+$0x107A0]  }
0x333: {  	v19 =	vadd.f32 v19, v29;
	v39 =	vmax.f32 v31, $-1.000000000e+02;
	v38 =	vtrunc.f32 v47;
	v40 =	vld.idx.msk [tilespmem:v41+s5+$0x0], $0xffff;
	[tilespmem:s31+$0x187D0] =	vst v37  }
0x334: {  	v37 =	vadd.f32 v45, v55;
	v29 =	vcvt.f32.s32 v38;
	v38 =	vmin.f32 v39, $1.000000000e+02;
	v39 =	vld.idx.msk [tilespmem:v43+s5+$0x0], $0xffff  }
0x335: {  	v19 =	vsel vm2, v6, v19;
	vm2 =	vgt.f32 v24, $1.000000000e+02;
	v6 =	vmovc v24;
	v38 =	vadd.f32 $1.000000000e+02, v38;
	v44 =	vld.idx.msk [tilespmem:v48+s5+$0x0], $0xffff  }
0x336: {  	v24 =	vsel vm8, v33, v37;
	v37 =	vcvt.s32.f32 v29;
	v33 =	vadd.s32 $0x1, v29;
	v45 =	vld.idx.msk [tilespmem:v49+s5+$0x0], $0xffff;
	[tilespmem:s31+$0x183B0] =	vst v19  }
0x337: {  	v38 =	vmul.f32 $2.499949950e+02, v38;
	[tilespmem:s22+$0x18380] =	vst v24;
	v24 =	vmax.f32 v22, $-1.000000000e+02;
	v48 =	vmax.f32 v32, $-1.000000000e+02;
	v49 =	vld.idx.msk [tilespmem:v10+s5+$0x0], $0xffff  }
0x338: {  	v19 =	vsub.f32 v47, v37;
	v42 =	vld.idx.msk [tilespmem:v42+s5+$0x0], $0xffff;
	v24 =	vmin.f32 v24, $1.000000000e+02;
	v10 =	vmin.f32 v48, $1.000000000e+02  }
0x339: {  	v43 =	vcvt.s32.f32 v43;
	v47 =	vtrunc.f32 v38;
	v37 =	vld.idx.msk [tilespmem:v52+s5+$0x0], $0xffff;
	v48 =	vadd.f32 $1.000000000e+02, v10  }
0x33a: {  	v10 =	vcvt.f32.s32 v47;
	v47 =	vadd.f32 $1.000000000e+02, v24;
	v24 =	vcvt.s32.f32 v41;
	v41 =	vld.idx.msk [tilespmem:v11+s5+$0x0], $0xffff  }
0x33b: {  	v43 =	vsub.f32 v51, v43;
	v44 =	vsub.f32 v44, v39;
	v48 =	vmul.f32 $2.499949950e+02, v48  }
0x33c: {  	v11 =	vadd.s32 $0x1, v10;
	v24 =	vsub.f32 v53, v24;
	v45 =	vsub.f32 v45, v40  }
0x33d: {  	s7 =	sadd.s32 $0x1, s7;
	vm8 =	vgt.f32 v31, $1.000000000e+02;
	v43 =	vmul.f32 v43, v44;
	v50 =	vtrunc.f32 v48  }
0x33e: {  	s13 =	sand.u32 $0x7, s7;
	v44 =	vmax.f32 v26, $-1.000000000e+02;
	v24 =	vmul.f32 v24, v45;
	v45 =	vcvt.f32.s32 v50  }
0x33f: {  	s13 =	sshll.u32 s13, $0xB;
	v37 =	vsub.f32 v37, v42;
	v50 =	vcvt.s32.f32 v10;
	v39 =	vadd.f32 v43, v39  }
0x340: {  	s13 =	sadd.s32 s13, s2;
	s2 =	smov.u32 s0;
	vm9 =	vgt.f32 v35, $1.000000000e+02;
	v40 =	vadd.f32 v24, v40;
	v43 =	vadd.s32 $0x1, v45  }
0x341: {  	s14 =	sor.u32 $0x70, s13;
	s13 =	sadd.s32 $0x400, s13;
	vm10 =	vgt.f32 v18, $1.000000000e+02;
	v37 =	vmul.f32 v46, v37;
	v35 =	vsel vm9, v35, v39;
	v24 =	vld [tilespmem:s22+$0x107B0]  }
0x342: {  	s13 =	sor.u32 $0x70, s13;
	v38 =	vsub.f32 v38, v50;
	v39 =	vsub.f32 v41, v49;
	v18 =	vsel vm10, v18, v40;
	[tilespmem:s31+$0x187E0] =	vst v35  }
0x343: {  	v40 =	vmin.f32 v44, $1.000000000e+02;
	v35 =	vadd.f32 v37, v42;
	v37 =	vmul.f32 $2.499949950e+02, v47;
	[tilespmem:s22+$0x18790] =	vst v18;
	v18 =	vld [tilespmem:s13+$0x10380]  }
0x344: {  	vm9 =	vgt.f32 v22, $1.000000000e+02;
	v40 =	vadd.f32 $1.000000000e+02, v40;
	v39 =	vmul.f32 v13, v39;
	v13 =	vmovc v38;
	v41 =	vld.idx.msk [tilespmem:v45+s5+$0x0], $0xffff  }
0x345: {  	v17 =	vadd.f32 v30, v17;
	v25 =	vsel vm6, v25, v35;
	v35 =	vtrunc.f32 v37;
	v38 =	vld.idx.msk [tilespmem:v43+s5+$0x0], $0xffff  }
0x346: {  	[tilespmem:s22+$0x18390] =	vst v25;
	v25 =	vcvt.f32.s32 v35;
	v30 =	vmax.f32 v24, $-1.000000000e+02;
	v35 =	vadd.f32 v39, v49  }
0x347: {  	v40 =	vmul.f32 $2.499949950e+02, v40;
	vm6 =	vgt.f32 v26, $1.000000000e+02;
	v39 =	vld.idx.msk [tilespmem:v27+s5+$0x0], $0xffff;
	v27 =	vmin.f32 v30, $1.000000000e+02  }
0x348: {  	v30 =	vld.idx.msk [tilespmem:v36+s5+$0x0], $0xffff;
	v27 =	vadd.f32 $1.000000000e+02, v27;
	v35 =	vsel vm4, v8, v35;
	v36 =	vmax.f32 v18, $-1.000000000e+02;
	v8 =	vmovc v31  }
0x349: {  	v42 =	vcvt.s32.f32 v45;
	v31 =	vadd.s32 $0x1, v25;
	[tilespmem:s31+$0x183C0] =	vst v35;
	v36 =	vmin.f32 v36, $1.000000000e+02  }
0x34a: {  	v43 =	vcvt.s32.f32 v25;
	v35 =	vmul.f32 $2.499949950e+02, v27;
	v44 =	vld.idx.msk [tilespmem:v14+s5+$0x0], $0xffff;
	v27 =	vadd.f32 $1.000000000e+02, v36;
	v14 =	vmovc v25  }
0x34b: {  	v42 =	vsub.f32 v48, v42;
	v36 =	vtrunc.f32 v40;
	v38 =	vsub.f32 v38, v41;
	v45 =	vld.idx.msk [tilespmem:v15+s5+$0x0], $0xffff;
	v15 =	vmovc v31  }
0x34c: {  	v37 =	vsub.f32 v37, v43;
	v31 =	vtrunc.f32 v35;
	v25 =	vmul.f32 $2.499949950e+02, v27  }
0x34d: {  	v17 =	vsel vm5, v1, v17;
	v1 =	vmovc v5;
	v5 =	vmovc v26;
	v38 =	vmul.f32 v42, v38;
	v42 =	vcvt.f32.s32 v31  }
0x34e: {  	v43 =	vcvt.f32.s32 v36;
	v30 =	vsub.f32 v30, v39;
	v27 =	vld [tilespmem:s22+$0x107C0];
	v26 =	vtrunc.f32 v25;
	[tilespmem:s28+$0x183E0] =	vst v17;
	s28 =	smov.u32 s31;
	s31 =	smov.u32 s22  }
0x34f: {  	v17 =	vadd.f32 v38, v41;
	v36 =	vadd.s32 $0x1, v42;
	v31 =	vcvt.f32.s32 v26;
	v26 =	vld [tilespmem:s3+$0x10380]  }
0x350: {  	vm4 =	vgt.f32 v32, $1.000000000e+02;
	v30 =	vmul.f32 v34, v30;
	v34 =	vadd.s32 $0x1, v43  }
0x351: {  	v17 =	vsel vm4, v32, v17;
	v32 =	vsub.f32 v45, v44;
	v41 =	vadd.s32 $0x1, v31  }
0x352: {  	v30 =	vadd.f32 v30, v39;
	v39 =	vcvt.s32.f32 v43;
	[tilespmem:s31+$0x187A0] =	vst v17;
	v17 =	vsub.f32 v28, v23  }
0x353: {  	v12 =	vsub.f32 v12, v21;
	v45 =	vmul.f32 v16, v32;
	v16 =	vmovc v37;
	v38 =	vld.idx.msk [tilespmem:v42+s5+$0x0], $0xffff;
	v28 =	vmax.f32 v27, $-1.000000000e+02  }
0x354: {  	v20 =	vsel vm7, v20, v30;
	v32 =	vsub.f32 v40, v39;
	v39 =	vld.idx.msk [tilespmem:v36+s5+$0x0], $0xffff;
	v21 =	vmin.f32 v28, $1.000000000e+02  }
.Ltmp6:
0x355: {  	v28 =	vadd.f32 v45, v44;
	v36 =	vmax.f32 v26, $-1.000000000e+02;
	[tilespmem:s31+$0x183A0] =	vst v20;
	v20 =	vadd.f32 $1.000000000e+02, v21;
	v21 =	vld.idx.msk [tilespmem:v31+s5+$0x0], $0xffff;
	(pc) =	sbr.rel @p0 .LBB2_9-.Ltmp6, $4  }
0x356: {  	vm7 =	vgt.f32 v26, $1.000000000e+02;
	v12 =	vmul.f32 v12, v17;
	v37 =	vmin.f32 v36, $1.000000000e+02;
	v30 =	vld.idx.msk [tilespmem:v41+s5+$0x0], $0xffff  }
0x357: {  	v17 =	vsel vm3, v7, v28;
	v7 =	vmovc v22;
	v29 =	vld.idx.msk [tilespmem:v29+s5+$0x0], $0xffff;
	v36 =	vmul.f32 $2.499949950e+02, v20;
	v20 =	vadd.f32 $1.000000000e+02, v37  }
0x358: {  	vm4 =	vmmov vm8;
	v22 =	vadd.f32 v12, v23;
	v37 =	vld.idx.msk [tilespmem:v33+s5+$0x0], $0xffff;
	v33 =	vcvt.s32.f32 v42;
	[tilespmem:s28+$0x183D0] =	vst v17  }
0x359: {  	s6 =	sadd.s32 $0x100, s6;
	vm3 =	vmmov vm9;
	v23 =	vtrunc.f32 v36;
	v17 =	vld.idx.msk [tilespmem:v9+s5+$0x0], $0xffff;
	v12 =	vmul.f32 $2.499949950e+02, v20;
	v9 =	vmovc v43  }
0x35a: {  	_ = 	snop  }
0x35b: {  	v20 =	vsub.f32 v35, v33;
	v28 =	vsub.f32 v39, v38;
	_ =	sdelay $0x1  }
0x35c: {  	v23 =	vcvt.f32.s32 v23;
	v20 =	vmul.f32 v20, v28;
	v50 =	vsub.f32 v37, v29;
	_ =	sdelay $0x1  }
0x35d: {  	v51 =	vld [tilespmem:s31+$0x107D0];
	v49 =	vadd.s32 $0x1, v23;
	v20 =	vadd.f32 v20, v38;
	v19 =	vmul.f32 v19, v50  }
0x35e: {  	vm5 =	vgt.f32 v24, $1.000000000e+02  }
0x35f: {  	v20 =	vsel vm5, v24, v20;
	v19 =	vadd.f32 v19, v29  }
0x360: {  	[tilespmem:s31+$0x187B0] =	vst v20  }
0x361: {  	v20 =	vld.idx.msk [tilespmem:v23+s5+$0x0], $0xffff;
	v6 =	vsel vm2, v6, v19  }
0x362: {  	v53 =	vmax.f32 v51, $-1.000000000e+02;
	v52 =	vld.idx.msk [tilespmem:v49+s5+$0x0], $0xffff;
	[tilespmem:s31+$0x183B0] =	vst v6  }
0x363: {  	v28 =	vmin.f32 v53, $1.000000000e+02;
	v10 =	vld.idx.msk [tilespmem:v10+s5+$0x0], $0xffff  }
0x364: {  	v54 =	vadd.f32 $1.000000000e+02, v28;
	v11 =	vld.idx.msk [tilespmem:v11+s5+$0x0], $0xffff  }
0x365: {  	v55 =	vcvt.s32.f32 v23  }
0x366: {  	v19 =	vmul.f32 $2.499949950e+02, v54  }
0x367: {  	v6 =	vsub.f32 v36, v55;
	v56 =	vsub.f32 v52, v20  }
0x368: {  	v57 =	vtrunc.f32 v19  }
0x369: {  	v58 =	vcvt.f32.s32 v57;
	v6 =	vmul.f32 v6, v56;
	v11 =	vsub.f32 v11, v10;
	_ =	sdelay $0x1  }
0x36a: {  	v59 =	vld [tilespmem:s31+$0x107E0];
	v60 =	vadd.s32 $0x1, v58;
	v6 =	vadd.f32 v6, v20;
	v11 =	vmul.f32 v13, v11  }
0x36b: {  	vm15 =	vgt.f32 v27, $1.000000000e+02  }
0x36c: {  	v6 =	vsel vm15, v27, v6;
	v10 =	vadd.f32 v11, v10  }
0x36d: {  	[tilespmem:s31+$0x187C0] =	vst v6  }
0x36e: {  	v6 =	vld.idx.msk [tilespmem:v58+s5+$0x0], $0xffff;
	v8 =	vsel vm4, v8, v10  }
0x36f: {  	v61 =	vmax.f32 v59, $-1.000000000e+02;
	v62 =	vld.idx.msk [tilespmem:v60+s5+$0x0], $0xffff;
	[tilespmem:s31+$0x183C0] =	vst v8  }
0x370: {  	v11 =	vmin.f32 v61, $1.000000000e+02;
	v23 =	vld.idx.msk [tilespmem:v14+s5+$0x0], $0xffff  }
0x371: {  	v63 =	vadd.f32 $1.000000000e+02, v11;
	v27 =	vld.idx.msk [tilespmem:v15+s5+$0x0], $0xffff  }
0x372: {  	v20 =	vcvt.s32.f32 v58  }
0x373: {  	v10 =	vmul.f32 $2.499949950e+02, v63  }
0x374: {  	v8 =	vsub.f32 v19, v20;
	v13 =	vsub.f32 v62, v6  }
0x375: {  	v28 =	vtrunc.f32 v10  }
0x376: {  	v29 =	vcvt.f32.s32 v28;
	v8 =	vmul.f32 v8, v13;
	v14 =	vsub.f32 v27, v23;
	_ =	sdelay $0x1  }
0x377: {  	v33 =	vadd.s32 $0x1, v29;
	v6 =	vadd.f32 v8, v6;
	v14 =	vmul.f32 v16, v14  }
0x378: {  	vm4 =	vgt.f32 v51, $1.000000000e+02  }
0x379: {  	v6 =	vsel vm4, v51, v6;
	v11 =	vadd.f32 v14, v23  }
0x37a: {  	v3 =	vld.idx.msk [tilespmem:v3+s5+$0x0], $0xffff;
	[tilespmem:s31+$0x187D0] =	vst v6  }
0x37b: {  	v6 =	vld.idx.msk [tilespmem:v29+s5+$0x0], $0xffff;
	v7 =	vsel vm3, v7, v11  }
0x37c: {  	v8 =	vld.idx.msk [tilespmem:v33+s5+$0x0], $0xffff;
	[tilespmem:s31+$0x183D0] =	vst v7  }
0x37d: {  	v9 =	vld.idx.msk [tilespmem:v9+s5+$0x0], $0xffff  }
0x37e: {  	v37 =	vld.idx.msk [tilespmem:v34+s5+$0x0], $0xffff  }
0x37f: {  	v3 =	vsub.f32 v3, v17;
	v36 =	vcvt.s32.f32 v29;
	_ =	sdelay $0x1  }
0x380: {  	v3 =	vmul.f32 v4, v3;
	v7 =	vsub.f32 v10, v36;
	v8 =	vsub.f32 v8, v6;
	_ =	sdelay $0x1  }
0x381: {  	s0 =	sadd.s32 $0x1, s7;
	v3 =	vadd.f32 v3, v17;
	v7 =	vmul.f32 v7, v8;
	v39 =	vsub.f32 v37, v9  }
0x382: {  	vm1 =	vmmov vm1;
	s0 =	sand.u32 $0x7, s0  }
0x383: {  	s0 =	sshll.u32 s0, $0xB;
	v1 =	vsel vm1, v1, v3;
	v38 =	vadd.f32 v7, v6;
	v6 =	vmul.f32 v32, v39  }
0x384: {  	s2 =	sadd.s32 s0, s2;
	vm5 =	vgt.f32 v59, $1.000000000e+02;
	[tilespmem:s28+$0x183E0] =	vst v1  }
0x385: {  	vm6 =	vmmov vm6;
	s0 =	sadd.s32 $0x400, s2;
	v1 =	vld [tilespmem:s14+$0x10380];
	v4 =	vsel vm5, v59, v38;
	v3 =	vadd.f32 v6, v9  }
0x386: {  	vm8 =	vmmov vm6;
	s0 =	sor.u32 $0x70, s0;
	[tilespmem:s31+$0x187E0] =	vst v4  }
0x387: {  	v4 =	vld [tilespmem:s0+$0x10380];
	v3 =	vsel vm8, v5, v3  }
0x388: {  	s2 =	sor.u32 $0x70, s2;
	[tilespmem:s31+$0x183E0] =	vst v3  }
0x389: {  	v3 =	vld [tilespmem:s2+$0x10380]  }
0x38a: {  	v42 =	vmax.f32 v1, $-1.000000000e+02  }
0x38b: {  	v7 =	vmin.f32 v42, $1.000000000e+02  }
0x38c: {  	v7 =	vadd.f32 $1.000000000e+02, v7;
	v40 =	vmax.f32 v4, $-1.000000000e+02  }
0x38d: {  	v41 =	vtrunc.f32 v12;
	v5 =	vmin.f32 v40, $1.000000000e+02  }
0x38e: {  	v7 =	vmul.f32 $2.499949950e+02, v7;
	v5 =	vadd.f32 $1.000000000e+02, v5;
	v43 =	vmax.f32 v3, $-1.000000000e+02  }
0x38f: {  	v6 =	vcvt.f32.s32 v41;
	v8 =	vmin.f32 v43, $1.000000000e+02  }
0x390: {  	v46 =	vtrunc.f32 v7;
	v5 =	vmul.f32 $2.499949950e+02, v5;
	v8 =	vadd.f32 $1.000000000e+02, v8  }
0x391: {  	v44 =	vadd.s32 $0x1, v6;
	v11 =	vcvt.f32.s32 v46  }
0x392: {  	v45 =	vtrunc.f32 v5;
	v8 =	vmul.f32 $2.499949950e+02, v8  }
0x393: {  	v49 =	vadd.s32 $0x1, v11;
	v10 =	vcvt.f32.s32 v45  }
0x394: {  	v48 =	vtrunc.f32 v8  }
0x395: {  	v50 =	vld.idx.msk [tilespmem:v6+s5+$0x0], $0xffff;
	v47 =	vadd.s32 $0x1, v10;
	v14 =	vcvt.f32.s32 v48  }
0x396: {  	v9 =	vld.idx.msk [tilespmem:v44+s5+$0x0], $0xffff  }
0x397: {  	v52 =	vcvt.s32.f32 v31;
	v55 =	vld.idx.msk [tilespmem:v11+s5+$0x0], $0xffff;
	v51 =	vadd.s32 $0x1, v14  }
0x398: {  	v15 =	vld.idx.msk [tilespmem:v49+s5+$0x0], $0xffff  }
0x399: {  	v54 =	vsub.f32 v30, v21;
	v19 =	vsub.f32 v25, v52;
	v53 =	vld.idx.msk [tilespmem:v10+s5+$0x0], $0xffff  }
0x39a: {  	v13 =	vld.idx.msk [tilespmem:v47+s5+$0x0], $0xffff  }
0x39b: {  	v2 =	vsel vm0, v2, v22;
	v19 =	vmul.f32 v19, v54;
	v56 =	vld.idx.msk [tilespmem:v14+s5+$0x0], $0xffff  }
0x39c: {  	vm9 =	vmmov vm7;
	vm10 =	vgt.f32 v18, $1.000000000e+02;
	v6 =	vcvt.s32.f32 v6;
	v17 =	vld.idx.msk [tilespmem:v51+s5+$0x0], $0xffff  }
0x39d: {  	vm11 =	vgt.f32 v1, $1.000000000e+02;
	v19 =	vadd.f32 v19, v21;
	v11 =	vcvt.s32.f32 v11  }
0x39e: {  	v6 =	vsub.f32 v12, v6;
	v9 =	vsub.f32 v9, v50;
	v10 =	vcvt.s32.f32 v10  }
0x39f: {  	v7 =	vsub.f32 v7, v11;
	v59 =	vsub.f32 v15, v55;
	v58 =	vcvt.s32.f32 v14  }
0x3a0: {  	v6 =	vmul.f32 v6, v9;
	v5 =	vsub.f32 v5, v10;
	v57 =	vsub.f32 v13, v53  }
0x3a1: {  	v7 =	vmul.f32 v7, v59;
	v8 =	vsub.f32 v8, v58;
	v60 =	vsub.f32 v17, v56  }
0x3a2: {  	vm12 =	vmmov vm11;
	v6 =	vadd.f32 v6, v50;
	v5 =	vmul.f32 v5, v57  }
0x3a3: {  	[tilespmem:s29+$0x18380] =	vst v2;
	v61 =	vsel vm10, v18, v19;
	v7 =	vadd.f32 v7, v55;
	v62 =	vmul.f32 v8, v60  }
0x3a4: {  	p0 =	seq.s32 s24, $0x1F;
	[tilespmem:s13+$0x18380] =	vst v61;
	vm13 =	vgt.f32 v4, $1.000000000e+02;
	v2 =	vsel vm9, v26, v6;
	v5 =	vadd.f32 v5, v53  }
.Ltmp7:
0x3a5: {  	vm14 =	vgt.f32 v3, $1.000000000e+02;
	[tilespmem:s3+$0x18380] =	vst v2;
	v1 =	vsel vm12, v1, v7;
	v63 =	vadd.f32 v62, v56;
	(pc) =	sbr.rel @p0 .LBB2_12-.Ltmp7, $4  }
0x3a6: {  	vm15 =	vmmov vm14;
	[tilespmem:s14+$0x18380] =	vst v1;
	v2 =	vsel vm13, v4, v5  }
0x3a7: {  	[tilespmem:s0+$0x18380] =	vst v2;
	v1 =	vsel vm15, v3, v63  }
0x3a8: {  	s31 =	sadd.s32 s26, s11;
	[tilespmem:s2+$0x18380] =	vst v1  }
0x3a9: {  	[hbm4b:s31+s5] =	stream.linear.scatter [tilespmem:s21], [sflag:$0x4], $0x4000, $0x38;
	[tilespmem:$0x1C380] =	vst v63  }
.Ltmp8:
0x3aa: {  	(pc) =	sbr.rel .LBB2_2-.Ltmp8, $4  }
0x3ab: {  	s0 =	sadd.s32 s25, s12  }
0x3ac: {  	s0 =	sshll.u32 s0, $0xB  }
0x3ad: {  	s24 =	sadd.s32 $0x1, s24;
	s0 =	sadd.s32 s1, s0  }
0x3ae: {  	[tilespmem:s16], [sflag:$0x2] =	stream.linear.gather [hbm4b:s0+s5], $0x4000, $0x38;
	[tilespmem:$0x1C380] =	vst v63  }
.LBB2_13:
0x3af: {  	_ =	sfence.sel $0x180000  }
0x3b0: {  	[bflag:$0x0] =	sbarrier.arrive $0xFFFF  }
0x3b1: {  	_ =	strace $0x90000047  }
0x3b2: {  	s0 =	stileid.u32;
	[bflag:$0x2] =	sbarrier.arrive $0xFFFF  }
0x3b3: {  	p0 =	sne.s32 s0, $0x0;
	s0 =	rddreg [dreg:$0x3]  }
0x3b4: {  	s0 =	sadd.s32 @!p0 $0x100000, s0  }
0x3b5: {  	[sflag:s0] =	ssyncadd.tile.s32 @!p0 $0x1;
	_ =	shalt  }
.Lfunc_end2:
_tile_overlayer_lowered:
.L_overlay_start_2:
0x3b6: {  	(tag) =	ssettag $0x2  }
0x3b7: {  	s0 =	rddreg [dreg:$0x0];
	s2 =	stileid.u32  }
0x3b8: {  	s1 =	rddreg [dreg:$0x1];
	p0 =	sne.s32 s2, $0x0  }
0x3b9: {  	s3 =	rddreg [dreg:$0x2];
	[bflag:$0x3] =	sbarrier.arrive $0xFFFF;
	s2 =	simm.s32 @!p0 $0x1C05  }
0x3ba: {  	[timem:s3], [sflag:s2] =	dma.local @!p0 [hbm:s0], s1  }
0x3bb: {  	s0 =	simm.s32 @!p0 $0x5  }
0x3bc: {  	_ =	swait.ge @!p0 [sflag:s0], s1  }
0x3bd: {  	s1 =	ssub.s32 @!p0 $0x0, s1;
	[sflag:s0] =	ssyncset.done @!p0 $0x0  }
0x3be: {  	[sflag:s0] =	ssyncadd.s32 @!p0 s1  }
0x3bf: {  	[bflag:$0x3] =	sbarrier.arrive $0xFFFF  }
0x3c0: {  	_ =	shalt  }

</sc_bundles>
